<compile_context>
chip_gen: v7x
topology: tpu7x:2x2x1
jax: 0.10.2.dev20260603
libtpu: 0.0.44.dev20260713+nightly
codegen_flags: <defaults>
</compile_context>

<pallas_src>
import functools

import jax
import jax.numpy as jnp
from jax import lax
from jax.experimental import pallas as pl
from jax.experimental.pallas import tpu as pltpu
from jax.experimental.pallas import tpu_sc as plsc

NC = 2
NS = 16
LANES = 16

K = 120
DEG_W = 16


def _mo8(v):
  return pl.multiple_of(v, 8)


def _chunk_plan(total, step):
  full, rem = divmod(total, step)
  plan = [(z * step, step) for z in range(full)]
  if rem:
    plan.append((full * step, rem))
  return plan


def _fill_f32(ref, rows, value):
  ncols = ref.shape[1]
  vec = jnp.full((LANES,), value, jnp.float32)

  def body(i, _):
    for j in range(ncols // LANES):
      ref[i, pl.ds(j * LANES, LANES)] = vec
    return 0

  lax.fori_loop(0, rows, body, 0)


def _deg_body(dst_hbm, out_hbm, idx_v, vals_v, deg_acc, sem, *, e_pad, n_acc):
  c = lax.axis_index("c")
  s = lax.axis_index("s")
  wid = c * NS + s

  rows_per_tile = n_acc // NS
  r0 = s * rows_per_tile
  _fill_f32(vals_v, K, 0.0)
  for z0, zn in _chunk_plan(rows_per_tile, K):
    pltpu.sync_copy(vals_v.at[pl.ds(0, zn)], deg_acc.at[pl.ds(_mo8(r0 + z0), zn)])
  _fill_f32(vals_v, K, 1.0)
  plsc.subcore_barrier()

  edges_per_worker = e_pad // (NC * NS)
  nchunks = edges_per_worker // K
  base = wid * edges_per_worker

  def chunk(i, _):
    pltpu.sync_copy(dst_hbm.at[pl.ds(_mo8(base + i * K), K)], idx_v)
    pltpu.sync_copy(vals_v, deg_acc.at[idx_v], add=True)
    return 0

  lax.fori_loop(0, nchunks, chunk, 0)
  plsc.subcore_barrier()

  for z0, zn in _chunk_plan(rows_per_tile, K):
    pltpu.sync_copy(deg_acc.at[pl.ds(_mo8(r0 + z0), zn)],
                    out_hbm.at[c, pl.ds(_mo8(r0 + z0), zn)])


def _agg_body(y_hbm, src_hbm, dst_hbm, out_hbm, src_v, dst_v, rows_v, acc,
              sem, *, e_pad, n_acc, d, t_per_core):
  c = lax.axis_index("c")
  s = lax.axis_index("s")

  rows_per_tile = n_acc // NS
  edges_per_tile = e_pad // NS
  nchunks = edges_per_tile // K
  ebase = s * edges_per_tile

  src_v = tuple(src_v)
  dst_v = tuple(dst_v)
  rows_v = tuple(rows_v)

  def sync_idx(t_idx, i, slot):
    e1 = t_idx * e_pad + ebase + i * K
    pltpu.sync_copy(src_hbm.at[pl.ds(_mo8(e1), K)], src_v[slot])
    pltpu.sync_copy(dst_hbm.at[pl.ds(_mo8(ebase + i * K), K)], dst_v[slot])

  for tt in range(t_per_core):
    t_idx = c * t_per_core + tt
    _fill_f32(rows_v[0], K, 0.0)
    r0 = s * rows_per_tile
    for z0, zn in _chunk_plan(rows_per_tile, K):
      pltpu.sync_copy(rows_v[0].at[pl.ds(0, zn)], acc.at[pl.ds(_mo8(r0 + z0), zn)])
    plsc.subcore_barrier()

    def do_chunk(i, slot, first, has_next):
      nxt = (slot + 1) % 3
      nx2 = (slot + 2) % 3
      if has_next:
        sync_idx(t_idx, i + 1, nxt)
      pltpu.make_async_copy(y_hbm.at[src_v[slot]], rows_v[slot],
                            sem).wait()
      if has_next:
        pltpu.async_copy(y_hbm.at[src_v[nxt]], rows_v[nxt], sem)
      pltpu.sync_copy(rows_v[slot], acc.at[dst_v[slot]], add=True)

    sync_idx(t_idx, 0, 0)
    pltpu.async_copy(y_hbm.at[src_v[0]], rows_v[0], sem)

    do_chunk(0, 0, True, True)
    do_chunk(1, 1, False, True)
    do_chunk(2, 2, False, True)

    def outer(iu, _):
      i = iu * 3
      do_chunk(i, 0, False, True)
      do_chunk(i + 1, 1, False, True)
      do_chunk(i + 2, 2, False, True)
      return 0

    lax.fori_loop(1, nchunks // 3 - 1, outer, 0)
    i = nchunks - 3
    do_chunk(i, 0, False, True)
    do_chunk(i + 1, 1, False, True)
    do_chunk(i + 2, 2, False, False)
    plsc.subcore_barrier()

    for z0, zn in _chunk_plan(rows_per_tile, K):
      pltpu.sync_copy(acc.at[pl.ds(_mo8(r0 + z0), zn)],
                      out_hbm.at[t_idx, pl.ds(_mo8(r0 + z0), zn)])
    plsc.subcore_barrier()


def _matmul_body(x_ref, w_ref, degp_ref, y_ref, dinv_ref):
  dinv = lax.rsqrt(degp_ref[0, :, 0:1] + degp_ref[1, :, 0:1] + 1.0)
  dinv_ref[0] = dinv
  xw = jnp.dot(x_ref[0], w_ref[...], preferred_element_type=jnp.float32)
  y_ref[0] = xw * dinv


def _epilogue_body(agg_ref, y_ref, dinv_ref, b_ref, out_ref):
  out_ref[0] = dinv_ref[0] * (agg_ref[0] + y_ref[0]) + b_ref[...]


def kernel(x, edge_index, W, b):
  n, d, t_window = x.shape
  e = edge_index.shape[1]
  t_per_core = t_window // NC

  unit = NC * NS * K * 3
  e_pad = ((e + unit - 1) // unit) * unit
  n_acc = ((n + NS * 8) // (NS * 8)) * (NS * 8)
  pad = e_pad - e
  src = jnp.concatenate([edge_index[0], jnp.zeros((pad,), jnp.int32)])
  dst = jnp.concatenate([edge_index[1], jnp.full((pad,), n, jnp.int32)])
  src_adj = (src[None, :]
             + (jnp.arange(t_window, dtype=jnp.int32) * n)[:, None]).reshape(-1)

  mesh = plsc.VectorSubcoreMesh(core_axis_name="c", subcore_axis_name="s")

  deg_kernel = pl.kernel(
      functools.partial(_deg_body, e_pad=e_pad, n_acc=n_acc),
      out_type=jax.ShapeDtypeStruct((NC, n_acc, DEG_W), jnp.float32),
      mesh=mesh,
      scratch_types=[
          pltpu.VMEM((K,), jnp.int32),
          pltpu.VMEM((K, DEG_W), jnp.float32),
          pltpu.VMEM_SHARED((n_acc, DEG_W), jnp.float32),
          pltpu.SemaphoreType.DMA,
      ],
  )
  deg_parts = deg_kernel(dst)

  xt = x.transpose(2, 0, 1).reshape(t_window * n, d)
  bn = 400
  nb = n // bn
  y3d, dinv = pl.pallas_call(
      _matmul_body,
      grid=(t_window, nb),
      in_specs=[
          pl.BlockSpec((1, bn, d), lambda t, i: (t, i, 0)),
          pl.BlockSpec((d, d), lambda t, i: (0, 0)),
          pl.BlockSpec((NC, bn, DEG_W), lambda t, i: (0, i, 0)),
      ],
      out_specs=[
          pl.BlockSpec((1, bn, d), lambda t, i: (t, i, 0)),
          pl.BlockSpec((1, bn, 1), lambda t, i: (t, i, 0)),
      ],
      out_shape=[
          jax.ShapeDtypeStruct((t_window, n, d), jnp.float32),
          jax.ShapeDtypeStruct((t_window, n, 1), jnp.float32),
      ],
  )(xt.reshape(t_window, n, d), W, deg_parts)
  y_flat = y3d.reshape(t_window * n, d)

  agg_kernel = pl.kernel(
      functools.partial(_agg_body, e_pad=e_pad, n_acc=n_acc, d=d,
                        t_per_core=t_per_core),
      out_type=jax.ShapeDtypeStruct((t_window, n_acc, d), jnp.float32),
      mesh=mesh,
      scratch_types=[
          [pltpu.VMEM((K,), jnp.int32) for _ in range(3)],
          [pltpu.VMEM((K,), jnp.int32) for _ in range(3)],
          [pltpu.VMEM((K, d), jnp.float32) for _ in range(3)],
          pltpu.VMEM_SHARED((n_acc, d), jnp.float32),
          pltpu.SemaphoreType.DMA,
      ],
  )
  agg = agg_kernel(y_flat, src_adj, dst)

  out = pl.pallas_call(
      _epilogue_body,
      grid=(t_window, nb),
      in_specs=[
          pl.BlockSpec((1, bn, d), lambda t, i: (t, i, 0)),
          pl.BlockSpec((1, bn, d), lambda t, i: (t, i, 0)),
          pl.BlockSpec((1, bn, 1), lambda t, i: (t, i, 0)),
          pl.BlockSpec((1, d), lambda t, i: (0, 0)),
      ],
      out_specs=pl.BlockSpec((1, bn, d), lambda t, i: (t, i, 0)),
      out_shape=jax.ShapeDtypeStruct((t_window, n, d), jnp.float32),
  )(agg, y3d, dinv, b.reshape(1, d))
  return out.transpose(1, 2, 0)

# --- scband reference (transcript-rebuilt; emitter-appended) ---
"""Pipeline reference for scband-tf-layer-69148973465948 (READ-ONLY COPY).

The authoritative reference and input builder live on the scoring server;
editing this copy changes nothing except your own understanding.
"""

import jax, jax.numpy as jnp
import numpy as np

N = 10000
D = 128
T = 4
E = 320000


def setup_inputs(seed: int = 0) -> dict:
    key = jax.random.key(seed)
    k1, k2, k3, k4 = jax.random.split(key, 4)
    x = jax.random.normal(k1, (N, D, T), dtype=jnp.float32)
    edge_index = jax.random.randint(k2, (2, E), 0, N, dtype=jnp.int32)
    W = jax.random.normal(k3, (D, D), dtype=jnp.float32) * (1.0 / np.sqrt(D))
    b = jax.random.normal(k4, (D,), dtype=jnp.float32) * 0.01
    return {"x": x, "edge_index": edge_index, "W": W, "b": b}


def _gcn_step(x_t, src, dst, norm, W, b):
    # GCNConv: symmetric-normalized aggregation of linearly transformed features
    xw = x_t @ W                              # [N, D]
    msgs = xw[src] * norm[:, None]            # gather (SparseCore)
    out = jnp.zeros_like(xw).at[dst].add(msgs)  # scatter-add (SparseCore)
    return out + b


def reference(x, edge_index, W, b):
    n = x.shape[0]
    t_window = x.shape[-1]
    # add self loops like torch_geometric GCNConv
    loops = jnp.arange(n, dtype=edge_index.dtype)
    src = jnp.concatenate([edge_index[0], loops])
    dst = jnp.concatenate([edge_index[1], loops])
    deg = jnp.zeros((n,), jnp.float32).at[dst].add(1.0)
    dinv = 1.0 / jnp.sqrt(jnp.clip(deg, 1.0))
    norm = dinv[src] * dinv[dst]
    # TF_Layer: apply the graph conv independently per time step, stack on last axis
    outs = [_gcn_step(x[..., t], src, dst, norm, W, b) for t in range(t_window)]
    return jnp.stack(outs, axis=-1)  # [N, D, T]

if __name__ == "__main__":
    import jax
    _d = setup_inputs()
    print(jax.jit(kernel)(*tuple(_d.values())))

</pallas_src>

<mosaic_0001>
#map = affine_map<(d0, d1) -> (0)>
#map1 = affine_map<(d0, d1) -> (0, 0, 0)>
module attributes {stable_mosaic.version = 14 : i64} {
  func.func @_deg_body(%arg0: i32, %arg1: i32, %arg2: memref<322560xi32, #tpu.memory_space<hbm>>, %arg3: memref<2x10112x16xf32, #tpu.memory_space<hbm>>, %arg4: memref<120xi32, #tpu.memory_space<vmem>>, %arg5: memref<120x16xf32, #tpu.memory_space<vmem>>, %arg6: memref<10112x16xf32, #tpu.memory_space<vmem_shared>>, %arg7: memref<!tpu.dma_semaphore, #tpu.memory_space<semaphore_mem>>) attributes {dimension_semantics = [#tpu.dimension_semantics<core_parallel>, #tpu.dimension_semantics<subcore_parallel>], iteration_bounds = array<i64: 2, 16>, scalar_prefetch = 0 : i64, scratch_operands = 4 : i64, tpu.core_type = #tpu.core_type<sc_vector_subcore>, window_params = [{transform_indices = #map}, {transform_indices = #map1}]} {
    %mul3A = arith.constant 16 : i32
    %mul3A_0 = arith.muli %arg0, %mul3A : i32
    %add3A = arith.addi %mul3A_0, %arg1 : i32
    %mul3A_1 = arith.constant 632 : i32
    %mul3A_2 = arith.muli %arg1, %mul3A_1 : i32
    %broadcast_in_dim3A = arith.constant 0.000000e+00 : f32
    %broadcast_in_dim3A_3 = vector.broadcast %broadcast_in_dim3A : f32 to vector<16xf32>
    %scan3A = arith.constant 0 : i32
    %scan3A_4 = arith.constant 0 : i32
    %scan3A_5 = arith.constant 120 : i32
    %scan3A_6 = arith.addi %scan3A_4, %scan3A_5 : i32
    %scan3A_7 = arith.constant 1 : i32
    %scan3A_8 = scf.for %scan3A_82 = %scan3A_4 to %scan3A_6 step %scan3A_7 iter_args(%scan3A_83 = %scan3A) -> (i32)  : i32 {
      %swap3A = arith.index_cast %scan3A_82 : i32 to index
      %swap3A_84 = arith.constant 0 : index
      %swap3A_85 = tpu.vector_load %arg5[%swap3A, %swap3A_84] {strides = array<i32>} : memref<120x16xf32, #tpu.memory_space<vmem>>, vector<1x16xf32>,
      %swap3A_86 = vector.shape_cast %swap3A_85 : vector<1x16xf32> to vector<16xf32>
      %swap3A_87 = vector.shape_cast %broadcast_in_dim3A_3 : vector<16xf32> to vector<1x16xf32>
      tpu.vector_store %arg5[%swap3A, %swap3A_84], %swap3A_87 {strides = array<i32>} : memref<120x16xf32, #tpu.memory_space<vmem>>, vector<1x16xf32>,
      %scan3A_88 = arith.constant 0 : i32
      scf.yield %scan3A_88 : i32
    }
    %scan3A_9 = arith.constant 120 : i32
    %add3A_10 = arith.constant 0 : i32
    %add3A_11 = arith.addi %mul3A_2, %add3A_10 : i32
    %multiple_of3A = tpu.assume_multiple %add3A_11, 8 : i32
    "tpu.region"() ({
      %run_scoped3A = tpu.sem_alloc : memref<!tpu.dma_semaphore, #tpu.memory_space<semaphore_mem>>
      %dma_start3A = arith.constant 0 : i32
      %dma_start3A_82 = arith.constant 0 : i32
      %dma_start3A_83 = tpu.memref_slice %arg5[%dma_start3A, %dma_start3A_82] : memref<120x16xf32, #tpu.memory_space<vmem>> -> memref<120x16xf32, #tpu.memory_space<vmem>>
      %dma_start3A_84 = arith.constant 0 : i32
      %dma_start3A_85 = tpu.memref_slice %arg6[%multiple_of3A, %dma_start3A_84] : memref<10112x16xf32, #tpu.memory_space<vmem_shared>> -> memref<120x16xf32, #tpu.memory_space<vmem_shared>>
      %dma_start3A_86 = arith.constant 0 : i32
      %dma_start3A_87 = tpu.memref_slice %arg6[%multiple_of3A, %dma_start3A_86] : memref<10112x16xf32, #tpu.memory_space<vmem_shared>> -> memref<120x16xf32, #tpu.memory_space<vmem_shared>>
      %dma_start3A_88 = arith.constant 0 : i32
      %dma_start3A_89 = arith.constant 0 : i32
      %dma_start3A_90 = tpu.memref_slice %arg5[%dma_start3A_88, %dma_start3A_89] : memref<120x16xf32, #tpu.memory_space<vmem>> -> memref<120x16xf32, #tpu.memory_space<vmem>>
      tpu.enqueue_dma source(%dma_start3A_90 : memref<120x16xf32, #tpu.memory_space<vmem>>) target(%dma_start3A_87 : memref<120x16xf32, #tpu.memory_space<vmem_shared>>) target_semaphore(%run_scoped3A : memref<!tpu.dma_semaphore, #tpu.memory_space<semaphore_mem>>)
      %dma_wait3A = arith.constant 0 : i32
      %dma_wait3A_91 = arith.constant 0 : i32
      %dma_wait3A_92 = tpu.memref_slice %arg5[%dma_wait3A, %dma_wait3A_91] : memref<120x16xf32, #tpu.memory_space<vmem>> -> memref<120x16xf32, #tpu.memory_space<vmem>>
      %dma_wait3A_93 = arith.constant 0 : i32
      %dma_wait3A_94 = tpu.memref_slice %arg6[%multiple_of3A, %dma_wait3A_93] : memref<10112x16xf32, #tpu.memory_space<vmem_shared>> -> memref<120x16xf32, #tpu.memory_space<vmem_shared>>
      %dma_wait3A_95 = arith.constant 0 : i32
      %dma_wait3A_96 = tpu.memref_slice %arg6[%multiple_of3A, %dma_wait3A_95] : memref<10112x16xf32, #tpu.memory_space<vmem_shared>> -> memref<120x16xf32, #tpu.memory_space<vmem_shared>>
      %dma_wait3A_97 = arith.constant 0 : i32
      %dma_wait3A_98 = arith.constant 0 : i32
      %dma_wait3A_99 = tpu.memref_slice %arg5[%dma_wait3A_97, %dma_wait3A_98] : memref<120x16xf32, #tpu.memory_space<vmem>> -> memref<120x16xf32, #tpu.memory_space<vmem>>
      tpu.wait_dma2 semaphore(%run_scoped3A : memref<!tpu.dma_semaphore, #tpu.memory_space<semaphore_mem>>) src(%dma_wait3A_99 : memref<120x16xf32, #tpu.memory_space<vmem>>) dst(%dma_wait3A_96 : memref<120x16xf32, #tpu.memory_space<vmem_shared>>)
      tpu.yield
    }) : () -> ()
    %add3A_12 = arith.constant 120 : i32
    %add3A_13 = arith.addi %mul3A_2, %add3A_12 : i32
    %multiple_of3A_14 = tpu.assume_multiple %add3A_13, 8 : i32
    "tpu.region"() ({
      %run_scoped3A = tpu.sem_alloc : memref<!tpu.dma_semaphore, #tpu.memory_space<semaphore_mem>>
      %dma_start3A = arith.constant 0 : i32
      %dma_start3A_82 = arith.constant 0 : i32
      %dma_start3A_83 = tpu.memref_slice %arg5[%dma_start3A, %dma_start3A_82] : memref<120x16xf32, #tpu.memory_space<vmem>> -> memref<120x16xf32, #tpu.memory_space<vmem>>
      %dma_start3A_84 = arith.constant 0 : i32
      %dma_start3A_85 = tpu.memref_slice %arg6[%multiple_of3A_14, %dma_start3A_84] : memref<10112x16xf32, #tpu.memory_space<vmem_shared>> -> memref<120x16xf32, #tpu.memory_space<vmem_shared>>
      %dma_start3A_86 = arith.constant 0 : i32
      %dma_start3A_87 = tpu.memref_slice %arg6[%multiple_of3A_14, %dma_start3A_86] : memref<10112x16xf32, #tpu.memory_space<vmem_shared>> -> memref<120x16xf32, #tpu.memory_space<vmem_shared>>
      %dma_start3A_88 = arith.constant 0 : i32
      %dma_start3A_89 = arith.constant 0 : i32
      %dma_start3A_90 = tpu.memref_slice %arg5[%dma_start3A_88, %dma_start3A_89] : memref<120x16xf32, #tpu.memory_space<vmem>> -> memref<120x16xf32, #tpu.memory_space<vmem>>
      tpu.enqueue_dma source(%dma_start3A_90 : memref<120x16xf32, #tpu.memory_space<vmem>>) target(%dma_start3A_87 : memref<120x16xf32, #tpu.memory_space<vmem_shared>>) target_semaphore(%run_scoped3A : memref<!tpu.dma_semaphore, #tpu.memory_space<semaphore_mem>>)
      %dma_wait3A = arith.constant 0 : i32
      %dma_wait3A_91 = arith.constant 0 : i32
      %dma_wait3A_92 = tpu.memref_slice %arg5[%dma_wait3A, %dma_wait3A_91] : memref<120x16xf32, #tpu.memory_space<vmem>> -> memref<120x16xf32, #tpu.memory_space<vmem>>
      %dma_wait3A_93 = arith.constant 0 : i32
      %dma_wait3A_94 = tpu.memref_slice %arg6[%multiple_of3A_14, %dma_wait3A_93] : memref<10112x16xf32, #tpu.memory_space<vmem_shared>> -> memref<120x16xf32, #tpu.memory_space<vmem_shared>>
      %dma_wait3A_95 = arith.constant 0 : i32
      %dma_wait3A_96 = tpu.memref_slice %arg6[%multiple_of3A_14, %dma_wait3A_95] : memref<10112x16xf32, #tpu.memory_space<vmem_shared>> -> memref<120x16xf32, #tpu.memory_space<vmem_shared>>
      %dma_wait3A_97 = arith.constant 0 : i32
      %dma_wait3A_98 = arith.constant 0 : i32
      %dma_wait3A_99 = tpu.memref_slice %arg5[%dma_wait3A_97, %dma_wait3A_98] : memref<120x16xf32, #tpu.memory_space<vmem>> -> memref<120x16xf32, #tpu.memory_space<vmem>>
      tpu.wait_dma2 semaphore(%run_scoped3A : memref<!tpu.dma_semaphore, #tpu.memory_space<semaphore_mem>>) src(%dma_wait3A_99 : memref<120x16xf32, #tpu.memory_space<vmem>>) dst(%dma_wait3A_96 : memref<120x16xf32, #tpu.memory_space<vmem_shared>>)
      tpu.yield
    }) : () -> ()
    %add3A_15 = arith.constant 240 : i32
    %add3A_16 = arith.addi %mul3A_2, %add3A_15 : i32
    %multiple_of3A_17 = tpu.assume_multiple %add3A_16, 8 : i32
    "tpu.region"() ({
      %run_scoped3A = tpu.sem_alloc : memref<!tpu.dma_semaphore, #tpu.memory_space<semaphore_mem>>
      %dma_start3A = arith.constant 0 : i32
      %dma_start3A_82 = arith.constant 0 : i32
      %dma_start3A_83 = tpu.memref_slice %arg5[%dma_start3A, %dma_start3A_82] : memref<120x16xf32, #tpu.memory_space<vmem>> -> memref<120x16xf32, #tpu.memory_space<vmem>>
      %dma_start3A_84 = arith.constant 0 : i32
      %dma_start3A_85 = tpu.memref_slice %arg6[%multiple_of3A_17, %dma_start3A_84] : memref<10112x16xf32, #tpu.memory_space<vmem_shared>> -> memref<120x16xf32, #tpu.memory_space<vmem_shared>>
      %dma_start3A_86 = arith.constant 0 : i32
      %dma_start3A_87 = tpu.memref_slice %arg6[%multiple_of3A_17, %dma_start3A_86] : memref<10112x16xf32, #tpu.memory_space<vmem_shared>> -> memref<120x16xf32, #tpu.memory_space<vmem_shared>>
      %dma_start3A_88 = arith.constant 0 : i32
      %dma_start3A_89 = arith.constant 0 : i32
      %dma_start3A_90 = tpu.memref_slice %arg5[%dma_start3A_88, %dma_start3A_89] : memref<120x16xf32, #tpu.memory_space<vmem>> -> memref<120x16xf32, #tpu.memory_space<vmem>>
      tpu.enqueue_dma source(%dma_start3A_90 : memref<120x16xf32, #tpu.memory_space<vmem>>) target(%dma_start3A_87 : memref<120x16xf32, #tpu.memory_space<vmem_shared>>) target_semaphore(%run_scoped3A : memref<!tpu.dma_semaphore, #tpu.memory_space<semaphore_mem>>)
      %dma_wait3A = arith.constant 0 : i32
      %dma_wait3A_91 = arith.constant 0 : i32
      %dma_wait3A_92 = tpu.memref_slice %arg5[%dma_wait3A, %dma_wait3A_91] : memref<120x16xf32, #tpu.memory_space<vmem>> -> memref<120x16xf32, #tpu.memory_space<vmem>>
      %dma_wait3A_93 = arith.constant 0 : i32
      %dma_wait3A_94 = tpu.memref_slice %arg6[%multiple_of3A_17, %dma_wait3A_93] : memref<10112x16xf32, #tpu.memory_space<vmem_shared>> -> memref<120x16xf32, #tpu.memory_space<vmem_shared>>
      %dma_wait3A_95 = arith.constant 0 : i32
      %dma_wait3A_96 = tpu.memref_slice %arg6[%multiple_of3A_17, %dma_wait3A_95] : memref<10112x16xf32, #tpu.memory_space<vmem_shared>> -> memref<120x16xf32, #tpu.memory_space<vmem_shared>>
      %dma_wait3A_97 = arith.constant 0 : i32
      %dma_wait3A_98 = arith.constant 0 : i32
      %dma_wait3A_99 = tpu.memref_slice %arg5[%dma_wait3A_97, %dma_wait3A_98] : memref<120x16xf32, #tpu.memory_space<vmem>> -> memref<120x16xf32, #tpu.memory_space<vmem>>
      tpu.wait_dma2 semaphore(%run_scoped3A : memref<!tpu.dma_semaphore, #tpu.memory_space<semaphore_mem>>) src(%dma_wait3A_99 : memref<120x16xf32, #tpu.memory_space<vmem>>) dst(%dma_wait3A_96 : memref<120x16xf32, #tpu.memory_space<vmem_shared>>)
      tpu.yield
    }) : () -> ()
    %add3A_18 = arith.constant 360 : i32
    %add3A_19 = arith.addi %mul3A_2, %add3A_18 : i32
    %multiple_of3A_20 = tpu.assume_multiple %add3A_19, 8 : i32
    "tpu.region"() ({
      %run_scoped3A = tpu.sem_alloc : memref<!tpu.dma_semaphore, #tpu.memory_space<semaphore_mem>>
      %dma_start3A = arith.constant 0 : i32
      %dma_start3A_82 = arith.constant 0 : i32
      %dma_start3A_83 = tpu.memref_slice %arg5[%dma_start3A, %dma_start3A_82] : memref<120x16xf32, #tpu.memory_space<vmem>> -> memref<120x16xf32, #tpu.memory_space<vmem>>
      %dma_start3A_84 = arith.constant 0 : i32
      %dma_start3A_85 = tpu.memref_slice %arg6[%multiple_of3A_20, %dma_start3A_84] : memref<10112x16xf32, #tpu.memory_space<vmem_shared>> -> memref<120x16xf32, #tpu.memory_space<vmem_shared>>
      %dma_start3A_86 = arith.constant 0 : i32
      %dma_start3A_87 = tpu.memref_slice %arg6[%multiple_of3A_20, %dma_start3A_86] : memref<10112x16xf32, #tpu.memory_space<vmem_shared>> -> memref<120x16xf32, #tpu.memory_space<vmem_shared>>
      %dma_start3A_88 = arith.constant 0 : i32
      %dma_start3A_89 = arith.constant 0 : i32
      %dma_start3A_90 = tpu.memref_slice %arg5[%dma_start3A_88, %dma_start3A_89] : memref<120x16xf32, #tpu.memory_space<vmem>> -> memref<120x16xf32, #tpu.memory_space<vmem>>
      tpu.enqueue_dma source(%dma_start3A_90 : memref<120x16xf32, #tpu.memory_space<vmem>>) target(%dma_start3A_87 : memref<120x16xf32, #tpu.memory_space<vmem_shared>>) target_semaphore(%run_scoped3A : memref<!tpu.dma_semaphore, #tpu.memory_space<semaphore_mem>>)
      %dma_wait3A = arith.constant 0 : i32
      %dma_wait3A_91 = arith.constant 0 : i32
      %dma_wait3A_92 = tpu.memref_slice %arg5[%dma_wait3A, %dma_wait3A_91] : memref<120x16xf32, #tpu.memory_space<vmem>> -> memref<120x16xf32, #tpu.memory_space<vmem>>
      %dma_wait3A_93 = arith.constant 0 : i32
      %dma_wait3A_94 = tpu.memref_slice %arg6[%multiple_of3A_20, %dma_wait3A_93] : memref<10112x16xf32, #tpu.memory_space<vmem_shared>> -> memref<120x16xf32, #tpu.memory_space<vmem_shared>>
      %dma_wait3A_95 = arith.constant 0 : i32
      %dma_wait3A_96 = tpu.memref_slice %arg6[%multiple_of3A_20, %dma_wait3A_95] : memref<10112x16xf32, #tpu.memory_space<vmem_shared>> -> memref<120x16xf32, #tpu.memory_space<vmem_shared>>
      %dma_wait3A_97 = arith.constant 0 : i32
      %dma_wait3A_98 = arith.constant 0 : i32
      %dma_wait3A_99 = tpu.memref_slice %arg5[%dma_wait3A_97, %dma_wait3A_98] : memref<120x16xf32, #tpu.memory_space<vmem>> -> memref<120x16xf32, #tpu.memory_space<vmem>>
      tpu.wait_dma2 semaphore(%run_scoped3A : memref<!tpu.dma_semaphore, #tpu.memory_space<semaphore_mem>>) src(%dma_wait3A_99 : memref<120x16xf32, #tpu.memory_space<vmem>>) dst(%dma_wait3A_96 : memref<120x16xf32, #tpu.memory_space<vmem_shared>>)
      tpu.yield
    }) : () -> ()
    %add3A_21 = arith.constant 480 : i32
    %add3A_22 = arith.addi %mul3A_2, %add3A_21 : i32
    %multiple_of3A_23 = tpu.assume_multiple %add3A_22, 8 : i32
    "tpu.region"() ({
      %run_scoped3A = tpu.sem_alloc : memref<!tpu.dma_semaphore, #tpu.memory_space<semaphore_mem>>
      %dma_start3A = arith.constant 0 : i32
      %dma_start3A_82 = arith.constant 0 : i32
      %dma_start3A_83 = tpu.memref_slice %arg5[%dma_start3A, %dma_start3A_82] : memref<120x16xf32, #tpu.memory_space<vmem>> -> memref<120x16xf32, #tpu.memory_space<vmem>>
      %dma_start3A_84 = arith.constant 0 : i32
      %dma_start3A_85 = tpu.memref_slice %arg6[%multiple_of3A_23, %dma_start3A_84] : memref<10112x16xf32, #tpu.memory_space<vmem_shared>> -> memref<120x16xf32, #tpu.memory_space<vmem_shared>>
      %dma_start3A_86 = arith.constant 0 : i32
      %dma_start3A_87 = tpu.memref_slice %arg6[%multiple_of3A_23, %dma_start3A_86] : memref<10112x16xf32, #tpu.memory_space<vmem_shared>> -> memref<120x16xf32, #tpu.memory_space<vmem_shared>>
      %dma_start3A_88 = arith.constant 0 : i32
      %dma_start3A_89 = arith.constant 0 : i32
      %dma_start3A_90 = tpu.memref_slice %arg5[%dma_start3A_88, %dma_start3A_89] : memref<120x16xf32, #tpu.memory_space<vmem>> -> memref<120x16xf32, #tpu.memory_space<vmem>>
      tpu.enqueue_dma source(%dma_start3A_90 : memref<120x16xf32, #tpu.memory_space<vmem>>) target(%dma_start3A_87 : memref<120x16xf32, #tpu.memory_space<vmem_shared>>) target_semaphore(%run_scoped3A : memref<!tpu.dma_semaphore, #tpu.memory_space<semaphore_mem>>)
      %dma_wait3A = arith.constant 0 : i32
      %dma_wait3A_91 = arith.constant 0 : i32
      %dma_wait3A_92 = tpu.memref_slice %arg5[%dma_wait3A, %dma_wait3A_91] : memref<120x16xf32, #tpu.memory_space<vmem>> -> memref<120x16xf32, #tpu.memory_space<vmem>>
      %dma_wait3A_93 = arith.constant 0 : i32
      %dma_wait3A_94 = tpu.memref_slice %arg6[%multiple_of3A_23, %dma_wait3A_93] : memref<10112x16xf32, #tpu.memory_space<vmem_shared>> -> memref<120x16xf32, #tpu.memory_space<vmem_shared>>
      %dma_wait3A_95 = arith.constant 0 : i32
      %dma_wait3A_96 = tpu.memref_slice %arg6[%multiple_of3A_23, %dma_wait3A_95] : memref<10112x16xf32, #tpu.memory_space<vmem_shared>> -> memref<120x16xf32, #tpu.memory_space<vmem_shared>>
      %dma_wait3A_97 = arith.constant 0 : i32
      %dma_wait3A_98 = arith.constant 0 : i32
      %dma_wait3A_99 = tpu.memref_slice %arg5[%dma_wait3A_97, %dma_wait3A_98] : memref<120x16xf32, #tpu.memory_space<vmem>> -> memref<120x16xf32, #tpu.memory_space<vmem>>
      tpu.wait_dma2 semaphore(%run_scoped3A : memref<!tpu.dma_semaphore, #tpu.memory_space<semaphore_mem>>) src(%dma_wait3A_99 : memref<120x16xf32, #tpu.memory_space<vmem>>) dst(%dma_wait3A_96 : memref<120x16xf32, #tpu.memory_space<vmem_shared>>)
      tpu.yield
    }) : () -> ()
    %add3A_24 = arith.constant 600 : i32
    %add3A_25 = arith.addi %mul3A_2, %add3A_24 : i32
    %multiple_of3A_26 = tpu.assume_multiple %add3A_25, 8 : i32
    "tpu.region"() ({
      %run_scoped3A = tpu.sem_alloc : memref<!tpu.dma_semaphore, #tpu.memory_space<semaphore_mem>>
      %dma_start3A = arith.constant 0 : i32
      %dma_start3A_82 = arith.constant 0 : i32
      %dma_start3A_83 = tpu.memref_slice %arg5[%dma_start3A, %dma_start3A_82] : memref<120x16xf32, #tpu.memory_space<vmem>> -> memref<32x16xf32, #tpu.memory_space<vmem>>
      %dma_start3A_84 = arith.constant 0 : i32
      %dma_start3A_85 = tpu.memref_slice %arg6[%multiple_of3A_26, %dma_start3A_84] : memref<10112x16xf32, #tpu.memory_space<vmem_shared>> -> memref<32x16xf32, #tpu.memory_space<vmem_shared>>
      %dma_start3A_86 = arith.constant 0 : i32
      %dma_start3A_87 = tpu.memref_slice %arg6[%multiple_of3A_26, %dma_start3A_86] : memref<10112x16xf32, #tpu.memory_space<vmem_shared>> -> memref<32x16xf32, #tpu.memory_space<vmem_shared>>
      %dma_start3A_88 = arith.constant 0 : i32
      %dma_start3A_89 = arith.constant 0 : i32
      %dma_start3A_90 = tpu.memref_slice %arg5[%dma_start3A_88, %dma_start3A_89] : memref<120x16xf32, #tpu.memory_space<vmem>> -> memref<32x16xf32, #tpu.memory_space<vmem>>
      tpu.enqueue_dma source(%dma_start3A_90 : memref<32x16xf32, #tpu.memory_space<vmem>>) target(%dma_start3A_87 : memref<32x16xf32, #tpu.memory_space<vmem_shared>>) target_semaphore(%run_scoped3A : memref<!tpu.dma_semaphore, #tpu.memory_space<semaphore_mem>>)
      %dma_wait3A = arith.constant 0 : i32
      %dma_wait3A_91 = arith.constant 0 : i32
      %dma_wait3A_92 = tpu.memref_slice %arg5[%dma_wait3A, %dma_wait3A_91] : memref<120x16xf32, #tpu.memory_space<vmem>> -> memref<32x16xf32, #tpu.memory_space<vmem>>
      %dma_wait3A_93 = arith.constant 0 : i32
      %dma_wait3A_94 = tpu.memref_slice %arg6[%multiple_of3A_26, %dma_wait3A_93] : memref<10112x16xf32, #tpu.memory_space<vmem_shared>> -> memref<32x16xf32, #tpu.memory_space<vmem_shared>>
      %dma_wait3A_95 = arith.constant 0 : i32
      %dma_wait3A_96 = tpu.memref_slice %arg6[%multiple_of3A_26, %dma_wait3A_95] : memref<10112x16xf32, #tpu.memory_space<vmem_shared>> -> memref<32x16xf32, #tpu.memory_space<vmem_shared>>
      %dma_wait3A_97 = arith.constant 0 : i32
      %dma_wait3A_98 = arith.constant 0 : i32
      %dma_wait3A_99 = tpu.memref_slice %arg5[%dma_wait3A_97, %dma_wait3A_98] : memref<120x16xf32, #tpu.memory_space<vmem>> -> memref<32x16xf32, #tpu.memory_space<vmem>>
      tpu.wait_dma2 semaphore(%run_scoped3A : memref<!tpu.dma_semaphore, #tpu.memory_space<semaphore_mem>>) src(%dma_wait3A_99 : memref<32x16xf32, #tpu.memory_space<vmem>>) dst(%dma_wait3A_96 : memref<32x16xf32, #tpu.memory_space<vmem_shared>>)
      tpu.yield
    }) : () -> ()
    %broadcast_in_dim3A_27 = arith.constant 1.000000e+00 : f32
    %broadcast_in_dim3A_28 = vector.broadcast %broadcast_in_dim3A_27 : f32 to vector<16xf32>
    %scan3A_29 = arith.constant 0 : i32
    %scan3A_30 = arith.constant 0 : i32
    %scan3A_31 = arith.constant 120 : i32
    %scan3A_32 = arith.addi %scan3A_30, %scan3A_31 : i32
    %scan3A_33 = arith.constant 1 : i32
    %scan3A_34 = scf.for %scan3A_82 = %scan3A_30 to %scan3A_32 step %scan3A_33 iter_args(%scan3A_83 = %scan3A_29) -> (i32)  : i32 {
      %swap3A = arith.index_cast %scan3A_82 : i32 to index
      %swap3A_84 = arith.constant 0 : index
      %swap3A_85 = tpu.vector_load %arg5[%swap3A, %swap3A_84] {strides = array<i32>} : memref<120x16xf32, #tpu.memory_space<vmem>>, vector<1x16xf32>,
      %swap3A_86 = vector.shape_cast %swap3A_85 : vector<1x16xf32> to vector<16xf32>
      %swap3A_87 = vector.shape_cast %broadcast_in_dim3A_28 : vector<16xf32> to vector<1x16xf32>
      tpu.vector_store %arg5[%swap3A, %swap3A_84], %swap3A_87 {strides = array<i32>} : memref<120x16xf32, #tpu.memory_space<vmem>>, vector<1x16xf32>,
      %scan3A_88 = arith.constant 0 : i32
      scf.yield %scan3A_88 : i32
    }
    %scan3A_35 = arith.constant 120 : i32
    %barrier3A = arith.constant 0 : index
    tpu.barrier barrier_id(%barrier3A)
    %mul3A_36 = arith.constant 10080 : i32
    %mul3A_37 = arith.muli %add3A, %mul3A_36 : i32
    %scan3A_38 = arith.constant 0 : i32
    %scan3A_39 = arith.constant 0 : i32
    %scan3A_40 = arith.constant 84 : i32
    %scan3A_41 = arith.addi %scan3A_39, %scan3A_40 : i32
    %scan3A_42 = arith.constant 1 : i32
    %scan3A_43 = scf.for %scan3A_82 = %scan3A_39 to %scan3A_41 step %scan3A_42 iter_args(%scan3A_83 = %scan3A_38) -> (i32)  : i32 {
      %mul3A_84 = arith.constant 120 : i32
      %mul3A_85 = arith.muli %scan3A_82, %mul3A_84 : i32
      %add3A_86 = arith.addi %mul3A_37, %mul3A_85 : i32
      %multiple_of3A_87 = tpu.assume_multiple %add3A_86, 8 : i32
      "tpu.region"() ({
        %run_scoped3A = tpu.sem_alloc : memref<!tpu.dma_semaphore, #tpu.memory_space<semaphore_mem>>
        %dma_start3A = tpu.memref_slice %arg2[%multiple_of3A_87] : memref<322560xi32, #tpu.memory_space<hbm>> -> memref<120xi32, #tpu.memory_space<hbm>>
        %dma_start3A_89 = tpu.memref_slice %arg2[%multiple_of3A_87] : memref<322560xi32, #tpu.memory_space<hbm>> -> memref<120xi32, #tpu.memory_space<hbm>>
        tpu.enqueue_dma source(%dma_start3A_89 : memref<120xi32, #tpu.memory_space<hbm>>) target(%arg4 : memref<120xi32, #tpu.memory_space<vmem>>) target_semaphore(%run_scoped3A : memref<!tpu.dma_semaphore, #tpu.memory_space<semaphore_mem>>)
        %dma_wait3A = tpu.memref_slice %arg2[%multiple_of3A_87] : memref<322560xi32, #tpu.memory_space<hbm>> -> memref<120xi32, #tpu.memory_space<hbm>>
        %dma_wait3A_90 = tpu.memref_slice %arg2[%multiple_of3A_87] : memref<322560xi32, #tpu.memory_space<hbm>> -> memref<120xi32, #tpu.memory_space<hbm>>
        tpu.wait_dma2 semaphore(%run_scoped3A : memref<!tpu.dma_semaphore, #tpu.memory_space<semaphore_mem>>) src(%dma_wait3A_90 : memref<120xi32, #tpu.memory_space<hbm>>) dst(%arg4 : memref<120xi32, #tpu.memory_space<vmem>>)
        tpu.yield
      }) : () -> ()
      "tpu.region"() ({
        %run_scoped3A = tpu.sem_alloc : memref<!tpu.dma_semaphore, #tpu.memory_space<semaphore_mem>>
        %dma_start3A = arith.constant 0 : i32
        %dma_start3A_89 = arith.constant 0 : i32
        %dma_start3A_90 = tpu.memref_slice %arg6[%dma_start3A, %dma_start3A_89] : memref<10112x16xf32, #tpu.memory_space<vmem_shared>> -> memref<10112x16xf32, #tpu.memory_space<vmem_shared>>
        tpu.enqueue_indirect_dma source(%arg5 : memref<120x16xf32, #tpu.memory_space<vmem>>) target(%dma_start3A_90 : memref<10112x16xf32, #tpu.memory_space<vmem_shared>>) offsets(%arg4 : memref<120xi32, #tpu.memory_space<vmem>>) semaphore(%run_scoped3A : memref<!tpu.dma_semaphore, #tpu.memory_space<semaphore_mem>>) {add = true}
        %dma_wait3A = arith.constant 0 : i32
        %dma_wait3A_91 = arith.constant 0 : i32
        %dma_wait3A_92 = tpu.memref_slice %arg6[%dma_wait3A, %dma_wait3A_91] : memref<10112x16xf32, #tpu.memory_space<vmem_shared>> -> memref<10112x16xf32, #tpu.memory_space<vmem_shared>>
        tpu.wait_indirect_dma semaphore(%run_scoped3A : memref<!tpu.dma_semaphore, #tpu.memory_space<semaphore_mem>>) src(%arg5 : memref<120x16xf32, #tpu.memory_space<vmem>>) dst(%dma_wait3A_92 : memref<10112x16xf32, #tpu.memory_space<vmem_shared>>)
        tpu.yield
      }) : () -> ()
      %scan3A_88 = arith.constant 0 : i32
      scf.yield %scan3A_88 : i32
    }
    %scan3A_44 = arith.constant 84 : i32
    %barrier3A_45 = arith.constant 0 : index
    tpu.barrier barrier_id(%barrier3A_45)
    %add3A_46 = arith.constant 0 : i32
    %add3A_47 = arith.addi %mul3A_2, %add3A_46 : i32
    %multiple_of3A_48 = tpu.assume_multiple %add3A_47, 8 : i32
    %add3A_49 = arith.constant 0 : i32
    %add3A_50 = arith.addi %mul3A_2, %add3A_49 : i32
    %multiple_of3A_51 = tpu.assume_multiple %add3A_50, 8 : i32
    "tpu.region"() ({
      %run_scoped3A = tpu.sem_alloc : memref<!tpu.dma_semaphore, #tpu.memory_space<semaphore_mem>>
      %dma_start3A = arith.constant 0 : i32
      %dma_start3A_82 = tpu.memref_slice %arg3[%arg0, %multiple_of3A_51, %dma_start3A] : memref<2x10112x16xf32, #tpu.memory_space<hbm>> -> memref<1x120x16xf32, #tpu.memory_space<hbm>>
      %dma_start3A_83 = tpu.memref_squeeze %dma_start3A_82 : memref<1x120x16xf32, #tpu.memory_space<hbm>> -> memref<120x16xf32, #tpu.memory_space<hbm>>
      %dma_start3A_84 = arith.constant 0 : i32
      %dma_start3A_85 = tpu.memref_slice %arg6[%multiple_of3A_48, %dma_start3A_84] : memref<10112x16xf32, #tpu.memory_space<vmem_shared>> -> memref<120x16xf32, #tpu.memory_space<vmem_shared>>
      tpu.enqueue_dma source(%dma_start3A_85 : memref<120x16xf32, #tpu.memory_space<vmem_shared>>) target(%dma_start3A_83 : memref<120x16xf32, #tpu.memory_space<hbm>>) target_semaphore(%run_scoped3A : memref<!tpu.dma_semaphore, #tpu.memory_space<semaphore_mem>>)
      %dma_wait3A = arith.constant 0 : i32
      %dma_wait3A_86 = tpu.memref_slice %arg3[%arg0, %multiple_of3A_51, %dma_wait3A] : memref<2x10112x16xf32, #tpu.memory_space<hbm>> -> memref<1x120x16xf32, #tpu.memory_space<hbm>>
      %dma_wait3A_87 = tpu.memref_squeeze %dma_wait3A_86 : memref<1x120x16xf32, #tpu.memory_space<hbm>> -> memref<120x16xf32, #tpu.memory_space<hbm>>
      %dma_wait3A_88 = arith.constant 0 : i32
      %dma_wait3A_89 = tpu.memref_slice %arg6[%multiple_of3A_48, %dma_wait3A_88] : memref<10112x16xf32, #tpu.memory_space<vmem_shared>> -> memref<120x16xf32, #tpu.memory_space<vmem_shared>>
      tpu.wait_dma2 semaphore(%run_scoped3A : memref<!tpu.dma_semaphore, #tpu.memory_space<semaphore_mem>>) src(%dma_wait3A_89 : memref<120x16xf32, #tpu.memory_space<vmem_shared>>) dst(%dma_wait3A_87 : memref<120x16xf32, #tpu.memory_space<hbm>>)
      tpu.yield
    }) : () -> ()
    %add3A_52 = arith.constant 120 : i32
    %add3A_53 = arith.addi %mul3A_2, %add3A_52 : i32
    %multiple_of3A_54 = tpu.assume_multiple %add3A_53, 8 : i32
    %add3A_55 = arith.constant 120 : i32
    %add3A_56 = arith.addi %mul3A_2, %add3A_55 : i32
    %multiple_of3A_57 = tpu.assume_multiple %add3A_56, 8 : i32
    "tpu.region"() ({
      %run_scoped3A = tpu.sem_alloc : memref<!tpu.dma_semaphore, #tpu.memory_space<semaphore_mem>>
      %dma_start3A = arith.constant 0 : i32
      %dma_start3A_82 = tpu.memref_slice %arg3[%arg0, %multiple_of3A_57, %dma_start3A] : memref<2x10112x16xf32, #tpu.memory_space<hbm>> -> memref<1x120x16xf32, #tpu.memory_space<hbm>>
      %dma_start3A_83 = tpu.memref_squeeze %dma_start3A_82 : memref<1x120x16xf32, #tpu.memory_space<hbm>> -> memref<120x16xf32, #tpu.memory_space<hbm>>
      %dma_start3A_84 = arith.constant 0 : i32
      %dma_start3A_85 = tpu.memref_slice %arg6[%multiple_of3A_54, %dma_start3A_84] : memref<10112x16xf32, #tpu.memory_space<vmem_shared>> -> memref<120x16xf32, #tpu.memory_space<vmem_shared>>
      tpu.enqueue_dma source(%dma_start3A_85 : memref<120x16xf32, #tpu.memory_space<vmem_shared>>) target(%dma_start3A_83 : memref<120x16xf32, #tpu.memory_space<hbm>>) target_semaphore(%run_scoped3A : memref<!tpu.dma_semaphore, #tpu.memory_space<semaphore_mem>>)
      %dma_wait3A = arith.constant 0 : i32
      %dma_wait3A_86 = tpu.memref_slice %arg3[%arg0, %multiple_of3A_57, %dma_wait3A] : memref<2x10112x16xf32, #tpu.memory_space<hbm>> -> memref<1x120x16xf32, #tpu.memory_space<hbm>>
      %dma_wait3A_87 = tpu.memref_squeeze %dma_wait3A_86 : memref<1x120x16xf32, #tpu.memory_space<hbm>> -> memref<120x16xf32, #tpu.memory_space<hbm>>
      %dma_wait3A_88 = arith.constant 0 : i32
      %dma_wait3A_89 = tpu.memref_slice %arg6[%multiple_of3A_54, %dma_wait3A_88] : memref<10112x16xf32, #tpu.memory_space<vmem_shared>> -> memref<120x16xf32, #tpu.memory_space<vmem_shared>>
      tpu.wait_dma2 semaphore(%run_scoped3A : memref<!tpu.dma_semaphore, #tpu.memory_space<semaphore_mem>>) src(%dma_wait3A_89 : memref<120x16xf32, #tpu.memory_space<vmem_shared>>) dst(%dma_wait3A_87 : memref<120x16xf32, #tpu.memory_space<hbm>>)
      tpu.yield
    }) : () -> ()
    %add3A_58 = arith.constant 240 : i32
    %add3A_59 = arith.addi %mul3A_2, %add3A_58 : i32
    %multiple_of3A_60 = tpu.assume_multiple %add3A_59, 8 : i32
    %add3A_61 = arith.constant 240 : i32
    %add3A_62 = arith.addi %mul3A_2, %add3A_61 : i32
    %multiple_of3A_63 = tpu.assume_multiple %add3A_62, 8 : i32
    "tpu.region"() ({
      %run_scoped3A = tpu.sem_alloc : memref<!tpu.dma_semaphore, #tpu.memory_space<semaphore_mem>>
      %dma_start3A = arith.constant 0 : i32
      %dma_start3A_82 = tpu.memref_slice %arg3[%arg0, %multiple_of3A_63, %dma_start3A] : memref<2x10112x16xf32, #tpu.memory_space<hbm>> -> memref<1x120x16xf32, #tpu.memory_space<hbm>>
      %dma_start3A_83 = tpu.memref_squeeze %dma_start3A_82 : memref<1x120x16xf32, #tpu.memory_space<hbm>> -> memref<120x16xf32, #tpu.memory_space<hbm>>
      %dma_start3A_84 = arith.constant 0 : i32
      %dma_start3A_85 = tpu.memref_slice %arg6[%multiple_of3A_60, %dma_start3A_84] : memref<10112x16xf32, #tpu.memory_space<vmem_shared>> -> memref<120x16xf32, #tpu.memory_space<vmem_shared>>
      tpu.enqueue_dma source(%dma_start3A_85 : memref<120x16xf32, #tpu.memory_space<vmem_shared>>) target(%dma_start3A_83 : memref<120x16xf32, #tpu.memory_space<hbm>>) target_semaphore(%run_scoped3A : memref<!tpu.dma_semaphore, #tpu.memory_space<semaphore_mem>>)
      %dma_wait3A = arith.constant 0 : i32
      %dma_wait3A_86 = tpu.memref_slice %arg3[%arg0, %multiple_of3A_63, %dma_wait3A] : memref<2x10112x16xf32, #tpu.memory_space<hbm>> -> memref<1x120x16xf32, #tpu.memory_space<hbm>>
      %dma_wait3A_87 = tpu.memref_squeeze %dma_wait3A_86 : memref<1x120x16xf32, #tpu.memory_space<hbm>> -> memref<120x16xf32, #tpu.memory_space<hbm>>
      %dma_wait3A_88 = arith.constant 0 : i32
      %dma_wait3A_89 = tpu.memref_slice %arg6[%multiple_of3A_60, %dma_wait3A_88] : memref<10112x16xf32, #tpu.memory_space<vmem_shared>> -> memref<120x16xf32, #tpu.memory_space<vmem_shared>>
      tpu.wait_dma2 semaphore(%run_scoped3A : memref<!tpu.dma_semaphore, #tpu.memory_space<semaphore_mem>>) src(%dma_wait3A_89 : memref<120x16xf32, #tpu.memory_space<vmem_shared>>) dst(%dma_wait3A_87 : memref<120x16xf32, #tpu.memory_space<hbm>>)
      tpu.yield
    }) : () -> ()
    %add3A_64 = arith.constant 360 : i32
    %add3A_65 = arith.addi %mul3A_2, %add3A_64 : i32
    %multiple_of3A_66 = tpu.assume_multiple %add3A_65, 8 : i32
    %add3A_67 = arith.constant 360 : i32
    %add3A_68 = arith.addi %mul3A_2, %add3A_67 : i32
    %multiple_of3A_69 = tpu.assume_multiple %add3A_68, 8 : i32
    "tpu.region"() ({
      %run_scoped3A = tpu.sem_alloc : memref<!tpu.dma_semaphore, #tpu.memory_space<semaphore_mem>>
      %dma_start3A = arith.constant 0 : i32
      %dma_start3A_82 = tpu.memref_slice %arg3[%arg0, %multiple_of3A_69, %dma_start3A] : memref<2x10112x16xf32, #tpu.memory_space<hbm>> -> memref<1x120x16xf32, #tpu.memory_space<hbm>>
      %dma_start3A_83 = tpu.memref_squeeze %dma_start3A_82 : memref<1x120x16xf32, #tpu.memory_space<hbm>> -> memref<120x16xf32, #tpu.memory_space<hbm>>
      %dma_start3A_84 = arith.constant 0 : i32
      %dma_start3A_85 = tpu.memref_slice %arg6[%multiple_of3A_66, %dma_start3A_84] : memref<10112x16xf32, #tpu.memory_space<vmem_shared>> -> memref<120x16xf32, #tpu.memory_space<vmem_shared>>
      tpu.enqueue_dma source(%dma_start3A_85 : memref<120x16xf32, #tpu.memory_space<vmem_shared>>) target(%dma_start3A_83 : memref<120x16xf32, #tpu.memory_space<hbm>>) target_semaphore(%run_scoped3A : memref<!tpu.dma_semaphore, #tpu.memory_space<semaphore_mem>>)
      %dma_wait3A = arith.constant 0 : i32
      %dma_wait3A_86 = tpu.memref_slice %arg3[%arg0, %multiple_of3A_69, %dma_wait3A] : memref<2x10112x16xf32, #tpu.memory_space<hbm>> -> memref<1x120x16xf32, #tpu.memory_space<hbm>>
      %dma_wait3A_87 = tpu.memref_squeeze %dma_wait3A_86 : memref<1x120x16xf32, #tpu.memory_space<hbm>> -> memref<120x16xf32, #tpu.memory_space<hbm>>
      %dma_wait3A_88 = arith.constant 0 : i32
      %dma_wait3A_89 = tpu.memref_slice %arg6[%multiple_of3A_66, %dma_wait3A_88] : memref<10112x16xf32, #tpu.memory_space<vmem_shared>> -> memref<120x16xf32, #tpu.memory_space<vmem_shared>>
      tpu.wait_dma2 semaphore(%run_scoped3A : memref<!tpu.dma_semaphore, #tpu.memory_space<semaphore_mem>>) src(%dma_wait3A_89 : memref<120x16xf32, #tpu.memory_space<vmem_shared>>) dst(%dma_wait3A_87 : memref<120x16xf32, #tpu.memory_space<hbm>>)
      tpu.yield
    }) : () -> ()
    %add3A_70 = arith.constant 480 : i32
    %add3A_71 = arith.addi %mul3A_2, %add3A_70 : i32
    %multiple_of3A_72 = tpu.assume_multiple %add3A_71, 8 : i32
    %add3A_73 = arith.constant 480 : i32
    %add3A_74 = arith.addi %mul3A_2, %add3A_73 : i32
    %multiple_of3A_75 = tpu.assume_multiple %add3A_74, 8 : i32
    "tpu.region"() ({
      %run_scoped3A = tpu.sem_alloc : memref<!tpu.dma_semaphore, #tpu.memory_space<semaphore_mem>>
      %dma_start3A = arith.constant 0 : i32
      %dma_start3A_82 = tpu.memref_slice %arg3[%arg0, %multiple_of3A_75, %dma_start3A] : memref<2x10112x16xf32, #tpu.memory_space<hbm>> -> memref<1x120x16xf32, #tpu.memory_space<hbm>>
      %dma_start3A_83 = tpu.memref_squeeze %dma_start3A_82 : memref<1x120x16xf32, #tpu.memory_space<hbm>> -> memref<120x16xf32, #tpu.memory_space<hbm>>
      %dma_start3A_84 = arith.constant 0 : i32
      %dma_start3A_85 = tpu.memref_slice %arg6[%multiple_of3A_72, %dma_start3A_84] : memref<10112x16xf32, #tpu.memory_space<vmem_shared>> -> memref<120x16xf32, #tpu.memory_space<vmem_shared>>
      tpu.enqueue_dma source(%dma_start3A_85 : memref<120x16xf32, #tpu.memory_space<vmem_shared>>) target(%dma_start3A_83 : memref<120x16xf32, #tpu.memory_space<hbm>>) target_semaphore(%run_scoped3A : memref<!tpu.dma_semaphore, #tpu.memory_space<semaphore_mem>>)
      %dma_wait3A = arith.constant 0 : i32
      %dma_wait3A_86 = tpu.memref_slice %arg3[%arg0, %multiple_of3A_75, %dma_wait3A] : memref<2x10112x16xf32, #tpu.memory_space<hbm>> -> memref<1x120x16xf32, #tpu.memory_space<hbm>>
      %dma_wait3A_87 = tpu.memref_squeeze %dma_wait3A_86 : memref<1x120x16xf32, #tpu.memory_space<hbm>> -> memref<120x16xf32, #tpu.memory_space<hbm>>
      %dma_wait3A_88 = arith.constant 0 : i32
      %dma_wait3A_89 = tpu.memref_slice %arg6[%multiple_of3A_72, %dma_wait3A_88] : memref<10112x16xf32, #tpu.memory_space<vmem_shared>> -> memref<120x16xf32, #tpu.memory_space<vmem_shared>>
      tpu.wait_dma2 semaphore(%run_scoped3A : memref<!tpu.dma_semaphore, #tpu.memory_space<semaphore_mem>>) src(%dma_wait3A_89 : memref<120x16xf32, #tpu.memory_space<vmem_shared>>) dst(%dma_wait3A_87 : memref<120x16xf32, #tpu.memory_space<hbm>>)
      tpu.yield
    }) : () -> ()
    %add3A_76 = arith.constant 600 : i32
    %add3A_77 = arith.addi %mul3A_2, %add3A_76 : i32
    %multiple_of3A_78 = tpu.assume_multiple %add3A_77, 8 : i32
    %add3A_79 = arith.constant 600 : i32
    %add3A_80 = arith.addi %mul3A_2, %add3A_79 : i32
    %multiple_of3A_81 = tpu.assume_multiple %add3A_80, 8 : i32
    "tpu.region"() ({
      %run_scoped3A = tpu.sem_alloc : memref<!tpu.dma_semaphore, #tpu.memory_space<semaphore_mem>>
      %dma_start3A = arith.constant 0 : i32
      %dma_start3A_82 = tpu.memref_slice %arg3[%arg0, %multiple_of3A_81, %dma_start3A] : memref<2x10112x16xf32, #tpu.memory_space<hbm>> -> memref<1x32x16xf32, #tpu.memory_space<hbm>>
      %dma_start3A_83 = tpu.memref_squeeze %dma_start3A_82 : memref<1x32x16xf32, #tpu.memory_space<hbm>> -> memref<32x16xf32, #tpu.memory_space<hbm>>
      %dma_start3A_84 = arith.constant 0 : i32
      %dma_start3A_85 = tpu.memref_slice %arg6[%multiple_of3A_78, %dma_start3A_84] : memref<10112x16xf32, #tpu.memory_space<vmem_shared>> -> memref<32x16xf32, #tpu.memory_space<vmem_shared>>
      tpu.enqueue_dma source(%dma_start3A_85 : memref<32x16xf32, #tpu.memory_space<vmem_shared>>) target(%dma_start3A_83 : memref<32x16xf32, #tpu.memory_space<hbm>>) target_semaphore(%run_scoped3A : memref<!tpu.dma_semaphore, #tpu.memory_space<semaphore_mem>>)
      %dma_wait3A = arith.constant 0 : i32
      %dma_wait3A_86 = tpu.memref_slice %arg3[%arg0, %multiple_of3A_81, %dma_wait3A] : memref<2x10112x16xf32, #tpu.memory_space<hbm>> -> memref<1x32x16xf32, #tpu.memory_space<hbm>>
      %dma_wait3A_87 = tpu.memref_squeeze %dma_wait3A_86 : memref<1x32x16xf32, #tpu.memory_space<hbm>> -> memref<32x16xf32, #tpu.memory_space<hbm>>
      %dma_wait3A_88 = arith.constant 0 : i32
      %dma_wait3A_89 = tpu.memref_slice %arg6[%multiple_of3A_78, %dma_wait3A_88] : memref<10112x16xf32, #tpu.memory_space<vmem_shared>> -> memref<32x16xf32, #tpu.memory_space<vmem_shared>>
      tpu.wait_dma2 semaphore(%run_scoped3A : memref<!tpu.dma_semaphore, #tpu.memory_space<semaphore_mem>>) src(%dma_wait3A_89 : memref<32x16xf32, #tpu.memory_space<vmem_shared>>) dst(%dma_wait3A_87 : memref<32x16xf32, #tpu.memory_space<hbm>>)
      tpu.yield
    }) : () -> ()
    return
  }
}

#map = affine_map<(d0, d1) -> (0, 0)>
#map1 = affine_map<(d0, d1) -> (0)>
#map2 = affine_map<(d0, d1) -> (0, 0, 0)>
module attributes {stable_mosaic.version = 14 : i64} {
  func.func @_agg_body(%arg0: i32, %arg1: i32, %arg2: memref<40000x128xf32, #tpu.memory_space<hbm>>, %arg3: memref<1290240xi32, #tpu.memory_space<hbm>>, %arg4: memref<322560xi32, #tpu.memory_space<hbm>>, %arg5: memref<4x10112x128xf32, #tpu.memory_space<hbm>>, %arg6: memref<120xi32, #tpu.memory_space<vmem>>, %arg7: memref<120xi32, #tpu.memory_space<vmem>>, %arg8: memref<120xi32, #tpu.memory_space<vmem>>, %arg9: memref<120xi32, #tpu.memory_space<vmem>>, %arg10: memref<120xi32, #tpu.memory_space<vmem>>, %arg11: memref<120xi32, #tpu.memory_space<vmem>>, %arg12: memref<120x128xf32, #tpu.memory_space<vmem>>, %arg13: memref<120x128xf32, #tpu.memory_space<vmem>>, %arg14: memref<120x128xf32, #tpu.memory_space<vmem>>, %arg15: memref<10112x128xf32, #tpu.memory_space<vmem_shared>>, %arg16: memref<!tpu.dma_semaphore, #tpu.memory_space<semaphore_mem>>) attributes {dimension_semantics = [#tpu.dimension_semantics<core_parallel>, #tpu.dimension_semantics<subcore_parallel>], iteration_bounds = array<i64: 2, 16>, scalar_prefetch = 0 : i64, scratch_operands = 11 : i64, tpu.core_type = #tpu.core_type<sc_vector_subcore>, window_params = [{transform_indices = #map}, {transform_indices = #map1}, {transform_indices = #map1}, {transform_indices = #map2}]} {
    %mul3A = arith.constant 20160 : i32
    %mul3A_0 = arith.muli %arg1, %mul3A : i32
    %mul3A_1 = arith.constant 2 : i32
    %mul3A_2 = arith.muli %arg0, %mul3A_1 : i32
    %add3A = arith.constant 0 : i32
    %add3A_3 = arith.addi %mul3A_2, %add3A : i32
    %broadcast_in_dim3A = arith.constant 0.000000e+00 : f32
    %broadcast_in_dim3A_4 = vector.broadcast %broadcast_in_dim3A : f32 to vector<16xf32>
    %scan3A = arith.constant 0 : i32
    %scan3A_5 = arith.constant 0 : i32
    %scan3A_6 = arith.constant 120 : i32
    %scan3A_7 = arith.addi %scan3A_5, %scan3A_6 : i32
    %scan3A_8 = arith.constant 1 : i32
    %scan3A_9 = scf.for %scan3A_332 = %scan3A_5 to %scan3A_7 step %scan3A_8 iter_args(%scan3A_333 = %scan3A) -> (i32)  : i32 {
      %swap3A = arith.index_cast %scan3A_332 : i32 to index
      %swap3A_334 = arith.constant 0 : index
      %swap3A_335 = tpu.vector_load %arg12[%swap3A, %swap3A_334] {strides = array<i32>} : memref<120x128xf32, #tpu.memory_space<vmem>>, vector<1x16xf32>,
      %swap3A_336 = vector.shape_cast %swap3A_335 : vector<1x16xf32> to vector<16xf32>
      %swap3A_337 = vector.shape_cast %broadcast_in_dim3A_4 : vector<16xf32> to vector<1x16xf32>
      tpu.vector_store %arg12[%swap3A, %swap3A_334], %swap3A_337 {strides = array<i32>} : memref<120x128xf32, #tpu.memory_space<vmem>>, vector<1x16xf32>,
      %swap3A_338 = arith.index_cast %scan3A_332 : i32 to index
      %swap3A_339 = arith.constant 16 : index
      %swap3A_340 = tpu.vector_load %arg12[%swap3A_338, %swap3A_339] {strides = array<i32>} : memref<120x128xf32, #tpu.memory_space<vmem>>, vector<1x16xf32>,
      %swap3A_341 = vector.shape_cast %swap3A_340 : vector<1x16xf32> to vector<16xf32>
      %swap3A_342 = vector.shape_cast %broadcast_in_dim3A_4 : vector<16xf32> to vector<1x16xf32>
      tpu.vector_store %arg12[%swap3A_338, %swap3A_339], %swap3A_342 {strides = array<i32>} : memref<120x128xf32, #tpu.memory_space<vmem>>, vector<1x16xf32>,
      %swap3A_343 = arith.index_cast %scan3A_332 : i32 to index
      %swap3A_344 = arith.constant 32 : index
      %swap3A_345 = tpu.vector_load %arg12[%swap3A_343, %swap3A_344] {strides = array<i32>} : memref<120x128xf32, #tpu.memory_space<vmem>>, vector<1x16xf32>,
      %swap3A_346 = vector.shape_cast %swap3A_345 : vector<1x16xf32> to vector<16xf32>
      %swap3A_347 = vector.shape_cast %broadcast_in_dim3A_4 : vector<16xf32> to vector<1x16xf32>
      tpu.vector_store %arg12[%swap3A_343, %swap3A_344], %swap3A_347 {strides = array<i32>} : memref<120x128xf32, #tpu.memory_space<vmem>>, vector<1x16xf32>,
      %swap3A_348 = arith.index_cast %scan3A_332 : i32 to index
      %swap3A_349 = arith.constant 48 : index
      %swap3A_350 = tpu.vector_load %arg12[%swap3A_348, %swap3A_349] {strides = array<i32>} : memref<120x128xf32, #tpu.memory_space<vmem>>, vector<1x16xf32>,
      %swap3A_351 = vector.shape_cast %swap3A_350 : vector<1x16xf32> to vector<16xf32>
      %swap3A_352 = vector.shape_cast %broadcast_in_dim3A_4 : vector<16xf32> to vector<1x16xf32>
      tpu.vector_store %arg12[%swap3A_348, %swap3A_349], %swap3A_352 {strides = array<i32>} : memref<120x128xf32, #tpu.memory_space<vmem>>, vector<1x16xf32>,
      %swap3A_353 = arith.index_cast %scan3A_332 : i32 to index
      %swap3A_354 = arith.constant 64 : index
      %swap3A_355 = tpu.vector_load %arg12[%swap3A_353, %swap3A_354] {strides = array<i32>} : memref<120x128xf32, #tpu.memory_space<vmem>>, vector<1x16xf32>,
      %swap3A_356 = vector.shape_cast %swap3A_355 : vector<1x16xf32> to vector<16xf32>
      %swap3A_357 = vector.shape_cast %broadcast_in_dim3A_4 : vector<16xf32> to vector<1x16xf32>
      tpu.vector_store %arg12[%swap3A_353, %swap3A_354], %swap3A_357 {strides = array<i32>} : memref<120x128xf32, #tpu.memory_space<vmem>>, vector<1x16xf32>,
      %swap3A_358 = arith.index_cast %scan3A_332 : i32 to index
      %swap3A_359 = arith.constant 80 : index
      %swap3A_360 = tpu.vector_load %arg12[%swap3A_358, %swap3A_359] {strides = array<i32>} : memref<120x128xf32, #tpu.memory_space<vmem>>, vector<1x16xf32>,
      %swap3A_361 = vector.shape_cast %swap3A_360 : vector<1x16xf32> to vector<16xf32>
      %swap3A_362 = vector.shape_cast %broadcast_in_dim3A_4 : vector<16xf32> to vector<1x16xf32>
      tpu.vector_store %arg12[%swap3A_358, %swap3A_359], %swap3A_362 {strides = array<i32>} : memref<120x128xf32, #tpu.memory_space<vmem>>, vector<1x16xf32>,
      %swap3A_363 = arith.index_cast %scan3A_332 : i32 to index
      %swap3A_364 = arith.constant 96 : index
      %swap3A_365 = tpu.vector_load %arg12[%swap3A_363, %swap3A_364] {strides = array<i32>} : memref<120x128xf32, #tpu.memory_space<vmem>>, vector<1x16xf32>,
      %swap3A_366 = vector.shape_cast %swap3A_365 : vector<1x16xf32> to vector<16xf32>
      %swap3A_367 = vector.shape_cast %broadcast_in_dim3A_4 : vector<16xf32> to vector<1x16xf32>
      tpu.vector_store %arg12[%swap3A_363, %swap3A_364], %swap3A_367 {strides = array<i32>} : memref<120x128xf32, #tpu.memory_space<vmem>>, vector<1x16xf32>,
      %swap3A_368 = arith.index_cast %scan3A_332 : i32 to index
      %swap3A_369 = arith.constant 112 : index
      %swap3A_370 = tpu.vector_load %arg12[%swap3A_368, %swap3A_369] {strides = array<i32>} : memref<120x128xf32, #tpu.memory_space<vmem>>, vector<1x16xf32>,
      %swap3A_371 = vector.shape_cast %swap3A_370 : vector<1x16xf32> to vector<16xf32>
      %swap3A_372 = vector.shape_cast %broadcast_in_dim3A_4 : vector<16xf32> to vector<1x16xf32>
      tpu.vector_store %arg12[%swap3A_368, %swap3A_369], %swap3A_372 {strides = array<i32>} : memref<120x128xf32, #tpu.memory_space<vmem>>, vector<1x16xf32>,
      %scan3A_373 = arith.constant 0 : i32
      scf.yield %scan3A_373 : i32
    }
    %scan3A_10 = arith.constant 120 : i32
    %mul3A_11 = arith.constant 632 : i32
    %mul3A_12 = arith.muli %arg1, %mul3A_11 : i32
    %add3A_13 = arith.constant 0 : i32
    %add3A_14 = arith.addi %mul3A_12, %add3A_13 : i32
    %multiple_of3A = tpu.assume_multiple %add3A_14, 8 : i32
    "tpu.region"() ({
      %run_scoped3A = tpu.sem_alloc : memref<!tpu.dma_semaphore, #tpu.memory_space<semaphore_mem>>
      %dma_start3A_332 = arith.constant 0 : i32
      %dma_start3A_333 = arith.constant 0 : i32
      %dma_start3A_334 = tpu.memref_slice %arg12[%dma_start3A_332, %dma_start3A_333] : memref<120x128xf32, #tpu.memory_space<vmem>> -> memref<120x128xf32, #tpu.memory_space<vmem>>
      %dma_start3A_335 = arith.constant 0 : i32
      %dma_start3A_336 = tpu.memref_slice %arg15[%multiple_of3A, %dma_start3A_335] : memref<10112x128xf32, #tpu.memory_space<vmem_shared>> -> memref<120x128xf32, #tpu.memory_space<vmem_shared>>
      %dma_start3A_337 = arith.constant 0 : i32
      %dma_start3A_338 = tpu.memref_slice %arg15[%multiple_of3A, %dma_start3A_337] : memref<10112x128xf32, #tpu.memory_space<vmem_shared>> -> memref<120x128xf32, #tpu.memory_space<vmem_shared>>
      %dma_start3A_339 = arith.constant 0 : i32
      %dma_start3A_340 = arith.constant 0 : i32
      %dma_start3A_341 = tpu.memref_slice %arg12[%dma_start3A_339, %dma_start3A_340] : memref<120x128xf32, #tpu.memory_space<vmem>> -> memref<120x128xf32, #tpu.memory_space<vmem>>
      tpu.enqueue_dma source(%dma_start3A_341 : memref<120x128xf32, #tpu.memory_space<vmem>>) target(%dma_start3A_338 : memref<120x128xf32, #tpu.memory_space<vmem_shared>>) target_semaphore(%run_scoped3A : memref<!tpu.dma_semaphore, #tpu.memory_space<semaphore_mem>>)
      %dma_wait3A_342 = arith.constant 0 : i32
      %dma_wait3A_343 = arith.constant 0 : i32
      %dma_wait3A_344 = tpu.memref_slice %arg12[%dma_wait3A_342, %dma_wait3A_343] : memref<120x128xf32, #tpu.memory_space<vmem>> -> memref<120x128xf32, #tpu.memory_space<vmem>>
      %dma_wait3A_345 = arith.constant 0 : i32
      %dma_wait3A_346 = tpu.memref_slice %arg15[%multiple_of3A, %dma_wait3A_345] : memref<10112x128xf32, #tpu.memory_space<vmem_shared>> -> memref<120x128xf32, #tpu.memory_space<vmem_shared>>
      %dma_wait3A_347 = arith.constant 0 : i32
      %dma_wait3A_348 = tpu.memref_slice %arg15[%multiple_of3A, %dma_wait3A_347] : memref<10112x128xf32, #tpu.memory_space<vmem_shared>> -> memref<120x128xf32, #tpu.memory_space<vmem_shared>>
      %dma_wait3A_349 = arith.constant 0 : i32
      %dma_wait3A_350 = arith.constant 0 : i32
      %dma_wait3A_351 = tpu.memref_slice %arg12[%dma_wait3A_349, %dma_wait3A_350] : memref<120x128xf32, #tpu.memory_space<vmem>> -> memref<120x128xf32, #tpu.memory_space<vmem>>
      tpu.wait_dma2 semaphore(%run_scoped3A : memref<!tpu.dma_semaphore, #tpu.memory_space<semaphore_mem>>) src(%dma_wait3A_351 : memref<120x128xf32, #tpu.memory_space<vmem>>) dst(%dma_wait3A_348 : memref<120x128xf32, #tpu.memory_space<vmem_shared>>)
      tpu.yield
    }) : () -> ()
    %add3A_15 = arith.constant 120 : i32
    %add3A_16 = arith.addi %mul3A_12, %add3A_15 : i32
    %multiple_of3A_17 = tpu.assume_multiple %add3A_16, 8 : i32
    "tpu.region"() ({
      %run_scoped3A = tpu.sem_alloc : memref<!tpu.dma_semaphore, #tpu.memory_space<semaphore_mem>>
      %dma_start3A_332 = arith.constant 0 : i32
      %dma_start3A_333 = arith.constant 0 : i32
      %dma_start3A_334 = tpu.memref_slice %arg12[%dma_start3A_332, %dma_start3A_333] : memref<120x128xf32, #tpu.memory_space<vmem>> -> memref<120x128xf32, #tpu.memory_space<vmem>>
      %dma_start3A_335 = arith.constant 0 : i32
      %dma_start3A_336 = tpu.memref_slice %arg15[%multiple_of3A_17, %dma_start3A_335] : memref<10112x128xf32, #tpu.memory_space<vmem_shared>> -> memref<120x128xf32, #tpu.memory_space<vmem_shared>>
      %dma_start3A_337 = arith.constant 0 : i32
      %dma_start3A_338 = tpu.memref_slice %arg15[%multiple_of3A_17, %dma_start3A_337] : memref<10112x128xf32, #tpu.memory_space<vmem_shared>> -> memref<120x128xf32, #tpu.memory_space<vmem_shared>>
      %dma_start3A_339 = arith.constant 0 : i32
      %dma_start3A_340 = arith.constant 0 : i32
      %dma_start3A_341 = tpu.memref_slice %arg12[%dma_start3A_339, %dma_start3A_340] : memref<120x128xf32, #tpu.memory_space<vmem>> -> memref<120x128xf32, #tpu.memory_space<vmem>>
      tpu.enqueue_dma source(%dma_start3A_341 : memref<120x128xf32, #tpu.memory_space<vmem>>) target(%dma_start3A_338 : memref<120x128xf32, #tpu.memory_space<vmem_shared>>) target_semaphore(%run_scoped3A : memref<!tpu.dma_semaphore, #tpu.memory_space<semaphore_mem>>)
      %dma_wait3A_342 = arith.constant 0 : i32
      %dma_wait3A_343 = arith.constant 0 : i32
      %dma_wait3A_344 = tpu.memref_slice %arg12[%dma_wait3A_342, %dma_wait3A_343] : memref<120x128xf32, #tpu.memory_space<vmem>> -> memref<120x128xf32, #tpu.memory_space<vmem>>
      %dma_wait3A_345 = arith.constant 0 : i32
      %dma_wait3A_346 = tpu.memref_slice %arg15[%multiple_of3A_17, %dma_wait3A_345] : memref<10112x128xf32, #tpu.memory_space<vmem_shared>> -> memref<120x128xf32, #tpu.memory_space<vmem_shared>>
      %dma_wait3A_347 = arith.constant 0 : i32
      %dma_wait3A_348 = tpu.memref_slice %arg15[%multiple_of3A_17, %dma_wait3A_347] : memref<10112x128xf32, #tpu.memory_space<vmem_shared>> -> memref<120x128xf32, #tpu.memory_space<vmem_shared>>
      %dma_wait3A_349 = arith.constant 0 : i32
      %dma_wait3A_350 = arith.constant 0 : i32
      %dma_wait3A_351 = tpu.memref_slice %arg12[%dma_wait3A_349, %dma_wait3A_350] : memref<120x128xf32, #tpu.memory_space<vmem>> -> memref<120x128xf32, #tpu.memory_space<vmem>>
      tpu.wait_dma2 semaphore(%run_scoped3A : memref<!tpu.dma_semaphore, #tpu.memory_space<semaphore_mem>>) src(%dma_wait3A_351 : memref<120x128xf32, #tpu.memory_space<vmem>>) dst(%dma_wait3A_348 : memref<120x128xf32, #tpu.memory_space<vmem_shared>>)
      tpu.yield
    }) : () -> ()
    %add3A_18 = arith.constant 240 : i32
    %add3A_19 = arith.addi %mul3A_12, %add3A_18 : i32
    %multiple_of3A_20 = tpu.assume_multiple %add3A_19, 8 : i32
    "tpu.region"() ({
      %run_scoped3A = tpu.sem_alloc : memref<!tpu.dma_semaphore, #tpu.memory_space<semaphore_mem>>
      %dma_start3A_332 = arith.constant 0 : i32
      %dma_start3A_333 = arith.constant 0 : i32
      %dma_start3A_334 = tpu.memref_slice %arg12[%dma_start3A_332, %dma_start3A_333] : memref<120x128xf32, #tpu.memory_space<vmem>> -> memref<120x128xf32, #tpu.memory_space<vmem>>
      %dma_start3A_335 = arith.constant 0 : i32
      %dma_start3A_336 = tpu.memref_slice %arg15[%multiple_of3A_20, %dma_start3A_335] : memref<10112x128xf32, #tpu.memory_space<vmem_shared>> -> memref<120x128xf32, #tpu.memory_space<vmem_shared>>
      %dma_start3A_337 = arith.constant 0 : i32
      %dma_start3A_338 = tpu.memref_slice %arg15[%multiple_of3A_20, %dma_start3A_337] : memref<10112x128xf32, #tpu.memory_space<vmem_shared>> -> memref<120x128xf32, #tpu.memory_space<vmem_shared>>
      %dma_start3A_339 = arith.constant 0 : i32
      %dma_start3A_340 = arith.constant 0 : i32
      %dma_start3A_341 = tpu.memref_slice %arg12[%dma_start3A_339, %dma_start3A_340] : memref<120x128xf32, #tpu.memory_space<vmem>> -> memref<120x128xf32, #tpu.memory_space<vmem>>
      tpu.enqueue_dma source(%dma_start3A_341 : memref<120x128xf32, #tpu.memory_space<vmem>>) target(%dma_start3A_338 : memref<120x128xf32, #tpu.memory_space<vmem_shared>>) target_semaphore(%run_scoped3A : memref<!tpu.dma_semaphore, #tpu.memory_space<semaphore_mem>>)
      %dma_wait3A_342 = arith.constant 0 : i32
      %dma_wait3A_343 = arith.constant 0 : i32
      %dma_wait3A_344 = tpu.memref_slice %arg12[%dma_wait3A_342, %dma_wait3A_343] : memref<120x128xf32, #tpu.memory_space<vmem>> -> memref<120x128xf32, #tpu.memory_space<vmem>>
      %dma_wait3A_345 = arith.constant 0 : i32
      %dma_wait3A_346 = tpu.memref_slice %arg15[%multiple_of3A_20, %dma_wait3A_345] : memref<10112x128xf32, #tpu.memory_space<vmem_shared>> -> memref<120x128xf32, #tpu.memory_space<vmem_shared>>
      %dma_wait3A_347 = arith.constant 0 : i32
      %dma_wait3A_348 = tpu.memref_slice %arg15[%multiple_of3A_20, %dma_wait3A_347] : memref<10112x128xf32, #tpu.memory_space<vmem_shared>> -> memref<120x128xf32, #tpu.memory_space<vmem_shared>>
      %dma_wait3A_349 = arith.constant 0 : i32
      %dma_wait3A_350 = arith.constant 0 : i32
      %dma_wait3A_351 = tpu.memref_slice %arg12[%dma_wait3A_349, %dma_wait3A_350] : memref<120x128xf32, #tpu.memory_space<vmem>> -> memref<120x128xf32, #tpu.memory_space<vmem>>
      tpu.wait_dma2 semaphore(%run_scoped3A : memref<!tpu.dma_semaphore, #tpu.memory_space<semaphore_mem>>) src(%dma_wait3A_351 : memref<120x128xf32, #tpu.memory_space<vmem>>) dst(%dma_wait3A_348 : memref<120x128xf32, #tpu.memory_space<vmem_shared>>)
      tpu.yield
    }) : () -> ()
    %add3A_21 = arith.constant 360 : i32
    %add3A_22 = arith.addi %mul3A_12, %add3A_21 : i32
    %multiple_of3A_23 = tpu.assume_multiple %add3A_22, 8 : i32
    "tpu.region"() ({
      %run_scoped3A = tpu.sem_alloc : memref<!tpu.dma_semaphore, #tpu.memory_space<semaphore_mem>>
      %dma_start3A_332 = arith.constant 0 : i32
      %dma_start3A_333 = arith.constant 0 : i32
      %dma_start3A_334 = tpu.memref_slice %arg12[%dma_start3A_332, %dma_start3A_333] : memref<120x128xf32, #tpu.memory_space<vmem>> -> memref<120x128xf32, #tpu.memory_space<vmem>>
      %dma_start3A_335 = arith.constant 0 : i32
      %dma_start3A_336 = tpu.memref_slice %arg15[%multiple_of3A_23, %dma_start3A_335] : memref<10112x128xf32, #tpu.memory_space<vmem_shared>> -> memref<120x128xf32, #tpu.memory_space<vmem_shared>>
      %dma_start3A_337 = arith.constant 0 : i32
      %dma_start3A_338 = tpu.memref_slice %arg15[%multiple_of3A_23, %dma_start3A_337] : memref<10112x128xf32, #tpu.memory_space<vmem_shared>> -> memref<120x128xf32, #tpu.memory_space<vmem_shared>>
      %dma_start3A_339 = arith.constant 0 : i32
      %dma_start3A_340 = arith.constant 0 : i32
      %dma_start3A_341 = tpu.memref_slice %arg12[%dma_start3A_339, %dma_start3A_340] : memref<120x128xf32, #tpu.memory_space<vmem>> -> memref<120x128xf32, #tpu.memory_space<vmem>>
      tpu.enqueue_dma source(%dma_start3A_341 : memref<120x128xf32, #tpu.memory_space<vmem>>) target(%dma_start3A_338 : memref<120x128xf32, #tpu.memory_space<vmem_shared>>) target_semaphore(%run_scoped3A : memref<!tpu.dma_semaphore, #tpu.memory_space<semaphore_mem>>)
      %dma_wait3A_342 = arith.constant 0 : i32
      %dma_wait3A_343 = arith.constant 0 : i32
      %dma_wait3A_344 = tpu.memref_slice %arg12[%dma_wait3A_342, %dma_wait3A_343] : memref<120x128xf32, #tpu.memory_space<vmem>> -> memref<120x128xf32, #tpu.memory_space<vmem>>
      %dma_wait3A_345 = arith.constant 0 : i32
      %dma_wait3A_346 = tpu.memref_slice %arg15[%multiple_of3A_23, %dma_wait3A_345] : memref<10112x128xf32, #tpu.memory_space<vmem_shared>> -> memref<120x128xf32, #tpu.memory_space<vmem_shared>>
      %dma_wait3A_347 = arith.constant 0 : i32
      %dma_wait3A_348 = tpu.memref_slice %arg15[%multiple_of3A_23, %dma_wait3A_347] : memref<10112x128xf32, #tpu.memory_space<vmem_shared>> -> memref<120x128xf32, #tpu.memory_space<vmem_shared>>
      %dma_wait3A_349 = arith.constant 0 : i32
      %dma_wait3A_350 = arith.constant 0 : i32
      %dma_wait3A_351 = tpu.memref_slice %arg12[%dma_wait3A_349, %dma_wait3A_350] : memref<120x128xf32, #tpu.memory_space<vmem>> -> memref<120x128xf32, #tpu.memory_space<vmem>>
      tpu.wait_dma2 semaphore(%run_scoped3A : memref<!tpu.dma_semaphore, #tpu.memory_space<semaphore_mem>>) src(%dma_wait3A_351 : memref<120x128xf32, #tpu.memory_space<vmem>>) dst(%dma_wait3A_348 : memref<120x128xf32, #tpu.memory_space<vmem_shared>>)
      tpu.yield
    }) : () -> ()
    %add3A_24 = arith.constant 480 : i32
    %add3A_25 = arith.addi %mul3A_12, %add3A_24 : i32
    %multiple_of3A_26 = tpu.assume_multiple %add3A_25, 8 : i32
    "tpu.region"() ({
      %run_scoped3A = tpu.sem_alloc : memref<!tpu.dma_semaphore, #tpu.memory_space<semaphore_mem>>
      %dma_start3A_332 = arith.constant 0 : i32
      %dma_start3A_333 = arith.constant 0 : i32
      %dma_start3A_334 = tpu.memref_slice %arg12[%dma_start3A_332, %dma_start3A_333] : memref<120x128xf32, #tpu.memory_space<vmem>> -> memref<120x128xf32, #tpu.memory_space<vmem>>
      %dma_start3A_335 = arith.constant 0 : i32
      %dma_start3A_336 = tpu.memref_slice %arg15[%multiple_of3A_26, %dma_start3A_335] : memref<10112x128xf32, #tpu.memory_space<vmem_shared>> -> memref<120x128xf32, #tpu.memory_space<vmem_shared>>
      %dma_start3A_337 = arith.constant 0 : i32
      %dma_start3A_338 = tpu.memref_slice %arg15[%multiple_of3A_26, %dma_start3A_337] : memref<10112x128xf32, #tpu.memory_space<vmem_shared>> -> memref<120x128xf32, #tpu.memory_space<vmem_shared>>
      %dma_start3A_339 = arith.constant 0 : i32
      %dma_start3A_340 = arith.constant 0 : i32
      %dma_start3A_341 = tpu.memref_slice %arg12[%dma_start3A_339, %dma_start3A_340] : memref<120x128xf32, #tpu.memory_space<vmem>> -> memref<120x128xf32, #tpu.memory_space<vmem>>
      tpu.enqueue_dma source(%dma_start3A_341 : memref<120x128xf32, #tpu.memory_space<vmem>>) target(%dma_start3A_338 : memref<120x128xf32, #tpu.memory_space<vmem_shared>>) target_semaphore(%run_scoped3A : memref<!tpu.dma_semaphore, #tpu.memory_space<semaphore_mem>>)
      %dma_wait3A_342 = arith.constant 0 : i32
      %dma_wait3A_343 = arith.constant 0 : i32
      %dma_wait3A_344 = tpu.memref_slice %arg12[%dma_wait3A_342, %dma_wait3A_343] : memref<120x128xf32, #tpu.memory_space<vmem>> -> memref<120x128xf32, #tpu.memory_space<vmem>>
      %dma_wait3A_345 = arith.constant 0 : i32
      %dma_wait3A_346 = tpu.memref_slice %arg15[%multiple_of3A_26, %dma_wait3A_345] : memref<10112x128xf32, #tpu.memory_space<vmem_shared>> -> memref<120x128xf32, #tpu.memory_space<vmem_shared>>
      %dma_wait3A_347 = arith.constant 0 : i32
      %dma_wait3A_348 = tpu.memref_slice %arg15[%multiple_of3A_26, %dma_wait3A_347] : memref<10112x128xf32, #tpu.memory_space<vmem_shared>> -> memref<120x128xf32, #tpu.memory_space<vmem_shared>>
      %dma_wait3A_349 = arith.constant 0 : i32
      %dma_wait3A_350 = arith.constant 0 : i32
      %dma_wait3A_351 = tpu.memref_slice %arg12[%dma_wait3A_349, %dma_wait3A_350] : memref<120x128xf32, #tpu.memory_space<vmem>> -> memref<120x128xf32, #tpu.memory_space<vmem>>
      tpu.wait_dma2 semaphore(%run_scoped3A : memref<!tpu.dma_semaphore, #tpu.memory_space<semaphore_mem>>) src(%dma_wait3A_351 : memref<120x128xf32, #tpu.memory_space<vmem>>) dst(%dma_wait3A_348 : memref<120x128xf32, #tpu.memory_space<vmem_shared>>)
      tpu.yield
    }) : () -> ()
    %add3A_27 = arith.constant 600 : i32
    %add3A_28 = arith.addi %mul3A_12, %add3A_27 : i32
    %multiple_of3A_29 = tpu.assume_multiple %add3A_28, 8 : i32
    "tpu.region"() ({
      %run_scoped3A = tpu.sem_alloc : memref<!tpu.dma_semaphore, #tpu.memory_space<semaphore_mem>>
      %dma_start3A_332 = arith.constant 0 : i32
      %dma_start3A_333 = arith.constant 0 : i32
      %dma_start3A_334 = tpu.memref_slice %arg12[%dma_start3A_332, %dma_start3A_333] : memref<120x128xf32, #tpu.memory_space<vmem>> -> memref<32x128xf32, #tpu.memory_space<vmem>>
      %dma_start3A_335 = arith.constant 0 : i32
      %dma_start3A_336 = tpu.memref_slice %arg15[%multiple_of3A_29, %dma_start3A_335] : memref<10112x128xf32, #tpu.memory_space<vmem_shared>> -> memref<32x128xf32, #tpu.memory_space<vmem_shared>>
      %dma_start3A_337 = arith.constant 0 : i32
      %dma_start3A_338 = tpu.memref_slice %arg15[%multiple_of3A_29, %dma_start3A_337] : memref<10112x128xf32, #tpu.memory_space<vmem_shared>> -> memref<32x128xf32, #tpu.memory_space<vmem_shared>>
      %dma_start3A_339 = arith.constant 0 : i32
      %dma_start3A_340 = arith.constant 0 : i32
      %dma_start3A_341 = tpu.memref_slice %arg12[%dma_start3A_339, %dma_start3A_340] : memref<120x128xf32, #tpu.memory_space<vmem>> -> memref<32x128xf32, #tpu.memory_space<vmem>>
      tpu.enqueue_dma source(%dma_start3A_341 : memref<32x128xf32, #tpu.memory_space<vmem>>) target(%dma_start3A_338 : memref<32x128xf32, #tpu.memory_space<vmem_shared>>) target_semaphore(%run_scoped3A : memref<!tpu.dma_semaphore, #tpu.memory_space<semaphore_mem>>)
      %dma_wait3A_342 = arith.constant 0 : i32
      %dma_wait3A_343 = arith.constant 0 : i32
      %dma_wait3A_344 = tpu.memref_slice %arg12[%dma_wait3A_342, %dma_wait3A_343] : memref<120x128xf32, #tpu.memory_space<vmem>> -> memref<32x128xf32, #tpu.memory_space<vmem>>
      %dma_wait3A_345 = arith.constant 0 : i32
      %dma_wait3A_346 = tpu.memref_slice %arg15[%multiple_of3A_29, %dma_wait3A_345] : memref<10112x128xf32, #tpu.memory_space<vmem_shared>> -> memref<32x128xf32, #tpu.memory_space<vmem_shared>>
      %dma_wait3A_347 = arith.constant 0 : i32
      %dma_wait3A_348 = tpu.memref_slice %arg15[%multiple_of3A_29, %dma_wait3A_347] : memref<10112x128xf32, #tpu.memory_space<vmem_shared>> -> memref<32x128xf32, #tpu.memory_space<vmem_shared>>
      %dma_wait3A_349 = arith.constant 0 : i32
      %dma_wait3A_350 = arith.constant 0 : i32
      %dma_wait3A_351 = tpu.memref_slice %arg12[%dma_wait3A_349, %dma_wait3A_350] : memref<120x128xf32, #tpu.memory_space<vmem>> -> memref<32x128xf32, #tpu.memory_space<vmem>>
      tpu.wait_dma2 semaphore(%run_scoped3A : memref<!tpu.dma_semaphore, #tpu.memory_space<semaphore_mem>>) src(%dma_wait3A_351 : memref<32x128xf32, #tpu.memory_space<vmem>>) dst(%dma_wait3A_348 : memref<32x128xf32, #tpu.memory_space<vmem_shared>>)
      tpu.yield
    }) : () -> ()
    %barrier3A = arith.constant 0 : index
    tpu.barrier barrier_id(%barrier3A)
    %mul3A_30 = arith.constant 322560 : i32
    %mul3A_31 = arith.muli %add3A_3, %mul3A_30 : i32
    %add3A_32 = arith.addi %mul3A_31, %mul3A_0 : i32
    %add3A_33 = arith.constant 0 : i32
    %add3A_34 = arith.addi %add3A_32, %add3A_33 : i32
    %multiple_of3A_35 = tpu.assume_multiple %add3A_34, 8 : i32
    "tpu.region"() ({
      %run_scoped3A = tpu.sem_alloc : memref<!tpu.dma_semaphore, #tpu.memory_space<semaphore_mem>>
      %dma_start3A_332 = tpu.memref_slice %arg3[%multiple_of3A_35] : memref<1290240xi32, #tpu.memory_space<hbm>> -> memref<120xi32, #tpu.memory_space<hbm>>
      %dma_start3A_333 = tpu.memref_slice %arg3[%multiple_of3A_35] : memref<1290240xi32, #tpu.memory_space<hbm>> -> memref<120xi32, #tpu.memory_space<hbm>>
      tpu.enqueue_dma source(%dma_start3A_333 : memref<120xi32, #tpu.memory_space<hbm>>) target(%arg6 : memref<120xi32, #tpu.memory_space<vmem>>) target_semaphore(%run_scoped3A : memref<!tpu.dma_semaphore, #tpu.memory_space<semaphore_mem>>)
      %dma_wait3A_334 = tpu.memref_slice %arg3[%multiple_of3A_35] : memref<1290240xi32, #tpu.memory_space<hbm>> -> memref<120xi32, #tpu.memory_space<hbm>>
      %dma_wait3A_335 = tpu.memref_slice %arg3[%multiple_of3A_35] : memref<1290240xi32, #tpu.memory_space<hbm>> -> memref<120xi32, #tpu.memory_space<hbm>>
      tpu.wait_dma2 semaphore(%run_scoped3A : memref<!tpu.dma_semaphore, #tpu.memory_space<semaphore_mem>>) src(%dma_wait3A_335 : memref<120xi32, #tpu.memory_space<hbm>>) dst(%arg6 : memref<120xi32, #tpu.memory_space<vmem>>)
      tpu.yield
    }) : () -> ()
    %add3A_36 = arith.constant 0 : i32
    %add3A_37 = arith.addi %mul3A_0, %add3A_36 : i32
    %multiple_of3A_38 = tpu.assume_multiple %add3A_37, 8 : i32
    "tpu.region"() ({
      %run_scoped3A = tpu.sem_alloc : memref<!tpu.dma_semaphore, #tpu.memory_space<semaphore_mem>>
      %dma_start3A_332 = tpu.memref_slice %arg4[%multiple_of3A_38] : memref<322560xi32, #tpu.memory_space<hbm>> -> memref<120xi32, #tpu.memory_space<hbm>>
      %dma_start3A_333 = tpu.memref_slice %arg4[%multiple_of3A_38] : memref<322560xi32, #tpu.memory_space<hbm>> -> memref<120xi32, #tpu.memory_space<hbm>>
      tpu.enqueue_dma source(%dma_start3A_333 : memref<120xi32, #tpu.memory_space<hbm>>) target(%arg9 : memref<120xi32, #tpu.memory_space<vmem>>) target_semaphore(%run_scoped3A : memref<!tpu.dma_semaphore, #tpu.memory_space<semaphore_mem>>)
      %dma_wait3A_334 = tpu.memref_slice %arg4[%multiple_of3A_38] : memref<322560xi32, #tpu.memory_space<hbm>> -> memref<120xi32, #tpu.memory_space<hbm>>
      %dma_wait3A_335 = tpu.memref_slice %arg4[%multiple_of3A_38] : memref<322560xi32, #tpu.memory_space<hbm>> -> memref<120xi32, #tpu.memory_space<hbm>>
      tpu.wait_dma2 semaphore(%run_scoped3A : memref<!tpu.dma_semaphore, #tpu.memory_space<semaphore_mem>>) src(%dma_wait3A_335 : memref<120xi32, #tpu.memory_space<hbm>>) dst(%arg9 : memref<120xi32, #tpu.memory_space<vmem>>)
      tpu.yield
    }) : () -> ()
    %dma_start3A = arith.constant 0 : i32
    %dma_start3A_39 = arith.constant 0 : i32
    %dma_start3A_40 = tpu.memref_slice %arg2[%dma_start3A, %dma_start3A_39] : memref<40000x128xf32, #tpu.memory_space<hbm>> -> memref<40000x128xf32, #tpu.memory_space<hbm>>
    tpu.enqueue_indirect_dma source(%dma_start3A_40 : memref<40000x128xf32, #tpu.memory_space<hbm>>) target(%arg12 : memref<120x128xf32, #tpu.memory_space<vmem>>) offsets(%arg6 : memref<120xi32, #tpu.memory_space<vmem>>) semaphore(%arg16 : memref<!tpu.dma_semaphore, #tpu.memory_space<semaphore_mem>>)
    %mul3A_41 = arith.constant 322560 : i32
    %mul3A_42 = arith.muli %add3A_3, %mul3A_41 : i32
    %add3A_43 = arith.addi %mul3A_42, %mul3A_0 : i32
    %add3A_44 = arith.constant 120 : i32
    %add3A_45 = arith.addi %add3A_43, %add3A_44 : i32
    %multiple_of3A_46 = tpu.assume_multiple %add3A_45, 8 : i32
    "tpu.region"() ({
      %run_scoped3A = tpu.sem_alloc : memref<!tpu.dma_semaphore, #tpu.memory_space<semaphore_mem>>
      %dma_start3A_332 = tpu.memref_slice %arg3[%multiple_of3A_46] : memref<1290240xi32, #tpu.memory_space<hbm>> -> memref<120xi32, #tpu.memory_space<hbm>>
      %dma_start3A_333 = tpu.memref_slice %arg3[%multiple_of3A_46] : memref<1290240xi32, #tpu.memory_space<hbm>> -> memref<120xi32, #tpu.memory_space<hbm>>
      tpu.enqueue_dma source(%dma_start3A_333 : memref<120xi32, #tpu.memory_space<hbm>>) target(%arg7 : memref<120xi32, #tpu.memory_space<vmem>>) target_semaphore(%run_scoped3A : memref<!tpu.dma_semaphore, #tpu.memory_space<semaphore_mem>>)
      %dma_wait3A_334 = tpu.memref_slice %arg3[%multiple_of3A_46] : memref<1290240xi32, #tpu.memory_space<hbm>> -> memref<120xi32, #tpu.memory_space<hbm>>
      %dma_wait3A_335 = tpu.memref_slice %arg3[%multiple_of3A_46] : memref<1290240xi32, #tpu.memory_space<hbm>> -> memref<120xi32, #tpu.memory_space<hbm>>
      tpu.wait_dma2 semaphore(%run_scoped3A : memref<!tpu.dma_semaphore, #tpu.memory_space<semaphore_mem>>) src(%dma_wait3A_335 : memref<120xi32, #tpu.memory_space<hbm>>) dst(%arg7 : memref<120xi32, #tpu.memory_space<vmem>>)
      tpu.yield
    }) : () -> ()
    %add3A_47 = arith.constant 120 : i32
    %add3A_48 = arith.addi %mul3A_0, %add3A_47 : i32
    %multiple_of3A_49 = tpu.assume_multiple %add3A_48, 8 : i32
    "tpu.region"() ({
      %run_scoped3A = tpu.sem_alloc : memref<!tpu.dma_semaphore, #tpu.memory_space<semaphore_mem>>
      %dma_start3A_332 = tpu.memref_slice %arg4[%multiple_of3A_49] : memref<322560xi32, #tpu.memory_space<hbm>> -> memref<120xi32, #tpu.memory_space<hbm>>
      %dma_start3A_333 = tpu.memref_slice %arg4[%multiple_of3A_49] : memref<322560xi32, #tpu.memory_space<hbm>> -> memref<120xi32, #tpu.memory_space<hbm>>
      tpu.enqueue_dma source(%dma_start3A_333 : memref<120xi32, #tpu.memory_space<hbm>>) target(%arg10 : memref<120xi32, #tpu.memory_space<vmem>>) target_semaphore(%run_scoped3A : memref<!tpu.dma_semaphore, #tpu.memory_space<semaphore_mem>>)
      %dma_wait3A_334 = tpu.memref_slice %arg4[%multiple_of3A_49] : memref<322560xi32, #tpu.memory_space<hbm>> -> memref<120xi32, #tpu.memory_space<hbm>>
      %dma_wait3A_335 = tpu.memref_slice %arg4[%multiple_of3A_49] : memref<322560xi32, #tpu.memory_space<hbm>> -> memref<120xi32, #tpu.memory_space<hbm>>
      tpu.wait_dma2 semaphore(%run_scoped3A : memref<!tpu.dma_semaphore, #tpu.memory_space<semaphore_mem>>) src(%dma_wait3A_335 : memref<120xi32, #tpu.memory_space<hbm>>) dst(%arg10 : memref<120xi32, #tpu.memory_space<vmem>>)
      tpu.yield
    }) : () -> ()
    %dma_wait3A = arith.constant 0 : i32
    %dma_wait3A_50 = arith.constant 0 : i32
    %dma_wait3A_51 = tpu.memref_slice %arg2[%dma_wait3A, %dma_wait3A_50] : memref<40000x128xf32, #tpu.memory_space<hbm>> -> memref<40000x128xf32, #tpu.memory_space<hbm>>
    tpu.wait_indirect_dma semaphore(%arg16 : memref<!tpu.dma_semaphore, #tpu.memory_space<semaphore_mem>>) src(%dma_wait3A_51 : memref<40000x128xf32, #tpu.memory_space<hbm>>) dst(%arg12 : memref<120x128xf32, #tpu.memory_space<vmem>>)
    %dma_start3A_52 = arith.constant 0 : i32
    %dma_start3A_53 = arith.constant 0 : i32
    %dma_start3A_54 = tpu.memref_slice %arg2[%dma_start3A_52, %dma_start3A_53] : memref<40000x128xf32, #tpu.memory_space<hbm>> -> memref<40000x128xf32, #tpu.memory_space<hbm>>
    tpu.enqueue_indirect_dma source(%dma_start3A_54 : memref<40000x128xf32, #tpu.memory_space<hbm>>) target(%arg13 : memref<120x128xf32, #tpu.memory_space<vmem>>) offsets(%arg7 : memref<120xi32, #tpu.memory_space<vmem>>) semaphore(%arg16 : memref<!tpu.dma_semaphore, #tpu.memory_space<semaphore_mem>>)
    "tpu.region"() ({
      %run_scoped3A = tpu.sem_alloc : memref<!tpu.dma_semaphore, #tpu.memory_space<semaphore_mem>>
      %dma_start3A_332 = arith.constant 0 : i32
      %dma_start3A_333 = arith.constant 0 : i32
      %dma_start3A_334 = tpu.memref_slice %arg15[%dma_start3A_332, %dma_start3A_333] : memref<10112x128xf32, #tpu.memory_space<vmem_shared>> -> memref<10112x128xf32, #tpu.memory_space<vmem_shared>>
      tpu.enqueue_indirect_dma source(%arg12 : memref<120x128xf32, #tpu.memory_space<vmem>>) target(%dma_start3A_334 : memref<10112x128xf32, #tpu.memory_space<vmem_shared>>) offsets(%arg9 : memref<120xi32, #tpu.memory_space<vmem>>) semaphore(%run_scoped3A : memref<!tpu.dma_semaphore, #tpu.memory_space<semaphore_mem>>) {add = true}
      %dma_wait3A_335 = arith.constant 0 : i32
      %dma_wait3A_336 = arith.constant 0 : i32
      %dma_wait3A_337 = tpu.memref_slice %arg15[%dma_wait3A_335, %dma_wait3A_336] : memref<10112x128xf32, #tpu.memory_space<vmem_shared>> -> memref<10112x128xf32, #tpu.memory_space<vmem_shared>>
      tpu.wait_indirect_dma semaphore(%run_scoped3A : memref<!tpu.dma_semaphore, #tpu.memory_space<semaphore_mem>>) src(%arg12 : memref<120x128xf32, #tpu.memory_space<vmem>>) dst(%dma_wait3A_337 : memref<10112x128xf32, #tpu.memory_space<vmem_shared>>)
      tpu.yield
    }) : () -> ()
    %mul3A_55 = arith.constant 322560 : i32
    %mul3A_56 = arith.muli %add3A_3, %mul3A_55 : i32
    %add3A_57 = arith.addi %mul3A_56, %mul3A_0 : i32
    %add3A_58 = arith.constant 240 : i32
    %add3A_59 = arith.addi %add3A_57, %add3A_58 : i32
    %multiple_of3A_60 = tpu.assume_multiple %add3A_59, 8 : i32
    "tpu.region"() ({
      %run_scoped3A = tpu.sem_alloc : memref<!tpu.dma_semaphore, #tpu.memory_space<semaphore_mem>>
      %dma_start3A_332 = tpu.memref_slice %arg3[%multiple_of3A_60] : memref<1290240xi32, #tpu.memory_space<hbm>> -> memref<120xi32, #tpu.memory_space<hbm>>
      %dma_start3A_333 = tpu.memref_slice %arg3[%multiple_of3A_60] : memref<1290240xi32, #tpu.memory_space<hbm>> -> memref<120xi32, #tpu.memory_space<hbm>>
      tpu.enqueue_dma source(%dma_start3A_333 : memref<120xi32, #tpu.memory_space<hbm>>) target(%arg8 : memref<120xi32, #tpu.memory_space<vmem>>) target_semaphore(%run_scoped3A : memref<!tpu.dma_semaphore, #tpu.memory_space<semaphore_mem>>)
      %dma_wait3A_334 = tpu.memref_slice %arg3[%multiple_of3A_60] : memref<1290240xi32, #tpu.memory_space<hbm>> -> memref<120xi32, #tpu.memory_space<hbm>>
      %dma_wait3A_335 = tpu.memref_slice %arg3[%multiple_of3A_60] : memref<1290240xi32, #tpu.memory_space<hbm>> -> memref<120xi32, #tpu.memory_space<hbm>>
      tpu.wait_dma2 semaphore(%run_scoped3A : memref<!tpu.dma_semaphore, #tpu.memory_space<semaphore_mem>>) src(%dma_wait3A_335 : memref<120xi32, #tpu.memory_space<hbm>>) dst(%arg8 : memref<120xi32, #tpu.memory_space<vmem>>)
      tpu.yield
    }) : () -> ()
    %add3A_61 = arith.constant 240 : i32
    %add3A_62 = arith.addi %mul3A_0, %add3A_61 : i32
    %multiple_of3A_63 = tpu.assume_multiple %add3A_62, 8 : i32
    "tpu.region"() ({
      %run_scoped3A = tpu.sem_alloc : memref<!tpu.dma_semaphore, #tpu.memory_space<semaphore_mem>>
      %dma_start3A_332 = tpu.memref_slice %arg4[%multiple_of3A_63] : memref<322560xi32, #tpu.memory_space<hbm>> -> memref<120xi32, #tpu.memory_space<hbm>>
      %dma_start3A_333 = tpu.memref_slice %arg4[%multiple_of3A_63] : memref<322560xi32, #tpu.memory_space<hbm>> -> memref<120xi32, #tpu.memory_space<hbm>>
      tpu.enqueue_dma source(%dma_start3A_333 : memref<120xi32, #tpu.memory_space<hbm>>) target(%arg11 : memref<120xi32, #tpu.memory_space<vmem>>) target_semaphore(%run_scoped3A : memref<!tpu.dma_semaphore, #tpu.memory_space<semaphore_mem>>)
      %dma_wait3A_334 = tpu.memref_slice %arg4[%multiple_of3A_63] : memref<322560xi32, #tpu.memory_space<hbm>> -> memref<120xi32, #tpu.memory_space<hbm>>
      %dma_wait3A_335 = tpu.memref_slice %arg4[%multiple_of3A_63] : memref<322560xi32, #tpu.memory_space<hbm>> -> memref<120xi32, #tpu.memory_space<hbm>>
      tpu.wait_dma2 semaphore(%run_scoped3A : memref<!tpu.dma_semaphore, #tpu.memory_space<semaphore_mem>>) src(%dma_wait3A_335 : memref<120xi32, #tpu.memory_space<hbm>>) dst(%arg11 : memref<120xi32, #tpu.memory_space<vmem>>)
      tpu.yield
    }) : () -> ()
    %dma_wait3A_64 = arith.constant 0 : i32
    %dma_wait3A_65 = arith.constant 0 : i32
    %dma_wait3A_66 = tpu.memref_slice %arg2[%dma_wait3A_64, %dma_wait3A_65] : memref<40000x128xf32, #tpu.memory_space<hbm>> -> memref<40000x128xf32, #tpu.memory_space<hbm>>
    tpu.wait_indirect_dma semaphore(%arg16 : memref<!tpu.dma_semaphore, #tpu.memory_space<semaphore_mem>>) src(%dma_wait3A_66 : memref<40000x128xf32, #tpu.memory_space<hbm>>) dst(%arg13 : memref<120x128xf32, #tpu.memory_space<vmem>>)
    %dma_start3A_67 = arith.constant 0 : i32
    %dma_start3A_68 = arith.constant 0 : i32
    %dma_start3A_69 = tpu.memref_slice %arg2[%dma_start3A_67, %dma_start3A_68] : memref<40000x128xf32, #tpu.memory_space<hbm>> -> memref<40000x128xf32, #tpu.memory_space<hbm>>
    tpu.enqueue_indirect_dma source(%dma_start3A_69 : memref<40000x128xf32, #tpu.memory_space<hbm>>) target(%arg14 : memref<120x128xf32, #tpu.memory_space<vmem>>) offsets(%arg8 : memref<120xi32, #tpu.memory_space<vmem>>) semaphore(%arg16 : memref<!tpu.dma_semaphore, #tpu.memory_space<semaphore_mem>>)
    "tpu.region"() ({
      %run_scoped3A = tpu.sem_alloc : memref<!tpu.dma_semaphore, #tpu.memory_space<semaphore_mem>>
      %dma_start3A_332 = arith.constant 0 : i32
      %dma_start3A_333 = arith.constant 0 : i32
      %dma_start3A_334 = tpu.memref_slice %arg15[%dma_start3A_332, %dma_start3A_333] : memref<10112x128xf32, #tpu.memory_space<vmem_shared>> -> memref<10112x128xf32, #tpu.memory_space<vmem_shared>>
      tpu.enqueue_indirect_dma source(%arg13 : memref<120x128xf32, #tpu.memory_space<vmem>>) target(%dma_start3A_334 : memref<10112x128xf32, #tpu.memory_space<vmem_shared>>) offsets(%arg10 : memref<120xi32, #tpu.memory_space<vmem>>) semaphore(%run_scoped3A : memref<!tpu.dma_semaphore, #tpu.memory_space<semaphore_mem>>) {add = true}
      %dma_wait3A_335 = arith.constant 0 : i32
      %dma_wait3A_336 = arith.constant 0 : i32
      %dma_wait3A_337 = tpu.memref_slice %arg15[%dma_wait3A_335, %dma_wait3A_336] : memref<10112x128xf32, #tpu.memory_space<vmem_shared>> -> memref<10112x128xf32, #tpu.memory_space<vmem_shared>>
      tpu.wait_indirect_dma semaphore(%run_scoped3A : memref<!tpu.dma_semaphore, #tpu.memory_space<semaphore_mem>>) src(%arg13 : memref<120x128xf32, #tpu.memory_space<vmem>>) dst(%dma_wait3A_337 : memref<10112x128xf32, #tpu.memory_space<vmem_shared>>)
      tpu.yield
    }) : () -> ()
    %mul3A_70 = arith.constant 322560 : i32
    %mul3A_71 = arith.muli %add3A_3, %mul3A_70 : i32
    %add3A_72 = arith.addi %mul3A_71, %mul3A_0 : i32
    %add3A_73 = arith.constant 360 : i32
    %add3A_74 = arith.addi %add3A_72, %add3A_73 : i32
    %multiple_of3A_75 = tpu.assume_multiple %add3A_74, 8 : i32
    "tpu.region"() ({
      %run_scoped3A = tpu.sem_alloc : memref<!tpu.dma_semaphore, #tpu.memory_space<semaphore_mem>>
      %dma_start3A_332 = tpu.memref_slice %arg3[%multiple_of3A_75] : memref<1290240xi32, #tpu.memory_space<hbm>> -> memref<120xi32, #tpu.memory_space<hbm>>
      %dma_start3A_333 = tpu.memref_slice %arg3[%multiple_of3A_75] : memref<1290240xi32, #tpu.memory_space<hbm>> -> memref<120xi32, #tpu.memory_space<hbm>>
      tpu.enqueue_dma source(%dma_start3A_333 : memref<120xi32, #tpu.memory_space<hbm>>) target(%arg6 : memref<120xi32, #tpu.memory_space<vmem>>) target_semaphore(%run_scoped3A : memref<!tpu.dma_semaphore, #tpu.memory_space<semaphore_mem>>)
      %dma_wait3A_334 = tpu.memref_slice %arg3[%multiple_of3A_75] : memref<1290240xi32, #tpu.memory_space<hbm>> -> memref<120xi32, #tpu.memory_space<hbm>>
      %dma_wait3A_335 = tpu.memref_slice %arg3[%multiple_of3A_75] : memref<1290240xi32, #tpu.memory_space<hbm>> -> memref<120xi32, #tpu.memory_space<hbm>>
      tpu.wait_dma2 semaphore(%run_scoped3A : memref<!tpu.dma_semaphore, #tpu.memory_space<semaphore_mem>>) src(%dma_wait3A_335 : memref<120xi32, #tpu.memory_space<hbm>>) dst(%arg6 : memref<120xi32, #tpu.memory_space<vmem>>)
      tpu.yield
    }) : () -> ()
    %add3A_76 = arith.constant 360 : i32
    %add3A_77 = arith.addi %mul3A_0, %add3A_76 : i32
    %multiple_of3A_78 = tpu.assume_multiple %add3A_77, 8 : i32
    "tpu.region"() ({
      %run_scoped3A = tpu.sem_alloc : memref<!tpu.dma_semaphore, #tpu.memory_space<semaphore_mem>>
      %dma_start3A_332 = tpu.memref_slice %arg4[%multiple_of3A_78] : memref<322560xi32, #tpu.memory_space<hbm>> -> memref<120xi32, #tpu.memory_space<hbm>>
      %dma_start3A_333 = tpu.memref_slice %arg4[%multiple_of3A_78] : memref<322560xi32, #tpu.memory_space<hbm>> -> memref<120xi32, #tpu.memory_space<hbm>>
      tpu.enqueue_dma source(%dma_start3A_333 : memref<120xi32, #tpu.memory_space<hbm>>) target(%arg9 : memref<120xi32, #tpu.memory_space<vmem>>) target_semaphore(%run_scoped3A : memref<!tpu.dma_semaphore, #tpu.memory_space<semaphore_mem>>)
      %dma_wait3A_334 = tpu.memref_slice %arg4[%multiple_of3A_78] : memref<322560xi32, #tpu.memory_space<hbm>> -> memref<120xi32, #tpu.memory_space<hbm>>
      %dma_wait3A_335 = tpu.memref_slice %arg4[%multiple_of3A_78] : memref<322560xi32, #tpu.memory_space<hbm>> -> memref<120xi32, #tpu.memory_space<hbm>>
      tpu.wait_dma2 semaphore(%run_scoped3A : memref<!tpu.dma_semaphore, #tpu.memory_space<semaphore_mem>>) src(%dma_wait3A_335 : memref<120xi32, #tpu.memory_space<hbm>>) dst(%arg9 : memref<120xi32, #tpu.memory_space<vmem>>)
      tpu.yield
    }) : () -> ()
    %dma_wait3A_79 = arith.constant 0 : i32
    %dma_wait3A_80 = arith.constant 0 : i32
    %dma_wait3A_81 = tpu.memref_slice %arg2[%dma_wait3A_79, %dma_wait3A_80] : memref<40000x128xf32, #tpu.memory_space<hbm>> -> memref<40000x128xf32, #tpu.memory_space<hbm>>
    tpu.wait_indirect_dma semaphore(%arg16 : memref<!tpu.dma_semaphore, #tpu.memory_space<semaphore_mem>>) src(%dma_wait3A_81 : memref<40000x128xf32, #tpu.memory_space<hbm>>) dst(%arg14 : memref<120x128xf32, #tpu.memory_space<vmem>>)
    %dma_start3A_82 = arith.constant 0 : i32
    %dma_start3A_83 = arith.constant 0 : i32
    %dma_start3A_84 = tpu.memref_slice %arg2[%dma_start3A_82, %dma_start3A_83] : memref<40000x128xf32, #tpu.memory_space<hbm>> -> memref<40000x128xf32, #tpu.memory_space<hbm>>
    tpu.enqueue_indirect_dma source(%dma_start3A_84 : memref<40000x128xf32, #tpu.memory_space<hbm>>) target(%arg12 : memref<120x128xf32, #tpu.memory_space<vmem>>) offsets(%arg6 : memref<120xi32, #tpu.memory_space<vmem>>) semaphore(%arg16 : memref<!tpu.dma_semaphore, #tpu.memory_space<semaphore_mem>>)
    "tpu.region"() ({
      %run_scoped3A = tpu.sem_alloc : memref<!tpu.dma_semaphore, #tpu.memory_space<semaphore_mem>>
      %dma_start3A_332 = arith.constant 0 : i32
      %dma_start3A_333 = arith.constant 0 : i32
      %dma_start3A_334 = tpu.memref_slice %arg15[%dma_start3A_332, %dma_start3A_333] : memref<10112x128xf32, #tpu.memory_space<vmem_shared>> -> memref<10112x128xf32, #tpu.memory_space<vmem_shared>>
      tpu.enqueue_indirect_dma source(%arg14 : memref<120x128xf32, #tpu.memory_space<vmem>>) target(%dma_start3A_334 : memref<10112x128xf32, #tpu.memory_space<vmem_shared>>) offsets(%arg11 : memref<120xi32, #tpu.memory_space<vmem>>) semaphore(%run_scoped3A : memref<!tpu.dma_semaphore, #tpu.memory_space<semaphore_mem>>) {add = true}
      %dma_wait3A_335 = arith.constant 0 : i32
      %dma_wait3A_336 = arith.constant 0 : i32
      %dma_wait3A_337 = tpu.memref_slice %arg15[%dma_wait3A_335, %dma_wait3A_336] : memref<10112x128xf32, #tpu.memory_space<vmem_shared>> -> memref<10112x128xf32, #tpu.memory_space<vmem_shared>>
      tpu.wait_indirect_dma semaphore(%run_scoped3A : memref<!tpu.dma_semaphore, #tpu.memory_space<semaphore_mem>>) src(%arg14 : memref<120x128xf32, #tpu.memory_space<vmem>>) dst(%dma_wait3A_337 : memref<10112x128xf32, #tpu.memory_space<vmem_shared>>)
      tpu.yield
    }) : () -> ()
    %scan3A_85 = arith.constant 0 : i32
    %scan3A_86 = arith.constant 1 : i32
    %scan3A_87 = arith.constant 54 : i32
    %scan3A_88 = arith.addi %scan3A_86, %scan3A_87 : i32
    %scan3A_89 = arith.constant 1 : i32
    %scan3A_90 = scf.for %scan3A_332 = %scan3A_86 to %scan3A_88 step %scan3A_89 iter_args(%scan3A_333 = %scan3A_85) -> (i32)  : i32 {
      %mul3A_334 = arith.constant 3 : i32
      %mul3A_335 = arith.muli %scan3A_332, %mul3A_334 : i32
      %add3A_336 = arith.constant 1 : i32
      %add3A_337 = arith.addi %mul3A_335, %add3A_336 : i32
      %mul3A_338 = arith.constant 322560 : i32
      %mul3A_339 = arith.muli %add3A_3, %mul3A_338 : i32
      %add3A_340 = arith.addi %mul3A_339, %mul3A_0 : i32
      %mul3A_341 = arith.constant 120 : i32
      %mul3A_342 = arith.muli %add3A_337, %mul3A_341 : i32
      %add3A_343 = arith.addi %add3A_340, %mul3A_342 : i32
      %multiple_of3A_344 = tpu.assume_multiple %add3A_343, 8 : i32
      "tpu.region"() ({
        %run_scoped3A = tpu.sem_alloc : memref<!tpu.dma_semaphore, #tpu.memory_space<semaphore_mem>>
        %dma_start3A_398 = tpu.memref_slice %arg3[%multiple_of3A_344] : memref<1290240xi32, #tpu.memory_space<hbm>> -> memref<120xi32, #tpu.memory_space<hbm>>
        %dma_start3A_399 = tpu.memref_slice %arg3[%multiple_of3A_344] : memref<1290240xi32, #tpu.memory_space<hbm>> -> memref<120xi32, #tpu.memory_space<hbm>>
        tpu.enqueue_dma source(%dma_start3A_399 : memref<120xi32, #tpu.memory_space<hbm>>) target(%arg7 : memref<120xi32, #tpu.memory_space<vmem>>) target_semaphore(%run_scoped3A : memref<!tpu.dma_semaphore, #tpu.memory_space<semaphore_mem>>)
        %dma_wait3A_400 = tpu.memref_slice %arg3[%multiple_of3A_344] : memref<1290240xi32, #tpu.memory_space<hbm>> -> memref<120xi32, #tpu.memory_space<hbm>>
        %dma_wait3A_401 = tpu.memref_slice %arg3[%multiple_of3A_344] : memref<1290240xi32, #tpu.memory_space<hbm>> -> memref<120xi32, #tpu.memory_space<hbm>>
        tpu.wait_dma2 semaphore(%run_scoped3A : memref<!tpu.dma_semaphore, #tpu.memory_space<semaphore_mem>>) src(%dma_wait3A_401 : memref<120xi32, #tpu.memory_space<hbm>>) dst(%arg7 : memref<120xi32, #tpu.memory_space<vmem>>)
        tpu.yield
      }) : () -> ()
      %mul3A_345 = arith.constant 120 : i32
      %mul3A_346 = arith.muli %add3A_337, %mul3A_345 : i32
      %add3A_347 = arith.addi %mul3A_0, %mul3A_346 : i32
      %multiple_of3A_348 = tpu.assume_multiple %add3A_347, 8 : i32
      "tpu.region"() ({
        %run_scoped3A = tpu.sem_alloc : memref<!tpu.dma_semaphore, #tpu.memory_space<semaphore_mem>>
        %dma_start3A_398 = tpu.memref_slice %arg4[%multiple_of3A_348] : memref<322560xi32, #tpu.memory_space<hbm>> -> memref<120xi32, #tpu.memory_space<hbm>>
        %dma_start3A_399 = tpu.memref_slice %arg4[%multiple_of3A_348] : memref<322560xi32, #tpu.memory_space<hbm>> -> memref<120xi32, #tpu.memory_space<hbm>>
        tpu.enqueue_dma source(%dma_start3A_399 : memref<120xi32, #tpu.memory_space<hbm>>) target(%arg10 : memref<120xi32, #tpu.memory_space<vmem>>) target_semaphore(%run_scoped3A : memref<!tpu.dma_semaphore, #tpu.memory_space<semaphore_mem>>)
        %dma_wait3A_400 = tpu.memref_slice %arg4[%multiple_of3A_348] : memref<322560xi32, #tpu.memory_space<hbm>> -> memref<120xi32, #tpu.memory_space<hbm>>
        %dma_wait3A_401 = tpu.memref_slice %arg4[%multiple_of3A_348] : memref<322560xi32, #tpu.memory_space<hbm>> -> memref<120xi32, #tpu.memory_space<hbm>>
        tpu.wait_dma2 semaphore(%run_scoped3A : memref<!tpu.dma_semaphore, #tpu.memory_space<semaphore_mem>>) src(%dma_wait3A_401 : memref<120xi32, #tpu.memory_space<hbm>>) dst(%arg10 : memref<120xi32, #tpu.memory_space<vmem>>)
        tpu.yield
      }) : () -> ()
      %dma_wait3A_349 = arith.constant 0 : i32
      %dma_wait3A_350 = arith.constant 0 : i32
      %dma_wait3A_351 = tpu.memref_slice %arg2[%dma_wait3A_349, %dma_wait3A_350] : memref<40000x128xf32, #tpu.memory_space<hbm>> -> memref<40000x128xf32, #tpu.memory_space<hbm>>
      tpu.wait_indirect_dma semaphore(%arg16 : memref<!tpu.dma_semaphore, #tpu.memory_space<semaphore_mem>>) src(%dma_wait3A_351 : memref<40000x128xf32, #tpu.memory_space<hbm>>) dst(%arg12 : memref<120x128xf32, #tpu.memory_space<vmem>>)
      %dma_start3A_352 = arith.constant 0 : i32
      %dma_start3A_353 = arith.constant 0 : i32
      %dma_start3A_354 = tpu.memref_slice %arg2[%dma_start3A_352, %dma_start3A_353] : memref<40000x128xf32, #tpu.memory_space<hbm>> -> memref<40000x128xf32, #tpu.memory_space<hbm>>
      tpu.enqueue_indirect_dma source(%dma_start3A_354 : memref<40000x128xf32, #tpu.memory_space<hbm>>) target(%arg13 : memref<120x128xf32, #tpu.memory_space<vmem>>) offsets(%arg7 : memref<120xi32, #tpu.memory_space<vmem>>) semaphore(%arg16 : memref<!tpu.dma_semaphore, #tpu.memory_space<semaphore_mem>>)
      "tpu.region"() ({
        %run_scoped3A = tpu.sem_alloc : memref<!tpu.dma_semaphore, #tpu.memory_space<semaphore_mem>>
        %dma_start3A_398 = arith.constant 0 : i32
        %dma_start3A_399 = arith.constant 0 : i32
        %dma_start3A_400 = tpu.memref_slice %arg15[%dma_start3A_398, %dma_start3A_399] : memref<10112x128xf32, #tpu.memory_space<vmem_shared>> -> memref<10112x128xf32, #tpu.memory_space<vmem_shared>>
        tpu.enqueue_indirect_dma source(%arg12 : memref<120x128xf32, #tpu.memory_space<vmem>>) target(%dma_start3A_400 : memref<10112x128xf32, #tpu.memory_space<vmem_shared>>) offsets(%arg9 : memref<120xi32, #tpu.memory_space<vmem>>) semaphore(%run_scoped3A : memref<!tpu.dma_semaphore, #tpu.memory_space<semaphore_mem>>) {add = true}
        %dma_wait3A_401 = arith.constant 0 : i32
        %dma_wait3A_402 = arith.constant 0 : i32
        %dma_wait3A_403 = tpu.memref_slice %arg15[%dma_wait3A_401, %dma_wait3A_402] : memref<10112x128xf32, #tpu.memory_space<vmem_shared>> -> memref<10112x128xf32, #tpu.memory_space<vmem_shared>>
        tpu.wait_indirect_dma semaphore(%run_scoped3A : memref<!tpu.dma_semaphore, #tpu.memory_space<semaphore_mem>>) src(%arg12 : memref<120x128xf32, #tpu.memory_space<vmem>>) dst(%dma_wait3A_403 : memref<10112x128xf32, #tpu.memory_space<vmem_shared>>)
        tpu.yield
      }) : () -> ()
      %add3A_355 = arith.constant 1 : i32
      %add3A_356 = arith.addi %mul3A_335, %add3A_355 : i32
      %add3A_357 = arith.constant 1 : i32
      %add3A_358 = arith.addi %add3A_356, %add3A_357 : i32
      %mul3A_359 = arith.constant 322560 : i32
      %mul3A_360 = arith.muli %add3A_3, %mul3A_359 : i32
      %add3A_361 = arith.addi %mul3A_360, %mul3A_0 : i32
      %mul3A_362 = arith.constant 120 : i32
      %mul3A_363 = arith.muli %add3A_358, %mul3A_362 : i32
      %add3A_364 = arith.addi %add3A_361, %mul3A_363 : i32
      %multiple_of3A_365 = tpu.assume_multiple %add3A_364, 8 : i32
      "tpu.region"() ({
        %run_scoped3A = tpu.sem_alloc : memref<!tpu.dma_semaphore, #tpu.memory_space<semaphore_mem>>
        %dma_start3A_398 = tpu.memref_slice %arg3[%multiple_of3A_365] : memref<1290240xi32, #tpu.memory_space<hbm>> -> memref<120xi32, #tpu.memory_space<hbm>>
        %dma_start3A_399 = tpu.memref_slice %arg3[%multiple_of3A_365] : memref<1290240xi32, #tpu.memory_space<hbm>> -> memref<120xi32, #tpu.memory_space<hbm>>
        tpu.enqueue_dma source(%dma_start3A_399 : memref<120xi32, #tpu.memory_space<hbm>>) target(%arg8 : memref<120xi32, #tpu.memory_space<vmem>>) target_semaphore(%run_scoped3A : memref<!tpu.dma_semaphore, #tpu.memory_space<semaphore_mem>>)
        %dma_wait3A_400 = tpu.memref_slice %arg3[%multiple_of3A_365] : memref<1290240xi32, #tpu.memory_space<hbm>> -> memref<120xi32, #tpu.memory_space<hbm>>
        %dma_wait3A_401 = tpu.memref_slice %arg3[%multiple_of3A_365] : memref<1290240xi32, #tpu.memory_space<hbm>> -> memref<120xi32, #tpu.memory_space<hbm>>
        tpu.wait_dma2 semaphore(%run_scoped3A : memref<!tpu.dma_semaphore, #tpu.memory_space<semaphore_mem>>) src(%dma_wait3A_401 : memref<120xi32, #tpu.memory_space<hbm>>) dst(%arg8 : memref<120xi32, #tpu.memory_space<vmem>>)
        tpu.yield
      }) : () -> ()
      %mul3A_366 = arith.constant 120 : i32
      %mul3A_367 = arith.muli %add3A_358, %mul3A_366 : i32
      %add3A_368 = arith.addi %mul3A_0, %mul3A_367 : i32
      %multiple_of3A_369 = tpu.assume_multiple %add3A_368, 8 : i32
      "tpu.region"() ({
        %run_scoped3A = tpu.sem_alloc : memref<!tpu.dma_semaphore, #tpu.memory_space<semaphore_mem>>
        %dma_start3A_398 = tpu.memref_slice %arg4[%multiple_of3A_369] : memref<322560xi32, #tpu.memory_space<hbm>> -> memref<120xi32, #tpu.memory_space<hbm>>
        %dma_start3A_399 = tpu.memref_slice %arg4[%multiple_of3A_369] : memref<322560xi32, #tpu.memory_space<hbm>> -> memref<120xi32, #tpu.memory_space<hbm>>
        tpu.enqueue_dma source(%dma_start3A_399 : memref<120xi32, #tpu.memory_space<hbm>>) target(%arg11 : memref<120xi32, #tpu.memory_space<vmem>>) target_semaphore(%run_scoped3A : memref<!tpu.dma_semaphore, #tpu.memory_space<semaphore_mem>>)
        %dma_wait3A_400 = tpu.memref_slice %arg4[%multiple_of3A_369] : memref<322560xi32, #tpu.memory_space<hbm>> -> memref<120xi32, #tpu.memory_space<hbm>>
        %dma_wait3A_401 = tpu.memref_slice %arg4[%multiple_of3A_369] : memref<322560xi32, #tpu.memory_space<hbm>> -> memref<120xi32, #tpu.memory_space<hbm>>
        tpu.wait_dma2 semaphore(%run_scoped3A : memref<!tpu.dma_semaphore, #tpu.memory_space<semaphore_mem>>) src(%dma_wait3A_401 : memref<120xi32, #tpu.memory_space<hbm>>) dst(%arg11 : memref<120xi32, #tpu.memory_space<vmem>>)
        tpu.yield
      }) : () -> ()
      %dma_wait3A_370 = arith.constant 0 : i32
      %dma_wait3A_371 = arith.constant 0 : i32
      %dma_wait3A_372 = tpu.memref_slice %arg2[%dma_wait3A_370, %dma_wait3A_371] : memref<40000x128xf32, #tpu.memory_space<hbm>> -> memref<40000x128xf32, #tpu.memory_space<hbm>>
      tpu.wait_indirect_dma semaphore(%arg16 : memref<!tpu.dma_semaphore, #tpu.memory_space<semaphore_mem>>) src(%dma_wait3A_372 : memref<40000x128xf32, #tpu.memory_space<hbm>>) dst(%arg13 : memref<120x128xf32, #tpu.memory_space<vmem>>)
      %dma_start3A_373 = arith.constant 0 : i32
      %dma_start3A_374 = arith.constant 0 : i32
      %dma_start3A_375 = tpu.memref_slice %arg2[%dma_start3A_373, %dma_start3A_374] : memref<40000x128xf32, #tpu.memory_space<hbm>> -> memref<40000x128xf32, #tpu.memory_space<hbm>>
      tpu.enqueue_indirect_dma source(%dma_start3A_375 : memref<40000x128xf32, #tpu.memory_space<hbm>>) target(%arg14 : memref<120x128xf32, #tpu.memory_space<vmem>>) offsets(%arg8 : memref<120xi32, #tpu.memory_space<vmem>>) semaphore(%arg16 : memref<!tpu.dma_semaphore, #tpu.memory_space<semaphore_mem>>)
      "tpu.region"() ({
        %run_scoped3A = tpu.sem_alloc : memref<!tpu.dma_semaphore, #tpu.memory_space<semaphore_mem>>
        %dma_start3A_398 = arith.constant 0 : i32
        %dma_start3A_399 = arith.constant 0 : i32
        %dma_start3A_400 = tpu.memref_slice %arg15[%dma_start3A_398, %dma_start3A_399] : memref<10112x128xf32, #tpu.memory_space<vmem_shared>> -> memref<10112x128xf32, #tpu.memory_space<vmem_shared>>
        tpu.enqueue_indirect_dma source(%arg13 : memref<120x128xf32, #tpu.memory_space<vmem>>) target(%dma_start3A_400 : memref<10112x128xf32, #tpu.memory_space<vmem_shared>>) offsets(%arg10 : memref<120xi32, #tpu.memory_space<vmem>>) semaphore(%run_scoped3A : memref<!tpu.dma_semaphore, #tpu.memory_space<semaphore_mem>>) {add = true}
        %dma_wait3A_401 = arith.constant 0 : i32
        %dma_wait3A_402 = arith.constant 0 : i32
        %dma_wait3A_403 = tpu.memref_slice %arg15[%dma_wait3A_401, %dma_wait3A_402] : memref<10112x128xf32, #tpu.memory_space<vmem_shared>> -> memref<10112x128xf32, #tpu.memory_space<vmem_shared>>
        tpu.wait_indirect_dma semaphore(%run_scoped3A : memref<!tpu.dma_semaphore, #tpu.memory_space<semaphore_mem>>) src(%arg13 : memref<120x128xf32, #tpu.memory_space<vmem>>) dst(%dma_wait3A_403 : memref<10112x128xf32, #tpu.memory_space<vmem_shared>>)
        tpu.yield
      }) : () -> ()
      %add3A_376 = arith.constant 2 : i32
      %add3A_377 = arith.addi %mul3A_335, %add3A_376 : i32
      %add3A_378 = arith.constant 1 : i32
      %add3A_379 = arith.addi %add3A_377, %add3A_378 : i32
      %mul3A_380 = arith.constant 322560 : i32
      %mul3A_381 = arith.muli %add3A_3, %mul3A_380 : i32
      %add3A_382 = arith.addi %mul3A_381, %mul3A_0 : i32
      %mul3A_383 = arith.constant 120 : i32
      %mul3A_384 = arith.muli %add3A_379, %mul3A_383 : i32
      %add3A_385 = arith.addi %add3A_382, %mul3A_384 : i32
      %multiple_of3A_386 = tpu.assume_multiple %add3A_385, 8 : i32
      "tpu.region"() ({
        %run_scoped3A = tpu.sem_alloc : memref<!tpu.dma_semaphore, #tpu.memory_space<semaphore_mem>>
        %dma_start3A_398 = tpu.memref_slice %arg3[%multiple_of3A_386] : memref<1290240xi32, #tpu.memory_space<hbm>> -> memref<120xi32, #tpu.memory_space<hbm>>
        %dma_start3A_399 = tpu.memref_slice %arg3[%multiple_of3A_386] : memref<1290240xi32, #tpu.memory_space<hbm>> -> memref<120xi32, #tpu.memory_space<hbm>>
        tpu.enqueue_dma source(%dma_start3A_399 : memref<120xi32, #tpu.memory_space<hbm>>) target(%arg6 : memref<120xi32, #tpu.memory_space<vmem>>) target_semaphore(%run_scoped3A : memref<!tpu.dma_semaphore, #tpu.memory_space<semaphore_mem>>)
        %dma_wait3A_400 = tpu.memref_slice %arg3[%multiple_of3A_386] : memref<1290240xi32, #tpu.memory_space<hbm>> -> memref<120xi32, #tpu.memory_space<hbm>>
        %dma_wait3A_401 = tpu.memref_slice %arg3[%multiple_of3A_386] : memref<1290240xi32, #tpu.memory_space<hbm>> -> memref<120xi32, #tpu.memory_space<hbm>>
        tpu.wait_dma2 semaphore(%run_scoped3A : memref<!tpu.dma_semaphore, #tpu.memory_space<semaphore_mem>>) src(%dma_wait3A_401 : memref<120xi32, #tpu.memory_space<hbm>>) dst(%arg6 : memref<120xi32, #tpu.memory_space<vmem>>)
        tpu.yield
      }) : () -> ()
      %mul3A_387 = arith.constant 120 : i32
      %mul3A_388 = arith.muli %add3A_379, %mul3A_387 : i32
      %add3A_389 = arith.addi %mul3A_0, %mul3A_388 : i32
      %multiple_of3A_390 = tpu.assume_multiple %add3A_389, 8 : i32
      "tpu.region"() ({
        %run_scoped3A = tpu.sem_alloc : memref<!tpu.dma_semaphore, #tpu.memory_space<semaphore_mem>>
        %dma_start3A_398 = tpu.memref_slice %arg4[%multiple_of3A_390] : memref<322560xi32, #tpu.memory_space<hbm>> -> memref<120xi32, #tpu.memory_space<hbm>>
        %dma_start3A_399 = tpu.memref_slice %arg4[%multiple_of3A_390] : memref<322560xi32, #tpu.memory_space<hbm>> -> memref<120xi32, #tpu.memory_space<hbm>>
        tpu.enqueue_dma source(%dma_start3A_399 : memref<120xi32, #tpu.memory_space<hbm>>) target(%arg9 : memref<120xi32, #tpu.memory_space<vmem>>) target_semaphore(%run_scoped3A : memref<!tpu.dma_semaphore, #tpu.memory_space<semaphore_mem>>)
        %dma_wait3A_400 = tpu.memref_slice %arg4[%multiple_of3A_390] : memref<322560xi32, #tpu.memory_space<hbm>> -> memref<120xi32, #tpu.memory_space<hbm>>
        %dma_wait3A_401 = tpu.memref_slice %arg4[%multiple_of3A_390] : memref<322560xi32, #tpu.memory_space<hbm>> -> memref<120xi32, #tpu.memory_space<hbm>>
        tpu.wait_dma2 semaphore(%run_scoped3A : memref<!tpu.dma_semaphore, #tpu.memory_space<semaphore_mem>>) src(%dma_wait3A_401 : memref<120xi32, #tpu.memory_space<hbm>>) dst(%arg9 : memref<120xi32, #tpu.memory_space<vmem>>)
        tpu.yield
      }) : () -> ()
      %dma_wait3A_391 = arith.constant 0 : i32
      %dma_wait3A_392 = arith.constant 0 : i32
      %dma_wait3A_393 = tpu.memref_slice %arg2[%dma_wait3A_391, %dma_wait3A_392] : memref<40000x128xf32, #tpu.memory_space<hbm>> -> memref<40000x128xf32, #tpu.memory_space<hbm>>
      tpu.wait_indirect_dma semaphore(%arg16 : memref<!tpu.dma_semaphore, #tpu.memory_space<semaphore_mem>>) src(%dma_wait3A_393 : memref<40000x128xf32, #tpu.memory_space<hbm>>) dst(%arg14 : memref<120x128xf32, #tpu.memory_space<vmem>>)
      %dma_start3A_394 = arith.constant 0 : i32
      %dma_start3A_395 = arith.constant 0 : i32
      %dma_start3A_396 = tpu.memref_slice %arg2[%dma_start3A_394, %dma_start3A_395] : memref<40000x128xf32, #tpu.memory_space<hbm>> -> memref<40000x128xf32, #tpu.memory_space<hbm>>
      tpu.enqueue_indirect_dma source(%dma_start3A_396 : memref<40000x128xf32, #tpu.memory_space<hbm>>) target(%arg12 : memref<120x128xf32, #tpu.memory_space<vmem>>) offsets(%arg6 : memref<120xi32, #tpu.memory_space<vmem>>) semaphore(%arg16 : memref<!tpu.dma_semaphore, #tpu.memory_space<semaphore_mem>>)
      "tpu.region"() ({
        %run_scoped3A = tpu.sem_alloc : memref<!tpu.dma_semaphore, #tpu.memory_space<semaphore_mem>>
        %dma_start3A_398 = arith.constant 0 : i32
        %dma_start3A_399 = arith.constant 0 : i32
        %dma_start3A_400 = tpu.memref_slice %arg15[%dma_start3A_398, %dma_start3A_399] : memref<10112x128xf32, #tpu.memory_space<vmem_shared>> -> memref<10112x128xf32, #tpu.memory_space<vmem_shared>>
        tpu.enqueue_indirect_dma source(%arg14 : memref<120x128xf32, #tpu.memory_space<vmem>>) target(%dma_start3A_400 : memref<10112x128xf32, #tpu.memory_space<vmem_shared>>) offsets(%arg11 : memref<120xi32, #tpu.memory_space<vmem>>) semaphore(%run_scoped3A : memref<!tpu.dma_semaphore, #tpu.memory_space<semaphore_mem>>) {add = true}
        %dma_wait3A_401 = arith.constant 0 : i32
        %dma_wait3A_402 = arith.constant 0 : i32
        %dma_wait3A_403 = tpu.memref_slice %arg15[%dma_wait3A_401, %dma_wait3A_402] : memref<10112x128xf32, #tpu.memory_space<vmem_shared>> -> memref<10112x128xf32, #tpu.memory_space<vmem_shared>>
        tpu.wait_indirect_dma semaphore(%run_scoped3A : memref<!tpu.dma_semaphore, #tpu.memory_space<semaphore_mem>>) src(%arg14 : memref<120x128xf32, #tpu.memory_space<vmem>>) dst(%dma_wait3A_403 : memref<10112x128xf32, #tpu.memory_space<vmem_shared>>)
        tpu.yield
      }) : () -> ()
      %scan3A_397 = arith.constant 0 : i32
      scf.yield %scan3A_397 : i32
    }
    %scan3A_91 = arith.constant 54 : i32
    %mul3A_92 = arith.constant 322560 : i32
    %mul3A_93 = arith.muli %add3A_3, %mul3A_92 : i32
    %add3A_94 = arith.addi %mul3A_93, %mul3A_0 : i32
    %add3A_95 = arith.constant 19920 : i32
    %add3A_96 = arith.addi %add3A_94, %add3A_95 : i32
    %multiple_of3A_97 = tpu.assume_multiple %add3A_96, 8 : i32
    "tpu.region"() ({
      %run_scoped3A = tpu.sem_alloc : memref<!tpu.dma_semaphore, #tpu.memory_space<semaphore_mem>>
      %dma_start3A_332 = tpu.memref_slice %arg3[%multiple_of3A_97] : memref<1290240xi32, #tpu.memory_space<hbm>> -> memref<120xi32, #tpu.memory_space<hbm>>
      %dma_start3A_333 = tpu.memref_slice %arg3[%multiple_of3A_97] : memref<1290240xi32, #tpu.memory_space<hbm>> -> memref<120xi32, #tpu.memory_space<hbm>>
      tpu.enqueue_dma source(%dma_start3A_333 : memref<120xi32, #tpu.memory_space<hbm>>) target(%arg7 : memref<120xi32, #tpu.memory_space<vmem>>) target_semaphore(%run_scoped3A : memref<!tpu.dma_semaphore, #tpu.memory_space<semaphore_mem>>)
      %dma_wait3A_334 = tpu.memref_slice %arg3[%multiple_of3A_97] : memref<1290240xi32, #tpu.memory_space<hbm>> -> memref<120xi32, #tpu.memory_space<hbm>>
      %dma_wait3A_335 = tpu.memref_slice %arg3[%multiple_of3A_97] : memref<1290240xi32, #tpu.memory_space<hbm>> -> memref<120xi32, #tpu.memory_space<hbm>>
      tpu.wait_dma2 semaphore(%run_scoped3A : memref<!tpu.dma_semaphore, #tpu.memory_space<semaphore_mem>>) src(%dma_wait3A_335 : memref<120xi32, #tpu.memory_space<hbm>>) dst(%arg7 : memref<120xi32, #tpu.memory_space<vmem>>)
      tpu.yield
    }) : () -> ()
    %add3A_98 = arith.constant 19920 : i32
    %add3A_99 = arith.addi %mul3A_0, %add3A_98 : i32
    %multiple_of3A_100 = tpu.assume_multiple %add3A_99, 8 : i32
    "tpu.region"() ({
      %run_scoped3A = tpu.sem_alloc : memref<!tpu.dma_semaphore, #tpu.memory_space<semaphore_mem>>
      %dma_start3A_332 = tpu.memref_slice %arg4[%multiple_of3A_100] : memref<322560xi32, #tpu.memory_space<hbm>> -> memref<120xi32, #tpu.memory_space<hbm>>
      %dma_start3A_333 = tpu.memref_slice %arg4[%multiple_of3A_100] : memref<322560xi32, #tpu.memory_space<hbm>> -> memref<120xi32, #tpu.memory_space<hbm>>
      tpu.enqueue_dma source(%dma_start3A_333 : memref<120xi32, #tpu.memory_space<hbm>>) target(%arg10 : memref<120xi32, #tpu.memory_space<vmem>>) target_semaphore(%run_scoped3A : memref<!tpu.dma_semaphore, #tpu.memory_space<semaphore_mem>>)
      %dma_wait3A_334 = tpu.memref_slice %arg4[%multiple_of3A_100] : memref<322560xi32, #tpu.memory_space<hbm>> -> memref<120xi32, #tpu.memory_space<hbm>>
      %dma_wait3A_335 = tpu.memref_slice %arg4[%multiple_of3A_100] : memref<322560xi32, #tpu.memory_space<hbm>> -> memref<120xi32, #tpu.memory_space<hbm>>
      tpu.wait_dma2 semaphore(%run_scoped3A : memref<!tpu.dma_semaphore, #tpu.memory_space<semaphore_mem>>) src(%dma_wait3A_335 : memref<120xi32, #tpu.memory_space<hbm>>) dst(%arg10 : memref<120xi32, #tpu.memory_space<vmem>>)
      tpu.yield
    }) : () -> ()
    %dma_wait3A_101 = arith.constant 0 : i32
    %dma_wait3A_102 = arith.constant 0 : i32
    %dma_wait3A_103 = tpu.memref_slice %arg2[%dma_wait3A_101, %dma_wait3A_102] : memref<40000x128xf32, #tpu.memory_space<hbm>> -> memref<40000x128xf32, #tpu.memory_space<hbm>>
    tpu.wait_indirect_dma semaphore(%arg16 : memref<!tpu.dma_semaphore, #tpu.memory_space<semaphore_mem>>) src(%dma_wait3A_103 : memref<40000x128xf32, #tpu.memory_space<hbm>>) dst(%arg12 : memref<120x128xf32, #tpu.memory_space<vmem>>)
    %dma_start3A_104 = arith.constant 0 : i32
    %dma_start3A_105 = arith.constant 0 : i32
    %dma_start3A_106 = tpu.memref_slice %arg2[%dma_start3A_104, %dma_start3A_105] : memref<40000x128xf32, #tpu.memory_space<hbm>> -> memref<40000x128xf32, #tpu.memory_space<hbm>>
    tpu.enqueue_indirect_dma source(%dma_start3A_106 : memref<40000x128xf32, #tpu.memory_space<hbm>>) target(%arg13 : memref<120x128xf32, #tpu.memory_space<vmem>>) offsets(%arg7 : memref<120xi32, #tpu.memory_space<vmem>>) semaphore(%arg16 : memref<!tpu.dma_semaphore, #tpu.memory_space<semaphore_mem>>)
    "tpu.region"() ({
      %run_scoped3A = tpu.sem_alloc : memref<!tpu.dma_semaphore, #tpu.memory_space<semaphore_mem>>
      %dma_start3A_332 = arith.constant 0 : i32
      %dma_start3A_333 = arith.constant 0 : i32
      %dma_start3A_334 = tpu.memref_slice %arg15[%dma_start3A_332, %dma_start3A_333] : memref<10112x128xf32, #tpu.memory_space<vmem_shared>> -> memref<10112x128xf32, #tpu.memory_space<vmem_shared>>
      tpu.enqueue_indirect_dma source(%arg12 : memref<120x128xf32, #tpu.memory_space<vmem>>) target(%dma_start3A_334 : memref<10112x128xf32, #tpu.memory_space<vmem_shared>>) offsets(%arg9 : memref<120xi32, #tpu.memory_space<vmem>>) semaphore(%run_scoped3A : memref<!tpu.dma_semaphore, #tpu.memory_space<semaphore_mem>>) {add = true}
      %dma_wait3A_335 = arith.constant 0 : i32
      %dma_wait3A_336 = arith.constant 0 : i32
      %dma_wait3A_337 = tpu.memref_slice %arg15[%dma_wait3A_335, %dma_wait3A_336] : memref<10112x128xf32, #tpu.memory_space<vmem_shared>> -> memref<10112x128xf32, #tpu.memory_space<vmem_shared>>
      tpu.wait_indirect_dma semaphore(%run_scoped3A : memref<!tpu.dma_semaphore, #tpu.memory_space<semaphore_mem>>) src(%arg12 : memref<120x128xf32, #tpu.memory_space<vmem>>) dst(%dma_wait3A_337 : memref<10112x128xf32, #tpu.memory_space<vmem_shared>>)
      tpu.yield
    }) : () -> ()
    %mul3A_107 = arith.constant 322560 : i32
    %mul3A_108 = arith.muli %add3A_3, %mul3A_107 : i32
    %add3A_109 = arith.addi %mul3A_108, %mul3A_0 : i32
    %add3A_110 = arith.constant 20040 : i32
    %add3A_111 = arith.addi %add3A_109, %add3A_110 : i32
    %multiple_of3A_112 = tpu.assume_multiple %add3A_111, 8 : i32
    "tpu.region"() ({
      %run_scoped3A = tpu.sem_alloc : memref<!tpu.dma_semaphore, #tpu.memory_space<semaphore_mem>>
      %dma_start3A_332 = tpu.memref_slice %arg3[%multiple_of3A_112] : memref<1290240xi32, #tpu.memory_space<hbm>> -> memref<120xi32, #tpu.memory_space<hbm>>
      %dma_start3A_333 = tpu.memref_slice %arg3[%multiple_of3A_112] : memref<1290240xi32, #tpu.memory_space<hbm>> -> memref<120xi32, #tpu.memory_space<hbm>>
      tpu.enqueue_dma source(%dma_start3A_333 : memref<120xi32, #tpu.memory_space<hbm>>) target(%arg8 : memref<120xi32, #tpu.memory_space<vmem>>) target_semaphore(%run_scoped3A : memref<!tpu.dma_semaphore, #tpu.memory_space<semaphore_mem>>)
      %dma_wait3A_334 = tpu.memref_slice %arg3[%multiple_of3A_112] : memref<1290240xi32, #tpu.memory_space<hbm>> -> memref<120xi32, #tpu.memory_space<hbm>>
      %dma_wait3A_335 = tpu.memref_slice %arg3[%multiple_of3A_112] : memref<1290240xi32, #tpu.memory_space<hbm>> -> memref<120xi32, #tpu.memory_space<hbm>>
      tpu.wait_dma2 semaphore(%run_scoped3A : memref<!tpu.dma_semaphore, #tpu.memory_space<semaphore_mem>>) src(%dma_wait3A_335 : memref<120xi32, #tpu.memory_space<hbm>>) dst(%arg8 : memref<120xi32, #tpu.memory_space<vmem>>)
      tpu.yield
    }) : () -> ()
    %add3A_113 = arith.constant 20040 : i32
    %add3A_114 = arith.addi %mul3A_0, %add3A_113 : i32
    %multiple_of3A_115 = tpu.assume_multiple %add3A_114, 8 : i32
    "tpu.region"() ({
      %run_scoped3A = tpu.sem_alloc : memref<!tpu.dma_semaphore, #tpu.memory_space<semaphore_mem>>
      %dma_start3A_332 = tpu.memref_slice %arg4[%multiple_of3A_115] : memref<322560xi32, #tpu.memory_space<hbm>> -> memref<120xi32, #tpu.memory_space<hbm>>
      %dma_start3A_333 = tpu.memref_slice %arg4[%multiple_of3A_115] : memref<322560xi32, #tpu.memory_space<hbm>> -> memref<120xi32, #tpu.memory_space<hbm>>
      tpu.enqueue_dma source(%dma_start3A_333 : memref<120xi32, #tpu.memory_space<hbm>>) target(%arg11 : memref<120xi32, #tpu.memory_space<vmem>>) target_semaphore(%run_scoped3A : memref<!tpu.dma_semaphore, #tpu.memory_space<semaphore_mem>>)
      %dma_wait3A_334 = tpu.memref_slice %arg4[%multiple_of3A_115] : memref<322560xi32, #tpu.memory_space<hbm>> -> memref<120xi32, #tpu.memory_space<hbm>>
      %dma_wait3A_335 = tpu.memref_slice %arg4[%multiple_of3A_115] : memref<322560xi32, #tpu.memory_space<hbm>> -> memref<120xi32, #tpu.memory_space<hbm>>
      tpu.wait_dma2 semaphore(%run_scoped3A : memref<!tpu.dma_semaphore, #tpu.memory_space<semaphore_mem>>) src(%dma_wait3A_335 : memref<120xi32, #tpu.memory_space<hbm>>) dst(%arg11 : memref<120xi32, #tpu.memory_space<vmem>>)
      tpu.yield
    }) : () -> ()
    %dma_wait3A_116 = arith.constant 0 : i32
    %dma_wait3A_117 = arith.constant 0 : i32
    %dma_wait3A_118 = tpu.memref_slice %arg2[%dma_wait3A_116, %dma_wait3A_117] : memref<40000x128xf32, #tpu.memory_space<hbm>> -> memref<40000x128xf32, #tpu.memory_space<hbm>>
    tpu.wait_indirect_dma semaphore(%arg16 : memref<!tpu.dma_semaphore, #tpu.memory_space<semaphore_mem>>) src(%dma_wait3A_118 : memref<40000x128xf32, #tpu.memory_space<hbm>>) dst(%arg13 : memref<120x128xf32, #tpu.memory_space<vmem>>)
    %dma_start3A_119 = arith.constant 0 : i32
    %dma_start3A_120 = arith.constant 0 : i32
    %dma_start3A_121 = tpu.memref_slice %arg2[%dma_start3A_119, %dma_start3A_120] : memref<40000x128xf32, #tpu.memory_space<hbm>> -> memref<40000x128xf32, #tpu.memory_space<hbm>>
    tpu.enqueue_indirect_dma source(%dma_start3A_121 : memref<40000x128xf32, #tpu.memory_space<hbm>>) target(%arg14 : memref<120x128xf32, #tpu.memory_space<vmem>>) offsets(%arg8 : memref<120xi32, #tpu.memory_space<vmem>>) semaphore(%arg16 : memref<!tpu.dma_semaphore, #tpu.memory_space<semaphore_mem>>)
    "tpu.region"() ({
      %run_scoped3A = tpu.sem_alloc : memref<!tpu.dma_semaphore, #tpu.memory_space<semaphore_mem>>
      %dma_start3A_332 = arith.constant 0 : i32
      %dma_start3A_333 = arith.constant 0 : i32
      %dma_start3A_334 = tpu.memref_slice %arg15[%dma_start3A_332, %dma_start3A_333] : memref<10112x128xf32, #tpu.memory_space<vmem_shared>> -> memref<10112x128xf32, #tpu.memory_space<vmem_shared>>
      tpu.enqueue_indirect_dma source(%arg13 : memref<120x128xf32, #tpu.memory_space<vmem>>) target(%dma_start3A_334 : memref<10112x128xf32, #tpu.memory_space<vmem_shared>>) offsets(%arg10 : memref<120xi32, #tpu.memory_space<vmem>>) semaphore(%run_scoped3A : memref<!tpu.dma_semaphore, #tpu.memory_space<semaphore_mem>>) {add = true}
      %dma_wait3A_335 = arith.constant 0 : i32
      %dma_wait3A_336 = arith.constant 0 : i32
      %dma_wait3A_337 = tpu.memref_slice %arg15[%dma_wait3A_335, %dma_wait3A_336] : memref<10112x128xf32, #tpu.memory_space<vmem_shared>> -> memref<10112x128xf32, #tpu.memory_space<vmem_shared>>
      tpu.wait_indirect_dma semaphore(%run_scoped3A : memref<!tpu.dma_semaphore, #tpu.memory_space<semaphore_mem>>) src(%arg13 : memref<120x128xf32, #tpu.memory_space<vmem>>) dst(%dma_wait3A_337 : memref<10112x128xf32, #tpu.memory_space<vmem_shared>>)
      tpu.yield
    }) : () -> ()
    %dma_wait3A_122 = arith.constant 0 : i32
    %dma_wait3A_123 = arith.constant 0 : i32
    %dma_wait3A_124 = tpu.memref_slice %arg2[%dma_wait3A_122, %dma_wait3A_123] : memref<40000x128xf32, #tpu.memory_space<hbm>> -> memref<40000x128xf32, #tpu.memory_space<hbm>>
    tpu.wait_indirect_dma semaphore(%arg16 : memref<!tpu.dma_semaphore, #tpu.memory_space<semaphore_mem>>) src(%dma_wait3A_124 : memref<40000x128xf32, #tpu.memory_space<hbm>>) dst(%arg14 : memref<120x128xf32, #tpu.memory_space<vmem>>)
    "tpu.region"() ({
      %run_scoped3A = tpu.sem_alloc : memref<!tpu.dma_semaphore, #tpu.memory_space<semaphore_mem>>
      %dma_start3A_332 = arith.constant 0 : i32
      %dma_start3A_333 = arith.constant 0 : i32
      %dma_start3A_334 = tpu.memref_slice %arg15[%dma_start3A_332, %dma_start3A_333] : memref<10112x128xf32, #tpu.memory_space<vmem_shared>> -> memref<10112x128xf32, #tpu.memory_space<vmem_shared>>
      tpu.enqueue_indirect_dma source(%arg14 : memref<120x128xf32, #tpu.memory_space<vmem>>) target(%dma_start3A_334 : memref<10112x128xf32, #tpu.memory_space<vmem_shared>>) offsets(%arg11 : memref<120xi32, #tpu.memory_space<vmem>>) semaphore(%run_scoped3A : memref<!tpu.dma_semaphore, #tpu.memory_space<semaphore_mem>>) {add = true}
      %dma_wait3A_335 = arith.constant 0 : i32
      %dma_wait3A_336 = arith.constant 0 : i32
      %dma_wait3A_337 = tpu.memref_slice %arg15[%dma_wait3A_335, %dma_wait3A_336] : memref<10112x128xf32, #tpu.memory_space<vmem_shared>> -> memref<10112x128xf32, #tpu.memory_space<vmem_shared>>
      tpu.wait_indirect_dma semaphore(%run_scoped3A : memref<!tpu.dma_semaphore, #tpu.memory_space<semaphore_mem>>) src(%arg14 : memref<120x128xf32, #tpu.memory_space<vmem>>) dst(%dma_wait3A_337 : memref<10112x128xf32, #tpu.memory_space<vmem_shared>>)
      tpu.yield
    }) : () -> ()
    %barrier3A_125 = arith.constant 0 : index
    tpu.barrier barrier_id(%barrier3A_125)
    %add3A_126 = arith.constant 0 : i32
    %add3A_127 = arith.addi %mul3A_12, %add3A_126 : i32
    %multiple_of3A_128 = tpu.assume_multiple %add3A_127, 8 : i32
    %add3A_129 = arith.constant 0 : i32
    %add3A_130 = arith.addi %mul3A_12, %add3A_129 : i32
    %multiple_of3A_131 = tpu.assume_multiple %add3A_130, 8 : i32
    "tpu.region"() ({
      %run_scoped3A = tpu.sem_alloc : memref<!tpu.dma_semaphore, #tpu.memory_space<semaphore_mem>>
      %dma_start3A_332 = arith.constant 0 : i32
      %dma_start3A_333 = tpu.memref_slice %arg5[%add3A_3, %multiple_of3A_131, %dma_start3A_332] : memref<4x10112x128xf32, #tpu.memory_space<hbm>> -> memref<1x120x128xf32, #tpu.memory_space<hbm>>
      %dma_start3A_334 = tpu.memref_squeeze %dma_start3A_333 : memref<1x120x128xf32, #tpu.memory_space<hbm>> -> memref<120x128xf32, #tpu.memory_space<hbm>>
      %dma_start3A_335 = arith.constant 0 : i32
      %dma_start3A_336 = tpu.memref_slice %arg15[%multiple_of3A_128, %dma_start3A_335] : memref<10112x128xf32, #tpu.memory_space<vmem_shared>> -> memref<120x128xf32, #tpu.memory_space<vmem_shared>>
      tpu.enqueue_dma source(%dma_start3A_336 : memref<120x128xf32, #tpu.memory_space<vmem_shared>>) target(%dma_start3A_334 : memref<120x128xf32, #tpu.memory_space<hbm>>) target_semaphore(%run_scoped3A : memref<!tpu.dma_semaphore, #tpu.memory_space<semaphore_mem>>)
      %dma_wait3A_337 = arith.constant 0 : i32
      %dma_wait3A_338 = tpu.memref_slice %arg5[%add3A_3, %multiple_of3A_131, %dma_wait3A_337] : memref<4x10112x128xf32, #tpu.memory_space<hbm>> -> memref<1x120x128xf32, #tpu.memory_space<hbm>>
      %dma_wait3A_339 = tpu.memref_squeeze %dma_wait3A_338 : memref<1x120x128xf32, #tpu.memory_space<hbm>> -> memref<120x128xf32, #tpu.memory_space<hbm>>
      %dma_wait3A_340 = arith.constant 0 : i32
      %dma_wait3A_341 = tpu.memref_slice %arg15[%multiple_of3A_128, %dma_wait3A_340] : memref<10112x128xf32, #tpu.memory_space<vmem_shared>> -> memref<120x128xf32, #tpu.memory_space<vmem_shared>>
      tpu.wait_dma2 semaphore(%run_scoped3A : memref<!tpu.dma_semaphore, #tpu.memory_space<semaphore_mem>>) src(%dma_wait3A_341 : memref<120x128xf32, #tpu.memory_space<vmem_shared>>) dst(%dma_wait3A_339 : memref<120x128xf32, #tpu.memory_space<hbm>>)
      tpu.yield
    }) : () -> ()
    %add3A_132 = arith.constant 120 : i32
    %add3A_133 = arith.addi %mul3A_12, %add3A_132 : i32
    %multiple_of3A_134 = tpu.assume_multiple %add3A_133, 8 : i32
    %add3A_135 = arith.constant 120 : i32
    %add3A_136 = arith.addi %mul3A_12, %add3A_135 : i32
    %multiple_of3A_137 = tpu.assume_multiple %add3A_136, 8 : i32
    "tpu.region"() ({
      %run_scoped3A = tpu.sem_alloc : memref<!tpu.dma_semaphore, #tpu.memory_space<semaphore_mem>>
      %dma_start3A_332 = arith.constant 0 : i32
      %dma_start3A_333 = tpu.memref_slice %arg5[%add3A_3, %multiple_of3A_137, %dma_start3A_332] : memref<4x10112x128xf32, #tpu.memory_space<hbm>> -> memref<1x120x128xf32, #tpu.memory_space<hbm>>
      %dma_start3A_334 = tpu.memref_squeeze %dma_start3A_333 : memref<1x120x128xf32, #tpu.memory_space<hbm>> -> memref<120x128xf32, #tpu.memory_space<hbm>>
      %dma_start3A_335 = arith.constant 0 : i32
      %dma_start3A_336 = tpu.memref_slice %arg15[%multiple_of3A_134, %dma_start3A_335] : memref<10112x128xf32, #tpu.memory_space<vmem_shared>> -> memref<120x128xf32, #tpu.memory_space<vmem_shared>>
      tpu.enqueue_dma source(%dma_start3A_336 : memref<120x128xf32, #tpu.memory_space<vmem_shared>>) target(%dma_start3A_334 : memref<120x128xf32, #tpu.memory_space<hbm>>) target_semaphore(%run_scoped3A : memref<!tpu.dma_semaphore, #tpu.memory_space<semaphore_mem>>)
      %dma_wait3A_337 = arith.constant 0 : i32
      %dma_wait3A_338 = tpu.memref_slice %arg5[%add3A_3, %multiple_of3A_137, %dma_wait3A_337] : memref<4x10112x128xf32, #tpu.memory_space<hbm>> -> memref<1x120x128xf32, #tpu.memory_space<hbm>>
      %dma_wait3A_339 = tpu.memref_squeeze %dma_wait3A_338 : memref<1x120x128xf32, #tpu.memory_space<hbm>> -> memref<120x128xf32, #tpu.memory_space<hbm>>
      %dma_wait3A_340 = arith.constant 0 : i32
      %dma_wait3A_341 = tpu.memref_slice %arg15[%multiple_of3A_134, %dma_wait3A_340] : memref<10112x128xf32, #tpu.memory_space<vmem_shared>> -> memref<120x128xf32, #tpu.memory_space<vmem_shared>>
      tpu.wait_dma2 semaphore(%run_scoped3A : memref<!tpu.dma_semaphore, #tpu.memory_space<semaphore_mem>>) src(%dma_wait3A_341 : memref<120x128xf32, #tpu.memory_space<vmem_shared>>) dst(%dma_wait3A_339 : memref<120x128xf32, #tpu.memory_space<hbm>>)
      tpu.yield
    }) : () -> ()
    %add3A_138 = arith.constant 240 : i32
    %add3A_139 = arith.addi %mul3A_12, %add3A_138 : i32
    %multiple_of3A_140 = tpu.assume_multiple %add3A_139, 8 : i32
    %add3A_141 = arith.constant 240 : i32
    %add3A_142 = arith.addi %mul3A_12, %add3A_141 : i32
    %multiple_of3A_143 = tpu.assume_multiple %add3A_142, 8 : i32
    "tpu.region"() ({
      %run_scoped3A = tpu.sem_alloc : memref<!tpu.dma_semaphore, #tpu.memory_space<semaphore_mem>>
      %dma_start3A_332 = arith.constant 0 : i32
      %dma_start3A_333 = tpu.memref_slice %arg5[%add3A_3, %multiple_of3A_143, %dma_start3A_332] : memref<4x10112x128xf32, #tpu.memory_space<hbm>> -> memref<1x120x128xf32, #tpu.memory_space<hbm>>
      %dma_start3A_334 = tpu.memref_squeeze %dma_start3A_333 : memref<1x120x128xf32, #tpu.memory_space<hbm>> -> memref<120x128xf32, #tpu.memory_space<hbm>>
      %dma_start3A_335 = arith.constant 0 : i32
      %dma_start3A_336 = tpu.memref_slice %arg15[%multiple_of3A_140, %dma_start3A_335] : memref<10112x128xf32, #tpu.memory_space<vmem_shared>> -> memref<120x128xf32, #tpu.memory_space<vmem_shared>>
      tpu.enqueue_dma source(%dma_start3A_336 : memref<120x128xf32, #tpu.memory_space<vmem_shared>>) target(%dma_start3A_334 : memref<120x128xf32, #tpu.memory_space<hbm>>) target_semaphore(%run_scoped3A : memref<!tpu.dma_semaphore, #tpu.memory_space<semaphore_mem>>)
      %dma_wait3A_337 = arith.constant 0 : i32
      %dma_wait3A_338 = tpu.memref_slice %arg5[%add3A_3, %multiple_of3A_143, %dma_wait3A_337] : memref<4x10112x128xf32, #tpu.memory_space<hbm>> -> memref<1x120x128xf32, #tpu.memory_space<hbm>>
      %dma_wait3A_339 = tpu.memref_squeeze %dma_wait3A_338 : memref<1x120x128xf32, #tpu.memory_space<hbm>> -> memref<120x128xf32, #tpu.memory_space<hbm>>
      %dma_wait3A_340 = arith.constant 0 : i32
      %dma_wait3A_341 = tpu.memref_slice %arg15[%multiple_of3A_140, %dma_wait3A_340] : memref<10112x128xf32, #tpu.memory_space<vmem_shared>> -> memref<120x128xf32, #tpu.memory_space<vmem_shared>>
      tpu.wait_dma2 semaphore(%run_scoped3A : memref<!tpu.dma_semaphore, #tpu.memory_space<semaphore_mem>>) src(%dma_wait3A_341 : memref<120x128xf32, #tpu.memory_space<vmem_shared>>) dst(%dma_wait3A_339 : memref<120x128xf32, #tpu.memory_space<hbm>>)
      tpu.yield
    }) : () -> ()
    %add3A_144 = arith.constant 360 : i32
    %add3A_145 = arith.addi %mul3A_12, %add3A_144 : i32
    %multiple_of3A_146 = tpu.assume_multiple %add3A_145, 8 : i32
    %add3A_147 = arith.constant 360 : i32
    %add3A_148 = arith.addi %mul3A_12, %add3A_147 : i32
    %multiple_of3A_149 = tpu.assume_multiple %add3A_148, 8 : i32
    "tpu.region"() ({
      %run_scoped3A = tpu.sem_alloc : memref<!tpu.dma_semaphore, #tpu.memory_space<semaphore_mem>>
      %dma_start3A_332 = arith.constant 0 : i32
      %dma_start3A_333 = tpu.memref_slice %arg5[%add3A_3, %multiple_of3A_149, %dma_start3A_332] : memref<4x10112x128xf32, #tpu.memory_space<hbm>> -> memref<1x120x128xf32, #tpu.memory_space<hbm>>
      %dma_start3A_334 = tpu.memref_squeeze %dma_start3A_333 : memref<1x120x128xf32, #tpu.memory_space<hbm>> -> memref<120x128xf32, #tpu.memory_space<hbm>>
      %dma_start3A_335 = arith.constant 0 : i32
      %dma_start3A_336 = tpu.memref_slice %arg15[%multiple_of3A_146, %dma_start3A_335] : memref<10112x128xf32, #tpu.memory_space<vmem_shared>> -> memref<120x128xf32, #tpu.memory_space<vmem_shared>>
      tpu.enqueue_dma source(%dma_start3A_336 : memref<120x128xf32, #tpu.memory_space<vmem_shared>>) target(%dma_start3A_334 : memref<120x128xf32, #tpu.memory_space<hbm>>) target_semaphore(%run_scoped3A : memref<!tpu.dma_semaphore, #tpu.memory_space<semaphore_mem>>)
      %dma_wait3A_337 = arith.constant 0 : i32
      %dma_wait3A_338 = tpu.memref_slice %arg5[%add3A_3, %multiple_of3A_149, %dma_wait3A_337] : memref<4x10112x128xf32, #tpu.memory_space<hbm>> -> memref<1x120x128xf32, #tpu.memory_space<hbm>>
      %dma_wait3A_339 = tpu.memref_squeeze %dma_wait3A_338 : memref<1x120x128xf32, #tpu.memory_space<hbm>> -> memref<120x128xf32, #tpu.memory_space<hbm>>
      %dma_wait3A_340 = arith.constant 0 : i32
      %dma_wait3A_341 = tpu.memref_slice %arg15[%multiple_of3A_146, %dma_wait3A_340] : memref<10112x128xf32, #tpu.memory_space<vmem_shared>> -> memref<120x128xf32, #tpu.memory_space<vmem_shared>>
      tpu.wait_dma2 semaphore(%run_scoped3A : memref<!tpu.dma_semaphore, #tpu.memory_space<semaphore_mem>>) src(%dma_wait3A_341 : memref<120x128xf32, #tpu.memory_space<vmem_shared>>) dst(%dma_wait3A_339 : memref<120x128xf32, #tpu.memory_space<hbm>>)
      tpu.yield
    }) : () -> ()
    %add3A_150 = arith.constant 480 : i32
    %add3A_151 = arith.addi %mul3A_12, %add3A_150 : i32
    %multiple_of3A_152 = tpu.assume_multiple %add3A_151, 8 : i32
    %add3A_153 = arith.constant 480 : i32
    %add3A_154 = arith.addi %mul3A_12, %add3A_153 : i32
    %multiple_of3A_155 = tpu.assume_multiple %add3A_154, 8 : i32
    "tpu.region"() ({
      %run_scoped3A = tpu.sem_alloc : memref<!tpu.dma_semaphore, #tpu.memory_space<semaphore_mem>>
      %dma_start3A_332 = arith.constant 0 : i32
      %dma_start3A_333 = tpu.memref_slice %arg5[%add3A_3, %multiple_of3A_155, %dma_start3A_332] : memref<4x10112x128xf32, #tpu.memory_space<hbm>> -> memref<1x120x128xf32, #tpu.memory_space<hbm>>
      %dma_start3A_334 = tpu.memref_squeeze %dma_start3A_333 : memref<1x120x128xf32, #tpu.memory_space<hbm>> -> memref<120x128xf32, #tpu.memory_space<hbm>>
      %dma_start3A_335 = arith.constant 0 : i32
      %dma_start3A_336 = tpu.memref_slice %arg15[%multiple_of3A_152, %dma_start3A_335] : memref<10112x128xf32, #tpu.memory_space<vmem_shared>> -> memref<120x128xf32, #tpu.memory_space<vmem_shared>>
      tpu.enqueue_dma source(%dma_start3A_336 : memref<120x128xf32, #tpu.memory_space<vmem_shared>>) target(%dma_start3A_334 : memref<120x128xf32, #tpu.memory_space<hbm>>) target_semaphore(%run_scoped3A : memref<!tpu.dma_semaphore, #tpu.memory_space<semaphore_mem>>)
      %dma_wait3A_337 = arith.constant 0 : i32
      %dma_wait3A_338 = tpu.memref_slice %arg5[%add3A_3, %multiple_of3A_155, %dma_wait3A_337] : memref<4x10112x128xf32, #tpu.memory_space<hbm>> -> memref<1x120x128xf32, #tpu.memory_space<hbm>>
      %dma_wait3A_339 = tpu.memref_squeeze %dma_wait3A_338 : memref<1x120x128xf32, #tpu.memory_space<hbm>> -> memref<120x128xf32, #tpu.memory_space<hbm>>
      %dma_wait3A_340 = arith.constant 0 : i32
      %dma_wait3A_341 = tpu.memref_slice %arg15[%multiple_of3A_152, %dma_wait3A_340] : memref<10112x128xf32, #tpu.memory_space<vmem_shared>> -> memref<120x128xf32, #tpu.memory_space<vmem_shared>>
      tpu.wait_dma2 semaphore(%run_scoped3A : memref<!tpu.dma_semaphore, #tpu.memory_space<semaphore_mem>>) src(%dma_wait3A_341 : memref<120x128xf32, #tpu.memory_space<vmem_shared>>) dst(%dma_wait3A_339 : memref<120x128xf32, #tpu.memory_space<hbm>>)
      tpu.yield
    }) : () -> ()
    %add3A_156 = arith.constant 600 : i32
    %add3A_157 = arith.addi %mul3A_12, %add3A_156 : i32
    %multiple_of3A_158 = tpu.assume_multiple %add3A_157, 8 : i32
    %add3A_159 = arith.constant 600 : i32
    %add3A_160 = arith.addi %mul3A_12, %add3A_159 : i32
    %multiple_of3A_161 = tpu.assume_multiple %add3A_160, 8 : i32
    "tpu.region"() ({
      %run_scoped3A = tpu.sem_alloc : memref<!tpu.dma_semaphore, #tpu.memory_space<semaphore_mem>>
      %dma_start3A_332 = arith.constant 0 : i32
      %dma_start3A_333 = tpu.memref_slice %arg5[%add3A_3, %multiple_of3A_161, %dma_start3A_332] : memref<4x10112x128xf32, #tpu.memory_space<hbm>> -> memref<1x32x128xf32, #tpu.memory_space<hbm>>
      %dma_start3A_334 = tpu.memref_squeeze %dma_start3A_333 : memref<1x32x128xf32, #tpu.memory_space<hbm>> -> memref<32x128xf32, #tpu.memory_space<hbm>>
      %dma_start3A_335 = arith.constant 0 : i32
      %dma_start3A_336 = tpu.memref_slice %arg15[%multiple_of3A_158, %dma_start3A_335] : memref<10112x128xf32, #tpu.memory_space<vmem_shared>> -> memref<32x128xf32, #tpu.memory_space<vmem_shared>>
      tpu.enqueue_dma source(%dma_start3A_336 : memref<32x128xf32, #tpu.memory_space<vmem_shared>>) target(%dma_start3A_334 : memref<32x128xf32, #tpu.memory_space<hbm>>) target_semaphore(%run_scoped3A : memref<!tpu.dma_semaphore, #tpu.memory_space<semaphore_mem>>)
      %dma_wait3A_337 = arith.constant 0 : i32
      %dma_wait3A_338 = tpu.memref_slice %arg5[%add3A_3, %multiple_of3A_161, %dma_wait3A_337] : memref<4x10112x128xf32, #tpu.memory_space<hbm>> -> memref<1x32x128xf32, #tpu.memory_space<hbm>>
      %dma_wait3A_339 = tpu.memref_squeeze %dma_wait3A_338 : memref<1x32x128xf32, #tpu.memory_space<hbm>> -> memref<32x128xf32, #tpu.memory_space<hbm>>
      %dma_wait3A_340 = arith.constant 0 : i32
      %dma_wait3A_341 = tpu.memref_slice %arg15[%multiple_of3A_158, %dma_wait3A_340] : memref<10112x128xf32, #tpu.memory_space<vmem_shared>> -> memref<32x128xf32, #tpu.memory_space<vmem_shared>>
      tpu.wait_dma2 semaphore(%run_scoped3A : memref<!tpu.dma_semaphore, #tpu.memory_space<semaphore_mem>>) src(%dma_wait3A_341 : memref<32x128xf32, #tpu.memory_space<vmem_shared>>) dst(%dma_wait3A_339 : memref<32x128xf32, #tpu.memory_space<hbm>>)
      tpu.yield
    }) : () -> ()
    %barrier3A_162 = arith.constant 0 : index
    tpu.barrier barrier_id(%barrier3A_162)
    %mul3A_163 = arith.constant 2 : i32
    %mul3A_164 = arith.muli %arg0, %mul3A_163 : i32
    %add3A_165 = arith.constant 1 : i32
    %add3A_166 = arith.addi %mul3A_164, %add3A_165 : i32
    %broadcast_in_dim3A_167 = arith.constant 0.000000e+00 : f32
    %broadcast_in_dim3A_168 = vector.broadcast %broadcast_in_dim3A_167 : f32 to vector<16xf32>
    %scan3A_169 = arith.constant 0 : i32
    %scan3A_170 = arith.constant 0 : i32
    %scan3A_171 = arith.constant 120 : i32
    %scan3A_172 = arith.addi %scan3A_170, %scan3A_171 : i32
    %scan3A_173 = arith.constant 1 : i32
    %scan3A_174 = scf.for %scan3A_332 = %scan3A_170 to %scan3A_172 step %scan3A_173 iter_args(%scan3A_333 = %scan3A_169) -> (i32)  : i32 {
      %swap3A = arith.index_cast %scan3A_332 : i32 to index
      %swap3A_334 = arith.constant 0 : index
      %swap3A_335 = tpu.vector_load %arg12[%swap3A, %swap3A_334] {strides = array<i32>} : memref<120x128xf32, #tpu.memory_space<vmem>>, vector<1x16xf32>,
      %swap3A_336 = vector.shape_cast %swap3A_335 : vector<1x16xf32> to vector<16xf32>
      %swap3A_337 = vector.shape_cast %broadcast_in_dim3A_168 : vector<16xf32> to vector<1x16xf32>
      tpu.vector_store %arg12[%swap3A, %swap3A_334], %swap3A_337 {strides = array<i32>} : memref<120x128xf32, #tpu.memory_space<vmem>>, vector<1x16xf32>,
      %swap3A_338 = arith.index_cast %scan3A_332 : i32 to index
      %swap3A_339 = arith.constant 16 : index
      %swap3A_340 = tpu.vector_load %arg12[%swap3A_338, %swap3A_339] {strides = array<i32>} : memref<120x128xf32, #tpu.memory_space<vmem>>, vector<1x16xf32>,
      %swap3A_341 = vector.shape_cast %swap3A_340 : vector<1x16xf32> to vector<16xf32>
      %swap3A_342 = vector.shape_cast %broadcast_in_dim3A_168 : vector<16xf32> to vector<1x16xf32>
      tpu.vector_store %arg12[%swap3A_338, %swap3A_339], %swap3A_342 {strides = array<i32>} : memref<120x128xf32, #tpu.memory_space<vmem>>, vector<1x16xf32>,
      %swap3A_343 = arith.index_cast %scan3A_332 : i32 to index
      %swap3A_344 = arith.constant 32 : index
      %swap3A_345 = tpu.vector_load %arg12[%swap3A_343, %swap3A_344] {strides = array<i32>} : memref<120x128xf32, #tpu.memory_space<vmem>>, vector<1x16xf32>,
      %swap3A_346 = vector.shape_cast %swap3A_345 : vector<1x16xf32> to vector<16xf32>
      %swap3A_347 = vector.shape_cast %broadcast_in_dim3A_168 : vector<16xf32> to vector<1x16xf32>
      tpu.vector_store %arg12[%swap3A_343, %swap3A_344], %swap3A_347 {strides = array<i32>} : memref<120x128xf32, #tpu.memory_space<vmem>>, vector<1x16xf32>,
      %swap3A_348 = arith.index_cast %scan3A_332 : i32 to index
      %swap3A_349 = arith.constant 48 : index
      %swap3A_350 = tpu.vector_load %arg12[%swap3A_348, %swap3A_349] {strides = array<i32>} : memref<120x128xf32, #tpu.memory_space<vmem>>, vector<1x16xf32>,
      %swap3A_351 = vector.shape_cast %swap3A_350 : vector<1x16xf32> to vector<16xf32>
      %swap3A_352 = vector.shape_cast %broadcast_in_dim3A_168 : vector<16xf32> to vector<1x16xf32>
      tpu.vector_store %arg12[%swap3A_348, %swap3A_349], %swap3A_352 {strides = array<i32>} : memref<120x128xf32, #tpu.memory_space<vmem>>, vector<1x16xf32>,
      %swap3A_353 = arith.index_cast %scan3A_332 : i32 to index
      %swap3A_354 = arith.constant 64 : index
      %swap3A_355 = tpu.vector_load %arg12[%swap3A_353, %swap3A_354] {strides = array<i32>} : memref<120x128xf32, #tpu.memory_space<vmem>>, vector<1x16xf32>,
      %swap3A_356 = vector.shape_cast %swap3A_355 : vector<1x16xf32> to vector<16xf32>
      %swap3A_357 = vector.shape_cast %broadcast_in_dim3A_168 : vector<16xf32> to vector<1x16xf32>
      tpu.vector_store %arg12[%swap3A_353, %swap3A_354], %swap3A_357 {strides = array<i32>} : memref<120x128xf32, #tpu.memory_space<vmem>>, vector<1x16xf32>,
      %swap3A_358 = arith.index_cast %scan3A_332 : i32 to index
      %swap3A_359 = arith.constant 80 : index
      %swap3A_360 = tpu.vector_load %arg12[%swap3A_358, %swap3A_359] {strides = array<i32>} : memref<120x128xf32, #tpu.memory_space<vmem>>, vector<1x16xf32>,
      %swap3A_361 = vector.shape_cast %swap3A_360 : vector<1x16xf32> to vector<16xf32>
      %swap3A_362 = vector.shape_cast %broadcast_in_dim3A_168 : vector<16xf32> to vector<1x16xf32>
      tpu.vector_store %arg12[%swap3A_358, %swap3A_359], %swap3A_362 {strides = array<i32>} : memref<120x128xf32, #tpu.memory_space<vmem>>, vector<1x16xf32>,
      %swap3A_363 = arith.index_cast %scan3A_332 : i32 to index
      %swap3A_364 = arith.constant 96 : index
      %swap3A_365 = tpu.vector_load %arg12[%swap3A_363, %swap3A_364] {strides = array<i32>} : memref<120x128xf32, #tpu.memory_space<vmem>>, vector<1x16xf32>,
      %swap3A_366 = vector.shape_cast %swap3A_365 : vector<1x16xf32> to vector<16xf32>
      %swap3A_367 = vector.shape_cast %broadcast_in_dim3A_168 : vector<16xf32> to vector<1x16xf32>
      tpu.vector_store %arg12[%swap3A_363, %swap3A_364], %swap3A_367 {strides = array<i32>} : memref<120x128xf32, #tpu.memory_space<vmem>>, vector<1x16xf32>,
      %swap3A_368 = arith.index_cast %scan3A_332 : i32 to index
      %swap3A_369 = arith.constant 112 : index
      %swap3A_370 = tpu.vector_load %arg12[%swap3A_368, %swap3A_369] {strides = array<i32>} : memref<120x128xf32, #tpu.memory_space<vmem>>, vector<1x16xf32>,
      %swap3A_371 = vector.shape_cast %swap3A_370 : vector<1x16xf32> to vector<16xf32>
      %swap3A_372 = vector.shape_cast %broadcast_in_dim3A_168 : vector<16xf32> to vector<1x16xf32>
      tpu.vector_store %arg12[%swap3A_368, %swap3A_369], %swap3A_372 {strides = array<i32>} : memref<120x128xf32, #tpu.memory_space<vmem>>, vector<1x16xf32>,
      %scan3A_373 = arith.constant 0 : i32
      scf.yield %scan3A_373 : i32
    }
    %scan3A_175 = arith.constant 120 : i32
    %mul3A_176 = arith.constant 632 : i32
    %mul3A_177 = arith.muli %arg1, %mul3A_176 : i32
    %add3A_178 = arith.constant 0 : i32
    %add3A_179 = arith.addi %mul3A_177, %add3A_178 : i32
    %multiple_of3A_180 = tpu.assume_multiple %add3A_179, 8 : i32
    "tpu.region"() ({
      %run_scoped3A = tpu.sem_alloc : memref<!tpu.dma_semaphore, #tpu.memory_space<semaphore_mem>>
      %dma_start3A_332 = arith.constant 0 : i32
      %dma_start3A_333 = arith.constant 0 : i32
      %dma_start3A_334 = tpu.memref_slice %arg12[%dma_start3A_332, %dma_start3A_333] : memref<120x128xf32, #tpu.memory_space<vmem>> -> memref<120x128xf32, #tpu.memory_space<vmem>>
      %dma_start3A_335 = arith.constant 0 : i32
      %dma_start3A_336 = tpu.memref_slice %arg15[%multiple_of3A_180, %dma_start3A_335] : memref<10112x128xf32, #tpu.memory_space<vmem_shared>> -> memref<120x128xf32, #tpu.memory_space<vmem_shared>>
      %dma_start3A_337 = arith.constant 0 : i32
      %dma_start3A_338 = tpu.memref_slice %arg15[%multiple_of3A_180, %dma_start3A_337] : memref<10112x128xf32, #tpu.memory_space<vmem_shared>> -> memref<120x128xf32, #tpu.memory_space<vmem_shared>>
      %dma_start3A_339 = arith.constant 0 : i32
      %dma_start3A_340 = arith.constant 0 : i32
      %dma_start3A_341 = tpu.memref_slice %arg12[%dma_start3A_339, %dma_start3A_340] : memref<120x128xf32, #tpu.memory_space<vmem>> -> memref<120x128xf32, #tpu.memory_space<vmem>>
      tpu.enqueue_dma source(%dma_start3A_341 : memref<120x128xf32, #tpu.memory_space<vmem>>) target(%dma_start3A_338 : memref<120x128xf32, #tpu.memory_space<vmem_shared>>) target_semaphore(%run_scoped3A : memref<!tpu.dma_semaphore, #tpu.memory_space<semaphore_mem>>)
      %dma_wait3A_342 = arith.constant 0 : i32
      %dma_wait3A_343 = arith.constant 0 : i32
      %dma_wait3A_344 = tpu.memref_slice %arg12[%dma_wait3A_342, %dma_wait3A_343] : memref<120x128xf32, #tpu.memory_space<vmem>> -> memref<120x128xf32, #tpu.memory_space<vmem>>
      %dma_wait3A_345 = arith.constant 0 : i32
      %dma_wait3A_346 = tpu.memref_slice %arg15[%multiple_of3A_180, %dma_wait3A_345] : memref<10112x128xf32, #tpu.memory_space<vmem_shared>> -> memref<120x128xf32, #tpu.memory_space<vmem_shared>>
      %dma_wait3A_347 = arith.constant 0 : i32
      %dma_wait3A_348 = tpu.memref_slice %arg15[%multiple_of3A_180, %dma_wait3A_347] : memref<10112x128xf32, #tpu.memory_space<vmem_shared>> -> memref<120x128xf32, #tpu.memory_space<vmem_shared>>
      %dma_wait3A_349 = arith.constant 0 : i32
      %dma_wait3A_350 = arith.constant 0 : i32
      %dma_wait3A_351 = tpu.memref_slice %arg12[%dma_wait3A_349, %dma_wait3A_350] : memref<120x128xf32, #tpu.memory_space<vmem>> -> memref<120x128xf32, #tpu.memory_space<vmem>>
      tpu.wait_dma2 semaphore(%run_scoped3A : memref<!tpu.dma_semaphore, #tpu.memory_space<semaphore_mem>>) src(%dma_wait3A_351 : memref<120x128xf32, #tpu.memory_space<vmem>>) dst(%dma_wait3A_348 : memref<120x128xf32, #tpu.memory_space<vmem_shared>>)
      tpu.yield
    }) : () -> ()
    %add3A_181 = arith.constant 120 : i32
    %add3A_182 = arith.addi %mul3A_177, %add3A_181 : i32
    %multiple_of3A_183 = tpu.assume_multiple %add3A_182, 8 : i32
    "tpu.region"() ({
      %run_scoped3A = tpu.sem_alloc : memref<!tpu.dma_semaphore, #tpu.memory_space<semaphore_mem>>
      %dma_start3A_332 = arith.constant 0 : i32
      %dma_start3A_333 = arith.constant 0 : i32
      %dma_start3A_334 = tpu.memref_slice %arg12[%dma_start3A_332, %dma_start3A_333] : memref<120x128xf32, #tpu.memory_space<vmem>> -> memref<120x128xf32, #tpu.memory_space<vmem>>
      %dma_start3A_335 = arith.constant 0 : i32
      %dma_start3A_336 = tpu.memref_slice %arg15[%multiple_of3A_183, %dma_start3A_335] : memref<10112x128xf32, #tpu.memory_space<vmem_shared>> -> memref<120x128xf32, #tpu.memory_space<vmem_shared>>
      %dma_start3A_337 = arith.constant 0 : i32
      %dma_start3A_338 = tpu.memref_slice %arg15[%multiple_of3A_183, %dma_start3A_337] : memref<10112x128xf32, #tpu.memory_space<vmem_shared>> -> memref<120x128xf32, #tpu.memory_space<vmem_shared>>
      %dma_start3A_339 = arith.constant 0 : i32
      %dma_start3A_340 = arith.constant 0 : i32
      %dma_start3A_341 = tpu.memref_slice %arg12[%dma_start3A_339, %dma_start3A_340] : memref<120x128xf32, #tpu.memory_space<vmem>> -> memref<120x128xf32, #tpu.memory_space<vmem>>
      tpu.enqueue_dma source(%dma_start3A_341 : memref<120x128xf32, #tpu.memory_space<vmem>>) target(%dma_start3A_338 : memref<120x128xf32, #tpu.memory_space<vmem_shared>>) target_semaphore(%run_scoped3A : memref<!tpu.dma_semaphore, #tpu.memory_space<semaphore_mem>>)
      %dma_wait3A_342 = arith.constant 0 : i32
      %dma_wait3A_343 = arith.constant 0 : i32
      %dma_wait3A_344 = tpu.memref_slice %arg12[%dma_wait3A_342, %dma_wait3A_343] : memref<120x128xf32, #tpu.memory_space<vmem>> -> memref<120x128xf32, #tpu.memory_space<vmem>>
      %dma_wait3A_345 = arith.constant 0 : i32
      %dma_wait3A_346 = tpu.memref_slice %arg15[%multiple_of3A_183, %dma_wait3A_345] : memref<10112x128xf32, #tpu.memory_space<vmem_shared>> -> memref<120x128xf32, #tpu.memory_space<vmem_shared>>
      %dma_wait3A_347 = arith.constant 0 : i32
      %dma_wait3A_348 = tpu.memref_slice %arg15[%multiple_of3A_183, %dma_wait3A_347] : memref<10112x128xf32, #tpu.memory_space<vmem_shared>> -> memref<120x128xf32, #tpu.memory_space<vmem_shared>>
      %dma_wait3A_349 = arith.constant 0 : i32
      %dma_wait3A_350 = arith.constant 0 : i32
      %dma_wait3A_351 = tpu.memref_slice %arg12[%dma_wait3A_349, %dma_wait3A_350] : memref<120x128xf32, #tpu.memory_space<vmem>> -> memref<120x128xf32, #tpu.memory_space<vmem>>
      tpu.wait_dma2 semaphore(%run_scoped3A : memref<!tpu.dma_semaphore, #tpu.memory_space<semaphore_mem>>) src(%dma_wait3A_351 : memref<120x128xf32, #tpu.memory_space<vmem>>) dst(%dma_wait3A_348 : memref<120x128xf32, #tpu.memory_space<vmem_shared>>)
      tpu.yield
    }) : () -> ()
    %add3A_184 = arith.constant 240 : i32
    %add3A_185 = arith.addi %mul3A_177, %add3A_184 : i32
    %multiple_of3A_186 = tpu.assume_multiple %add3A_185, 8 : i32
    "tpu.region"() ({
      %run_scoped3A = tpu.sem_alloc : memref<!tpu.dma_semaphore, #tpu.memory_space<semaphore_mem>>
      %dma_start3A_332 = arith.constant 0 : i32
      %dma_start3A_333 = arith.constant 0 : i32
      %dma_start3A_334 = tpu.memref_slice %arg12[%dma_start3A_332, %dma_start3A_333] : memref<120x128xf32, #tpu.memory_space<vmem>> -> memref<120x128xf32, #tpu.memory_space<vmem>>
      %dma_start3A_335 = arith.constant 0 : i32
      %dma_start3A_336 = tpu.memref_slice %arg15[%multiple_of3A_186, %dma_start3A_335] : memref<10112x128xf32, #tpu.memory_space<vmem_shared>> -> memref<120x128xf32, #tpu.memory_space<vmem_shared>>
      %dma_start3A_337 = arith.constant 0 : i32
      %dma_start3A_338 = tpu.memref_slice %arg15[%multiple_of3A_186, %dma_start3A_337] : memref<10112x128xf32, #tpu.memory_space<vmem_shared>> -> memref<120x128xf32, #tpu.memory_space<vmem_shared>>
      %dma_start3A_339 = arith.constant 0 : i32
      %dma_start3A_340 = arith.constant 0 : i32
      %dma_start3A_341 = tpu.memref_slice %arg12[%dma_start3A_339, %dma_start3A_340] : memref<120x128xf32, #tpu.memory_space<vmem>> -> memref<120x128xf32, #tpu.memory_space<vmem>>
      tpu.enqueue_dma source(%dma_start3A_341 : memref<120x128xf32, #tpu.memory_space<vmem>>) target(%dma_start3A_338 : memref<120x128xf32, #tpu.memory_space<vmem_shared>>) target_semaphore(%run_scoped3A : memref<!tpu.dma_semaphore, #tpu.memory_space<semaphore_mem>>)
      %dma_wait3A_342 = arith.constant 0 : i32
      %dma_wait3A_343 = arith.constant 0 : i32
      %dma_wait3A_344 = tpu.memref_slice %arg12[%dma_wait3A_342, %dma_wait3A_343] : memref<120x128xf32, #tpu.memory_space<vmem>> -> memref<120x128xf32, #tpu.memory_space<vmem>>
      %dma_wait3A_345 = arith.constant 0 : i32
      %dma_wait3A_346 = tpu.memref_slice %arg15[%multiple_of3A_186, %dma_wait3A_345] : memref<10112x128xf32, #tpu.memory_space<vmem_shared>> -> memref<120x128xf32, #tpu.memory_space<vmem_shared>>
      %dma_wait3A_347 = arith.constant 0 : i32
      %dma_wait3A_348 = tpu.memref_slice %arg15[%multiple_of3A_186, %dma_wait3A_347] : memref<10112x128xf32, #tpu.memory_space<vmem_shared>> -> memref<120x128xf32, #tpu.memory_space<vmem_shared>>
      %dma_wait3A_349 = arith.constant 0 : i32
      %dma_wait3A_350 = arith.constant 0 : i32
      %dma_wait3A_351 = tpu.memref_slice %arg12[%dma_wait3A_349, %dma_wait3A_350] : memref<120x128xf32, #tpu.memory_space<vmem>> -> memref<120x128xf32, #tpu.memory_space<vmem>>
      tpu.wait_dma2 semaphore(%run_scoped3A : memref<!tpu.dma_semaphore, #tpu.memory_space<semaphore_mem>>) src(%dma_wait3A_351 : memref<120x128xf32, #tpu.memory_space<vmem>>) dst(%dma_wait3A_348 : memref<120x128xf32, #tpu.memory_space<vmem_shared>>)
      tpu.yield
    }) : () -> ()
    %add3A_187 = arith.constant 360 : i32
    %add3A_188 = arith.addi %mul3A_177, %add3A_187 : i32
    %multiple_of3A_189 = tpu.assume_multiple %add3A_188, 8 : i32
    "tpu.region"() ({
      %run_scoped3A = tpu.sem_alloc : memref<!tpu.dma_semaphore, #tpu.memory_space<semaphore_mem>>
      %dma_start3A_332 = arith.constant 0 : i32
      %dma_start3A_333 = arith.constant 0 : i32
      %dma_start3A_334 = tpu.memref_slice %arg12[%dma_start3A_332, %dma_start3A_333] : memref<120x128xf32, #tpu.memory_space<vmem>> -> memref<120x128xf32, #tpu.memory_space<vmem>>
      %dma_start3A_335 = arith.constant 0 : i32
      %dma_start3A_336 = tpu.memref_slice %arg15[%multiple_of3A_189, %dma_start3A_335] : memref<10112x128xf32, #tpu.memory_space<vmem_shared>> -> memref<120x128xf32, #tpu.memory_space<vmem_shared>>
      %dma_start3A_337 = arith.constant 0 : i32
      %dma_start3A_338 = tpu.memref_slice %arg15[%multiple_of3A_189, %dma_start3A_337] : memref<10112x128xf32, #tpu.memory_space<vmem_shared>> -> memref<120x128xf32, #tpu.memory_space<vmem_shared>>
      %dma_start3A_339 = arith.constant 0 : i32
      %dma_start3A_340 = arith.constant 0 : i32
      %dma_start3A_341 = tpu.memref_slice %arg12[%dma_start3A_339, %dma_start3A_340] : memref<120x128xf32, #tpu.memory_space<vmem>> -> memref<120x128xf32, #tpu.memory_space<vmem>>
      tpu.enqueue_dma source(%dma_start3A_341 : memref<120x128xf32, #tpu.memory_space<vmem>>) target(%dma_start3A_338 : memref<120x128xf32, #tpu.memory_space<vmem_shared>>) target_semaphore(%run_scoped3A : memref<!tpu.dma_semaphore, #tpu.memory_space<semaphore_mem>>)
      %dma_wait3A_342 = arith.constant 0 : i32
      %dma_wait3A_343 = arith.constant 0 : i32
      %dma_wait3A_344 = tpu.memref_slice %arg12[%dma_wait3A_342, %dma_wait3A_343] : memref<120x128xf32, #tpu.memory_space<vmem>> -> memref<120x128xf32, #tpu.memory_space<vmem>>
      %dma_wait3A_345 = arith.constant 0 : i32
      %dma_wait3A_346 = tpu.memref_slice %arg15[%multiple_of3A_189, %dma_wait3A_345] : memref<10112x128xf32, #tpu.memory_space<vmem_shared>> -> memref<120x128xf32, #tpu.memory_space<vmem_shared>>
      %dma_wait3A_347 = arith.constant 0 : i32
      %dma_wait3A_348 = tpu.memref_slice %arg15[%multiple_of3A_189, %dma_wait3A_347] : memref<10112x128xf32, #tpu.memory_space<vmem_shared>> -> memref<120x128xf32, #tpu.memory_space<vmem_shared>>
      %dma_wait3A_349 = arith.constant 0 : i32
      %dma_wait3A_350 = arith.constant 0 : i32
      %dma_wait3A_351 = tpu.memref_slice %arg12[%dma_wait3A_349, %dma_wait3A_350] : memref<120x128xf32, #tpu.memory_space<vmem>> -> memref<120x128xf32, #tpu.memory_space<vmem>>
      tpu.wait_dma2 semaphore(%run_scoped3A : memref<!tpu.dma_semaphore, #tpu.memory_space<semaphore_mem>>) src(%dma_wait3A_351 : memref<120x128xf32, #tpu.memory_space<vmem>>) dst(%dma_wait3A_348 : memref<120x128xf32, #tpu.memory_space<vmem_shared>>)
      tpu.yield
    }) : () -> ()
    %add3A_190 = arith.constant 480 : i32
    %add3A_191 = arith.addi %mul3A_177, %add3A_190 : i32
    %multiple_of3A_192 = tpu.assume_multiple %add3A_191, 8 : i32
    "tpu.region"() ({
      %run_scoped3A = tpu.sem_alloc : memref<!tpu.dma_semaphore, #tpu.memory_space<semaphore_mem>>
      %dma_start3A_332 = arith.constant 0 : i32
      %dma_start3A_333 = arith.constant 0 : i32
      %dma_start3A_334 = tpu.memref_slice %arg12[%dma_start3A_332, %dma_start3A_333] : memref<120x128xf32, #tpu.memory_space<vmem>> -> memref<120x128xf32, #tpu.memory_space<vmem>>
      %dma_start3A_335 = arith.constant 0 : i32
      %dma_start3A_336 = tpu.memref_slice %arg15[%multiple_of3A_192, %dma_start3A_335] : memref<10112x128xf32, #tpu.memory_space<vmem_shared>> -> memref<120x128xf32, #tpu.memory_space<vmem_shared>>
      %dma_start3A_337 = arith.constant 0 : i32
      %dma_start3A_338 = tpu.memref_slice %arg15[%multiple_of3A_192, %dma_start3A_337] : memref<10112x128xf32, #tpu.memory_space<vmem_shared>> -> memref<120x128xf32, #tpu.memory_space<vmem_shared>>
      %dma_start3A_339 = arith.constant 0 : i32
      %dma_start3A_340 = arith.constant 0 : i32
      %dma_start3A_341 = tpu.memref_slice %arg12[%dma_start3A_339, %dma_start3A_340] : memref<120x128xf32, #tpu.memory_space<vmem>> -> memref<120x128xf32, #tpu.memory_space<vmem>>
      tpu.enqueue_dma source(%dma_start3A_341 : memref<120x128xf32, #tpu.memory_space<vmem>>) target(%dma_start3A_338 : memref<120x128xf32, #tpu.memory_space<vmem_shared>>) target_semaphore(%run_scoped3A : memref<!tpu.dma_semaphore, #tpu.memory_space<semaphore_mem>>)
      %dma_wait3A_342 = arith.constant 0 : i32
      %dma_wait3A_343 = arith.constant 0 : i32
      %dma_wait3A_344 = tpu.memref_slice %arg12[%dma_wait3A_342, %dma_wait3A_343] : memref<120x128xf32, #tpu.memory_space<vmem>> -> memref<120x128xf32, #tpu.memory_space<vmem>>
      %dma_wait3A_345 = arith.constant 0 : i32
      %dma_wait3A_346 = tpu.memref_slice %arg15[%multiple_of3A_192, %dma_wait3A_345] : memref<10112x128xf32, #tpu.memory_space<vmem_shared>> -> memref<120x128xf32, #tpu.memory_space<vmem_shared>>
      %dma_wait3A_347 = arith.constant 0 : i32
      %dma_wait3A_348 = tpu.memref_slice %arg15[%multiple_of3A_192, %dma_wait3A_347] : memref<10112x128xf32, #tpu.memory_space<vmem_shared>> -> memref<120x128xf32, #tpu.memory_space<vmem_shared>>
      %dma_wait3A_349 = arith.constant 0 : i32
      %dma_wait3A_350 = arith.constant 0 : i32
      %dma_wait3A_351 = tpu.memref_slice %arg12[%dma_wait3A_349, %dma_wait3A_350] : memref<120x128xf32, #tpu.memory_space<vmem>> -> memref<120x128xf32, #tpu.memory_space<vmem>>
      tpu.wait_dma2 semaphore(%run_scoped3A : memref<!tpu.dma_semaphore, #tpu.memory_space<semaphore_mem>>) src(%dma_wait3A_351 : memref<120x128xf32, #tpu.memory_space<vmem>>) dst(%dma_wait3A_348 : memref<120x128xf32, #tpu.memory_space<vmem_shared>>)
      tpu.yield
    }) : () -> ()
    %add3A_193 = arith.constant 600 : i32
    %add3A_194 = arith.addi %mul3A_177, %add3A_193 : i32
    %multiple_of3A_195 = tpu.assume_multiple %add3A_194, 8 : i32
    "tpu.region"() ({
      %run_scoped3A = tpu.sem_alloc : memref<!tpu.dma_semaphore, #tpu.memory_space<semaphore_mem>>
      %dma_start3A_332 = arith.constant 0 : i32
      %dma_start3A_333 = arith.constant 0 : i32
      %dma_start3A_334 = tpu.memref_slice %arg12[%dma_start3A_332, %dma_start3A_333] : memref<120x128xf32, #tpu.memory_space<vmem>> -> memref<32x128xf32, #tpu.memory_space<vmem>>
      %dma_start3A_335 = arith.constant 0 : i32
      %dma_start3A_336 = tpu.memref_slice %arg15[%multiple_of3A_195, %dma_start3A_335] : memref<10112x128xf32, #tpu.memory_space<vmem_shared>> -> memref<32x128xf32, #tpu.memory_space<vmem_shared>>
      %dma_start3A_337 = arith.constant 0 : i32
      %dma_start3A_338 = tpu.memref_slice %arg15[%multiple_of3A_195, %dma_start3A_337] : memref<10112x128xf32, #tpu.memory_space<vmem_shared>> -> memref<32x128xf32, #tpu.memory_space<vmem_shared>>
      %dma_start3A_339 = arith.constant 0 : i32
      %dma_start3A_340 = arith.constant 0 : i32
      %dma_start3A_341 = tpu.memref_slice %arg12[%dma_start3A_339, %dma_start3A_340] : memref<120x128xf32, #tpu.memory_space<vmem>> -> memref<32x128xf32, #tpu.memory_space<vmem>>
      tpu.enqueue_dma source(%dma_start3A_341 : memref<32x128xf32, #tpu.memory_space<vmem>>) target(%dma_start3A_338 : memref<32x128xf32, #tpu.memory_space<vmem_shared>>) target_semaphore(%run_scoped3A : memref<!tpu.dma_semaphore, #tpu.memory_space<semaphore_mem>>)
      %dma_wait3A_342 = arith.constant 0 : i32
      %dma_wait3A_343 = arith.constant 0 : i32
      %dma_wait3A_344 = tpu.memref_slice %arg12[%dma_wait3A_342, %dma_wait3A_343] : memref<120x128xf32, #tpu.memory_space<vmem>> -> memref<32x128xf32, #tpu.memory_space<vmem>>
      %dma_wait3A_345 = arith.constant 0 : i32
      %dma_wait3A_346 = tpu.memref_slice %arg15[%multiple_of3A_195, %dma_wait3A_345] : memref<10112x128xf32, #tpu.memory_space<vmem_shared>> -> memref<32x128xf32, #tpu.memory_space<vmem_shared>>
      %dma_wait3A_347 = arith.constant 0 : i32
      %dma_wait3A_348 = tpu.memref_slice %arg15[%multiple_of3A_195, %dma_wait3A_347] : memref<10112x128xf32, #tpu.memory_space<vmem_shared>> -> memref<32x128xf32, #tpu.memory_space<vmem_shared>>
      %dma_wait3A_349 = arith.constant 0 : i32
      %dma_wait3A_350 = arith.constant 0 : i32
      %dma_wait3A_351 = tpu.memref_slice %arg12[%dma_wait3A_349, %dma_wait3A_350] : memref<120x128xf32, #tpu.memory_space<vmem>> -> memref<32x128xf32, #tpu.memory_space<vmem>>
      tpu.wait_dma2 semaphore(%run_scoped3A : memref<!tpu.dma_semaphore, #tpu.memory_space<semaphore_mem>>) src(%dma_wait3A_351 : memref<32x128xf32, #tpu.memory_space<vmem>>) dst(%dma_wait3A_348 : memref<32x128xf32, #tpu.memory_space<vmem_shared>>)
      tpu.yield
    }) : () -> ()
    %barrier3A_196 = arith.constant 0 : index
    tpu.barrier barrier_id(%barrier3A_196)
    %mul3A_197 = arith.constant 322560 : i32
    %mul3A_198 = arith.muli %add3A_166, %mul3A_197 : i32
    %add3A_199 = arith.addi %mul3A_198, %mul3A_0 : i32
    %add3A_200 = arith.constant 0 : i32
    %add3A_201 = arith.addi %add3A_199, %add3A_200 : i32
    %multiple_of3A_202 = tpu.assume_multiple %add3A_201, 8 : i32
    "tpu.region"() ({
      %run_scoped3A = tpu.sem_alloc : memref<!tpu.dma_semaphore, #tpu.memory_space<semaphore_mem>>
      %dma_start3A_332 = tpu.memref_slice %arg3[%multiple_of3A_202] : memref<1290240xi32, #tpu.memory_space<hbm>> -> memref<120xi32, #tpu.memory_space<hbm>>
      %dma_start3A_333 = tpu.memref_slice %arg3[%multiple_of3A_202] : memref<1290240xi32, #tpu.memory_space<hbm>> -> memref<120xi32, #tpu.memory_space<hbm>>
      tpu.enqueue_dma source(%dma_start3A_333 : memref<120xi32, #tpu.memory_space<hbm>>) target(%arg6 : memref<120xi32, #tpu.memory_space<vmem>>) target_semaphore(%run_scoped3A : memref<!tpu.dma_semaphore, #tpu.memory_space<semaphore_mem>>)
      %dma_wait3A_334 = tpu.memref_slice %arg3[%multiple_of3A_202] : memref<1290240xi32, #tpu.memory_space<hbm>> -> memref<120xi32, #tpu.memory_space<hbm>>
      %dma_wait3A_335 = tpu.memref_slice %arg3[%multiple_of3A_202] : memref<1290240xi32, #tpu.memory_space<hbm>> -> memref<120xi32, #tpu.memory_space<hbm>>
      tpu.wait_dma2 semaphore(%run_scoped3A : memref<!tpu.dma_semaphore, #tpu.memory_space<semaphore_mem>>) src(%dma_wait3A_335 : memref<120xi32, #tpu.memory_space<hbm>>) dst(%arg6 : memref<120xi32, #tpu.memory_space<vmem>>)
      tpu.yield
    }) : () -> ()
    %add3A_203 = arith.constant 0 : i32
    %add3A_204 = arith.addi %mul3A_0, %add3A_203 : i32
    %multiple_of3A_205 = tpu.assume_multiple %add3A_204, 8 : i32
    "tpu.region"() ({
      %run_scoped3A = tpu.sem_alloc : memref<!tpu.dma_semaphore, #tpu.memory_space<semaphore_mem>>
      %dma_start3A_332 = tpu.memref_slice %arg4[%multiple_of3A_205] : memref<322560xi32, #tpu.memory_space<hbm>> -> memref<120xi32, #tpu.memory_space<hbm>>
      %dma_start3A_333 = tpu.memref_slice %arg4[%multiple_of3A_205] : memref<322560xi32, #tpu.memory_space<hbm>> -> memref<120xi32, #tpu.memory_space<hbm>>
      tpu.enqueue_dma source(%dma_start3A_333 : memref<120xi32, #tpu.memory_space<hbm>>) target(%arg9 : memref<120xi32, #tpu.memory_space<vmem>>) target_semaphore(%run_scoped3A : memref<!tpu.dma_semaphore, #tpu.memory_space<semaphore_mem>>)
      %dma_wait3A_334 = tpu.memref_slice %arg4[%multiple_of3A_205] : memref<322560xi32, #tpu.memory_space<hbm>> -> memref<120xi32, #tpu.memory_space<hbm>>
      %dma_wait3A_335 = tpu.memref_slice %arg4[%multiple_of3A_205] : memref<322560xi32, #tpu.memory_space<hbm>> -> memref<120xi32, #tpu.memory_space<hbm>>
      tpu.wait_dma2 semaphore(%run_scoped3A : memref<!tpu.dma_semaphore, #tpu.memory_space<semaphore_mem>>) src(%dma_wait3A_335 : memref<120xi32, #tpu.memory_space<hbm>>) dst(%arg9 : memref<120xi32, #tpu.memory_space<vmem>>)
      tpu.yield
    }) : () -> ()
    %dma_start3A_206 = arith.constant 0 : i32
    %dma_start3A_207 = arith.constant 0 : i32
    %dma_start3A_208 = tpu.memref_slice %arg2[%dma_start3A_206, %dma_start3A_207] : memref<40000x128xf32, #tpu.memory_space<hbm>> -> memref<40000x128xf32, #tpu.memory_space<hbm>>
    tpu.enqueue_indirect_dma source(%dma_start3A_208 : memref<40000x128xf32, #tpu.memory_space<hbm>>) target(%arg12 : memref<120x128xf32, #tpu.memory_space<vmem>>) offsets(%arg6 : memref<120xi32, #tpu.memory_space<vmem>>) semaphore(%arg16 : memref<!tpu.dma_semaphore, #tpu.memory_space<semaphore_mem>>)
    %mul3A_209 = arith.constant 322560 : i32
    %mul3A_210 = arith.muli %add3A_166, %mul3A_209 : i32
    %add3A_211 = arith.addi %mul3A_210, %mul3A_0 : i32
    %add3A_212 = arith.constant 120 : i32
    %add3A_213 = arith.addi %add3A_211, %add3A_212 : i32
    %multiple_of3A_214 = tpu.assume_multiple %add3A_213, 8 : i32
    "tpu.region"() ({
      %run_scoped3A = tpu.sem_alloc : memref<!tpu.dma_semaphore, #tpu.memory_space<semaphore_mem>>
      %dma_start3A_332 = tpu.memref_slice %arg3[%multiple_of3A_214] : memref<1290240xi32, #tpu.memory_space<hbm>> -> memref<120xi32, #tpu.memory_space<hbm>>
      %dma_start3A_333 = tpu.memref_slice %arg3[%multiple_of3A_214] : memref<1290240xi32, #tpu.memory_space<hbm>> -> memref<120xi32, #tpu.memory_space<hbm>>
      tpu.enqueue_dma source(%dma_start3A_333 : memref<120xi32, #tpu.memory_space<hbm>>) target(%arg7 : memref<120xi32, #tpu.memory_space<vmem>>) target_semaphore(%run_scoped3A : memref<!tpu.dma_semaphore, #tpu.memory_space<semaphore_mem>>)
      %dma_wait3A_334 = tpu.memref_slice %arg3[%multiple_of3A_214] : memref<1290240xi32, #tpu.memory_space<hbm>> -> memref<120xi32, #tpu.memory_space<hbm>>
      %dma_wait3A_335 = tpu.memref_slice %arg3[%multiple_of3A_214] : memref<1290240xi32, #tpu.memory_space<hbm>> -> memref<120xi32, #tpu.memory_space<hbm>>
      tpu.wait_dma2 semaphore(%run_scoped3A : memref<!tpu.dma_semaphore, #tpu.memory_space<semaphore_mem>>) src(%dma_wait3A_335 : memref<120xi32, #tpu.memory_space<hbm>>) dst(%arg7 : memref<120xi32, #tpu.memory_space<vmem>>)
      tpu.yield
    }) : () -> ()
    %add3A_215 = arith.constant 120 : i32
    %add3A_216 = arith.addi %mul3A_0, %add3A_215 : i32
    %multiple_of3A_217 = tpu.assume_multiple %add3A_216, 8 : i32
    "tpu.region"() ({
      %run_scoped3A = tpu.sem_alloc : memref<!tpu.dma_semaphore, #tpu.memory_space<semaphore_mem>>
      %dma_start3A_332 = tpu.memref_slice %arg4[%multiple_of3A_217] : memref<322560xi32, #tpu.memory_space<hbm>> -> memref<120xi32, #tpu.memory_space<hbm>>
      %dma_start3A_333 = tpu.memref_slice %arg4[%multiple_of3A_217] : memref<322560xi32, #tpu.memory_space<hbm>> -> memref<120xi32, #tpu.memory_space<hbm>>
      tpu.enqueue_dma source(%dma_start3A_333 : memref<120xi32, #tpu.memory_space<hbm>>) target(%arg10 : memref<120xi32, #tpu.memory_space<vmem>>) target_semaphore(%run_scoped3A : memref<!tpu.dma_semaphore, #tpu.memory_space<semaphore_mem>>)
      %dma_wait3A_334 = tpu.memref_slice %arg4[%multiple_of3A_217] : memref<322560xi32, #tpu.memory_space<hbm>> -> memref<120xi32, #tpu.memory_space<hbm>>
      %dma_wait3A_335 = tpu.memref_slice %arg4[%multiple_of3A_217] : memref<322560xi32, #tpu.memory_space<hbm>> -> memref<120xi32, #tpu.memory_space<hbm>>
      tpu.wait_dma2 semaphore(%run_scoped3A : memref<!tpu.dma_semaphore, #tpu.memory_space<semaphore_mem>>) src(%dma_wait3A_335 : memref<120xi32, #tpu.memory_space<hbm>>) dst(%arg10 : memref<120xi32, #tpu.memory_space<vmem>>)
      tpu.yield
    }) : () -> ()
    %dma_wait3A_218 = arith.constant 0 : i32
    %dma_wait3A_219 = arith.constant 0 : i32
    %dma_wait3A_220 = tpu.memref_slice %arg2[%dma_wait3A_218, %dma_wait3A_219] : memref<40000x128xf32, #tpu.memory_space<hbm>> -> memref<40000x128xf32, #tpu.memory_space<hbm>>
    tpu.wait_indirect_dma semaphore(%arg16 : memref<!tpu.dma_semaphore, #tpu.memory_space<semaphore_mem>>) src(%dma_wait3A_220 : memref<40000x128xf32, #tpu.memory_space<hbm>>) dst(%arg12 : memref<120x128xf32, #tpu.memory_space<vmem>>)
    %dma_start3A_221 = arith.constant 0 : i32
    %dma_start3A_222 = arith.constant 0 : i32
    %dma_start3A_223 = tpu.memref_slice %arg2[%dma_start3A_221, %dma_start3A_222] : memref<40000x128xf32, #tpu.memory_space<hbm>> -> memref<40000x128xf32, #tpu.memory_space<hbm>>
    tpu.enqueue_indirect_dma source(%dma_start3A_223 : memref<40000x128xf32, #tpu.memory_space<hbm>>) target(%arg13 : memref<120x128xf32, #tpu.memory_space<vmem>>) offsets(%arg7 : memref<120xi32, #tpu.memory_space<vmem>>) semaphore(%arg16 : memref<!tpu.dma_semaphore, #tpu.memory_space<semaphore_mem>>)
    "tpu.region"() ({
      %run_scoped3A = tpu.sem_alloc : memref<!tpu.dma_semaphore, #tpu.memory_space<semaphore_mem>>
      %dma_start3A_332 = arith.constant 0 : i32
      %dma_start3A_333 = arith.constant 0 : i32
      %dma_start3A_334 = tpu.memref_slice %arg15[%dma_start3A_332, %dma_start3A_333] : memref<10112x128xf32, #tpu.memory_space<vmem_shared>> -> memref<10112x128xf32, #tpu.memory_space<vmem_shared>>
      tpu.enqueue_indirect_dma source(%arg12 : memref<120x128xf32, #tpu.memory_space<vmem>>) target(%dma_start3A_334 : memref<10112x128xf32, #tpu.memory_space<vmem_shared>>) offsets(%arg9 : memref<120xi32, #tpu.memory_space<vmem>>) semaphore(%run_scoped3A : memref<!tpu.dma_semaphore, #tpu.memory_space<semaphore_mem>>) {add = true}
      %dma_wait3A_335 = arith.constant 0 : i32
      %dma_wait3A_336 = arith.constant 0 : i32
      %dma_wait3A_337 = tpu.memref_slice %arg15[%dma_wait3A_335, %dma_wait3A_336] : memref<10112x128xf32, #tpu.memory_space<vmem_shared>> -> memref<10112x128xf32, #tpu.memory_space<vmem_shared>>
      tpu.wait_indirect_dma semaphore(%run_scoped3A : memref<!tpu.dma_semaphore, #tpu.memory_space<semaphore_mem>>) src(%arg12 : memref<120x128xf32, #tpu.memory_space<vmem>>) dst(%dma_wait3A_337 : memref<10112x128xf32, #tpu.memory_space<vmem_shared>>)
      tpu.yield
    }) : () -> ()
    %mul3A_224 = arith.constant 322560 : i32
    %mul3A_225 = arith.muli %add3A_166, %mul3A_224 : i32
    %add3A_226 = arith.addi %mul3A_225, %mul3A_0 : i32
    %add3A_227 = arith.constant 240 : i32
    %add3A_228 = arith.addi %add3A_226, %add3A_227 : i32
    %multiple_of3A_229 = tpu.assume_multiple %add3A_228, 8 : i32
    "tpu.region"() ({
      %run_scoped3A = tpu.sem_alloc : memref<!tpu.dma_semaphore, #tpu.memory_space<semaphore_mem>>
      %dma_start3A_332 = tpu.memref_slice %arg3[%multiple_of3A_229] : memref<1290240xi32, #tpu.memory_space<hbm>> -> memref<120xi32, #tpu.memory_space<hbm>>
      %dma_start3A_333 = tpu.memref_slice %arg3[%multiple_of3A_229] : memref<1290240xi32, #tpu.memory_space<hbm>> -> memref<120xi32, #tpu.memory_space<hbm>>
      tpu.enqueue_dma source(%dma_start3A_333 : memref<120xi32, #tpu.memory_space<hbm>>) target(%arg8 : memref<120xi32, #tpu.memory_space<vmem>>) target_semaphore(%run_scoped3A : memref<!tpu.dma_semaphore, #tpu.memory_space<semaphore_mem>>)
      %dma_wait3A_334 = tpu.memref_slice %arg3[%multiple_of3A_229] : memref<1290240xi32, #tpu.memory_space<hbm>> -> memref<120xi32, #tpu.memory_space<hbm>>
      %dma_wait3A_335 = tpu.memref_slice %arg3[%multiple_of3A_229] : memref<1290240xi32, #tpu.memory_space<hbm>> -> memref<120xi32, #tpu.memory_space<hbm>>
      tpu.wait_dma2 semaphore(%run_scoped3A : memref<!tpu.dma_semaphore, #tpu.memory_space<semaphore_mem>>) src(%dma_wait3A_335 : memref<120xi32, #tpu.memory_space<hbm>>) dst(%arg8 : memref<120xi32, #tpu.memory_space<vmem>>)
      tpu.yield
    }) : () -> ()
    %add3A_230 = arith.constant 240 : i32
    %add3A_231 = arith.addi %mul3A_0, %add3A_230 : i32
    %multiple_of3A_232 = tpu.assume_multiple %add3A_231, 8 : i32
    "tpu.region"() ({
      %run_scoped3A = tpu.sem_alloc : memref<!tpu.dma_semaphore, #tpu.memory_space<semaphore_mem>>
      %dma_start3A_332 = tpu.memref_slice %arg4[%multiple_of3A_232] : memref<322560xi32, #tpu.memory_space<hbm>> -> memref<120xi32, #tpu.memory_space<hbm>>
      %dma_start3A_333 = tpu.memref_slice %arg4[%multiple_of3A_232] : memref<322560xi32, #tpu.memory_space<hbm>> -> memref<120xi32, #tpu.memory_space<hbm>>
      tpu.enqueue_dma source(%dma_start3A_333 : memref<120xi32, #tpu.memory_space<hbm>>) target(%arg11 : memref<120xi32, #tpu.memory_space<vmem>>) target_semaphore(%run_scoped3A : memref<!tpu.dma_semaphore, #tpu.memory_space<semaphore_mem>>)
      %dma_wait3A_334 = tpu.memref_slice %arg4[%multiple_of3A_232] : memref<322560xi32, #tpu.memory_space<hbm>> -> memref<120xi32, #tpu.memory_space<hbm>>
      %dma_wait3A_335 = tpu.memref_slice %arg4[%multiple_of3A_232] : memref<322560xi32, #tpu.memory_space<hbm>> -> memref<120xi32, #tpu.memory_space<hbm>>
      tpu.wait_dma2 semaphore(%run_scoped3A : memref<!tpu.dma_semaphore, #tpu.memory_space<semaphore_mem>>) src(%dma_wait3A_335 : memref<120xi32, #tpu.memory_space<hbm>>) dst(%arg11 : memref<120xi32, #tpu.memory_space<vmem>>)
      tpu.yield
    }) : () -> ()
    %dma_wait3A_233 = arith.constant 0 : i32
    %dma_wait3A_234 = arith.constant 0 : i32
    %dma_wait3A_235 = tpu.memref_slice %arg2[%dma_wait3A_233, %dma_wait3A_234] : memref<40000x128xf32, #tpu.memory_space<hbm>> -> memref<40000x128xf32, #tpu.memory_space<hbm>>
    tpu.wait_indirect_dma semaphore(%arg16 : memref<!tpu.dma_semaphore, #tpu.memory_space<semaphore_mem>>) src(%dma_wait3A_235 : memref<40000x128xf32, #tpu.memory_space<hbm>>) dst(%arg13 : memref<120x128xf32, #tpu.memory_space<vmem>>)
    %dma_start3A_236 = arith.constant 0 : i32
    %dma_start3A_237 = arith.constant 0 : i32
    %dma_start3A_238 = tpu.memref_slice %arg2[%dma_start3A_236, %dma_start3A_237] : memref<40000x128xf32, #tpu.memory_space<hbm>> -> memref<40000x128xf32, #tpu.memory_space<hbm>>
    tpu.enqueue_indirect_dma source(%dma_start3A_238 : memref<40000x128xf32, #tpu.memory_space<hbm>>) target(%arg14 : memref<120x128xf32, #tpu.memory_space<vmem>>) offsets(%arg8 : memref<120xi32, #tpu.memory_space<vmem>>) semaphore(%arg16 : memref<!tpu.dma_semaphore, #tpu.memory_space<semaphore_mem>>)
    "tpu.region"() ({
      %run_scoped3A = tpu.sem_alloc : memref<!tpu.dma_semaphore, #tpu.memory_space<semaphore_mem>>
      %dma_start3A_332 = arith.constant 0 : i32
      %dma_start3A_333 = arith.constant 0 : i32
      %dma_start3A_334 = tpu.memref_slice %arg15[%dma_start3A_332, %dma_start3A_333] : memref<10112x128xf32, #tpu.memory_space<vmem_shared>> -> memref<10112x128xf32, #tpu.memory_space<vmem_shared>>
      tpu.enqueue_indirect_dma source(%arg13 : memref<120x128xf32, #tpu.memory_space<vmem>>) target(%dma_start3A_334 : memref<10112x128xf32, #tpu.memory_space<vmem_shared>>) offsets(%arg10 : memref<120xi32, #tpu.memory_space<vmem>>) semaphore(%run_scoped3A : memref<!tpu.dma_semaphore, #tpu.memory_space<semaphore_mem>>) {add = true}
      %dma_wait3A_335 = arith.constant 0 : i32
      %dma_wait3A_336 = arith.constant 0 : i32
      %dma_wait3A_337 = tpu.memref_slice %arg15[%dma_wait3A_335, %dma_wait3A_336] : memref<10112x128xf32, #tpu.memory_space<vmem_shared>> -> memref<10112x128xf32, #tpu.memory_space<vmem_shared>>
      tpu.wait_indirect_dma semaphore(%run_scoped3A : memref<!tpu.dma_semaphore, #tpu.memory_space<semaphore_mem>>) src(%arg13 : memref<120x128xf32, #tpu.memory_space<vmem>>) dst(%dma_wait3A_337 : memref<10112x128xf32, #tpu.memory_space<vmem_shared>>)
      tpu.yield
    }) : () -> ()
    %mul3A_239 = arith.constant 322560 : i32
    %mul3A_240 = arith.muli %add3A_166, %mul3A_239 : i32
    %add3A_241 = arith.addi %mul3A_240, %mul3A_0 : i32
    %add3A_242 = arith.constant 360 : i32
    %add3A_243 = arith.addi %add3A_241, %add3A_242 : i32
    %multiple_of3A_244 = tpu.assume_multiple %add3A_243, 8 : i32
    "tpu.region"() ({
      %run_scoped3A = tpu.sem_alloc : memref<!tpu.dma_semaphore, #tpu.memory_space<semaphore_mem>>
      %dma_start3A_332 = tpu.memref_slice %arg3[%multiple_of3A_244] : memref<1290240xi32, #tpu.memory_space<hbm>> -> memref<120xi32, #tpu.memory_space<hbm>>
      %dma_start3A_333 = tpu.memref_slice %arg3[%multiple_of3A_244] : memref<1290240xi32, #tpu.memory_space<hbm>> -> memref<120xi32, #tpu.memory_space<hbm>>
      tpu.enqueue_dma source(%dma_start3A_333 : memref<120xi32, #tpu.memory_space<hbm>>) target(%arg6 : memref<120xi32, #tpu.memory_space<vmem>>) target_semaphore(%run_scoped3A : memref<!tpu.dma_semaphore, #tpu.memory_space<semaphore_mem>>)
      %dma_wait3A_334 = tpu.memref_slice %arg3[%multiple_of3A_244] : memref<1290240xi32, #tpu.memory_space<hbm>> -> memref<120xi32, #tpu.memory_space<hbm>>
      %dma_wait3A_335 = tpu.memref_slice %arg3[%multiple_of3A_244] : memref<1290240xi32, #tpu.memory_space<hbm>> -> memref<120xi32, #tpu.memory_space<hbm>>
      tpu.wait_dma2 semaphore(%run_scoped3A : memref<!tpu.dma_semaphore, #tpu.memory_space<semaphore_mem>>) src(%dma_wait3A_335 : memref<120xi32, #tpu.memory_space<hbm>>) dst(%arg6 : memref<120xi32, #tpu.memory_space<vmem>>)
      tpu.yield
    }) : () -> ()
    %add3A_245 = arith.constant 360 : i32
    %add3A_246 = arith.addi %mul3A_0, %add3A_245 : i32
    %multiple_of3A_247 = tpu.assume_multiple %add3A_246, 8 : i32
    "tpu.region"() ({
      %run_scoped3A = tpu.sem_alloc : memref<!tpu.dma_semaphore, #tpu.memory_space<semaphore_mem>>
      %dma_start3A_332 = tpu.memref_slice %arg4[%multiple_of3A_247] : memref<322560xi32, #tpu.memory_space<hbm>> -> memref<120xi32, #tpu.memory_space<hbm>>
      %dma_start3A_333 = tpu.memref_slice %arg4[%multiple_of3A_247] : memref<322560xi32, #tpu.memory_space<hbm>> -> memref<120xi32, #tpu.memory_space<hbm>>
      tpu.enqueue_dma source(%dma_start3A_333 : memref<120xi32, #tpu.memory_space<hbm>>) target(%arg9 : memref<120xi32, #tpu.memory_space<vmem>>) target_semaphore(%run_scoped3A : memref<!tpu.dma_semaphore, #tpu.memory_space<semaphore_mem>>)
      %dma_wait3A_334 = tpu.memref_slice %arg4[%multiple_of3A_247] : memref<322560xi32, #tpu.memory_space<hbm>> -> memref<120xi32, #tpu.memory_space<hbm>>
      %dma_wait3A_335 = tpu.memref_slice %arg4[%multiple_of3A_247] : memref<322560xi32, #tpu.memory_space<hbm>> -> memref<120xi32, #tpu.memory_space<hbm>>
      tpu.wait_dma2 semaphore(%run_scoped3A : memref<!tpu.dma_semaphore, #tpu.memory_space<semaphore_mem>>) src(%dma_wait3A_335 : memref<120xi32, #tpu.memory_space<hbm>>) dst(%arg9 : memref<120xi32, #tpu.memory_space<vmem>>)
      tpu.yield
    }) : () -> ()
    %dma_wait3A_248 = arith.constant 0 : i32
    %dma_wait3A_249 = arith.constant 0 : i32
    %dma_wait3A_250 = tpu.memref_slice %arg2[%dma_wait3A_248, %dma_wait3A_249] : memref<40000x128xf32, #tpu.memory_space<hbm>> -> memref<40000x128xf32, #tpu.memory_space<hbm>>
    tpu.wait_indirect_dma semaphore(%arg16 : memref<!tpu.dma_semaphore, #tpu.memory_space<semaphore_mem>>) src(%dma_wait3A_250 : memref<40000x128xf32, #tpu.memory_space<hbm>>) dst(%arg14 : memref<120x128xf32, #tpu.memory_space<vmem>>)
    %dma_start3A_251 = arith.constant 0 : i32
    %dma_start3A_252 = arith.constant 0 : i32
    %dma_start3A_253 = tpu.memref_slice %arg2[%dma_start3A_251, %dma_start3A_252] : memref<40000x128xf32, #tpu.memory_space<hbm>> -> memref<40000x128xf32, #tpu.memory_space<hbm>>
    tpu.enqueue_indirect_dma source(%dma_start3A_253 : memref<40000x128xf32, #tpu.memory_space<hbm>>) target(%arg12 : memref<120x128xf32, #tpu.memory_space<vmem>>) offsets(%arg6 : memref<120xi32, #tpu.memory_space<vmem>>) semaphore(%arg16 : memref<!tpu.dma_semaphore, #tpu.memory_space<semaphore_mem>>)
    "tpu.region"() ({
      %run_scoped3A = tpu.sem_alloc : memref<!tpu.dma_semaphore, #tpu.memory_space<semaphore_mem>>
      %dma_start3A_332 = arith.constant 0 : i32
      %dma_start3A_333 = arith.constant 0 : i32
      %dma_start3A_334 = tpu.memref_slice %arg15[%dma_start3A_332, %dma_start3A_333] : memref<10112x128xf32, #tpu.memory_space<vmem_shared>> -> memref<10112x128xf32, #tpu.memory_space<vmem_shared>>
      tpu.enqueue_indirect_dma source(%arg14 : memref<120x128xf32, #tpu.memory_space<vmem>>) target(%dma_start3A_334 : memref<10112x128xf32, #tpu.memory_space<vmem_shared>>) offsets(%arg11 : memref<120xi32, #tpu.memory_space<vmem>>) semaphore(%run_scoped3A : memref<!tpu.dma_semaphore, #tpu.memory_space<semaphore_mem>>) {add = true}
      %dma_wait3A_335 = arith.constant 0 : i32
      %dma_wait3A_336 = arith.constant 0 : i32
      %dma_wait3A_337 = tpu.memref_slice %arg15[%dma_wait3A_335, %dma_wait3A_336] : memref<10112x128xf32, #tpu.memory_space<vmem_shared>> -> memref<10112x128xf32, #tpu.memory_space<vmem_shared>>
      tpu.wait_indirect_dma semaphore(%run_scoped3A : memref<!tpu.dma_semaphore, #tpu.memory_space<semaphore_mem>>) src(%arg14 : memref<120x128xf32, #tpu.memory_space<vmem>>) dst(%dma_wait3A_337 : memref<10112x128xf32, #tpu.memory_space<vmem_shared>>)
      tpu.yield
    }) : () -> ()
    %scan3A_254 = arith.constant 0 : i32
    %scan3A_255 = arith.constant 1 : i32
    %scan3A_256 = arith.constant 54 : i32
    %scan3A_257 = arith.addi %scan3A_255, %scan3A_256 : i32
    %scan3A_258 = arith.constant 1 : i32
    %scan3A_259 = scf.for %scan3A_332 = %scan3A_255 to %scan3A_257 step %scan3A_258 iter_args(%scan3A_333 = %scan3A_254) -> (i32)  : i32 {
      %mul3A_334 = arith.constant 3 : i32
      %mul3A_335 = arith.muli %scan3A_332, %mul3A_334 : i32
      %add3A_336 = arith.constant 1 : i32
      %add3A_337 = arith.addi %mul3A_335, %add3A_336 : i32
      %mul3A_338 = arith.constant 322560 : i32
      %mul3A_339 = arith.muli %add3A_166, %mul3A_338 : i32
      %add3A_340 = arith.addi %mul3A_339, %mul3A_0 : i32
      %mul3A_341 = arith.constant 120 : i32
      %mul3A_342 = arith.muli %add3A_337, %mul3A_341 : i32
      %add3A_343 = arith.addi %add3A_340, %mul3A_342 : i32
      %multiple_of3A_344 = tpu.assume_multiple %add3A_343, 8 : i32
      "tpu.region"() ({
        %run_scoped3A = tpu.sem_alloc : memref<!tpu.dma_semaphore, #tpu.memory_space<semaphore_mem>>
        %dma_start3A_398 = tpu.memref_slice %arg3[%multiple_of3A_344] : memref<1290240xi32, #tpu.memory_space<hbm>> -> memref<120xi32, #tpu.memory_space<hbm>>
        %dma_start3A_399 = tpu.memref_slice %arg3[%multiple_of3A_344] : memref<1290240xi32, #tpu.memory_space<hbm>> -> memref<120xi32, #tpu.memory_space<hbm>>
        tpu.enqueue_dma source(%dma_start3A_399 : memref<120xi32, #tpu.memory_space<hbm>>) target(%arg7 : memref<120xi32, #tpu.memory_space<vmem>>) target_semaphore(%run_scoped3A : memref<!tpu.dma_semaphore, #tpu.memory_space<semaphore_mem>>)
        %dma_wait3A_400 = tpu.memref_slice %arg3[%multiple_of3A_344] : memref<1290240xi32, #tpu.memory_space<hbm>> -> memref<120xi32, #tpu.memory_space<hbm>>
        %dma_wait3A_401 = tpu.memref_slice %arg3[%multiple_of3A_344] : memref<1290240xi32, #tpu.memory_space<hbm>> -> memref<120xi32, #tpu.memory_space<hbm>>
        tpu.wait_dma2 semaphore(%run_scoped3A : memref<!tpu.dma_semaphore, #tpu.memory_space<semaphore_mem>>) src(%dma_wait3A_401 : memref<120xi32, #tpu.memory_space<hbm>>) dst(%arg7 : memref<120xi32, #tpu.memory_space<vmem>>)
        tpu.yield
      }) : () -> ()
      %mul3A_345 = arith.constant 120 : i32
      %mul3A_346 = arith.muli %add3A_337, %mul3A_345 : i32
      %add3A_347 = arith.addi %mul3A_0, %mul3A_346 : i32
      %multiple_of3A_348 = tpu.assume_multiple %add3A_347, 8 : i32
      "tpu.region"() ({
        %run_scoped3A = tpu.sem_alloc : memref<!tpu.dma_semaphore, #tpu.memory_space<semaphore_mem>>
        %dma_start3A_398 = tpu.memref_slice %arg4[%multiple_of3A_348] : memref<322560xi32, #tpu.memory_space<hbm>> -> memref<120xi32, #tpu.memory_space<hbm>>
        %dma_start3A_399 = tpu.memref_slice %arg4[%multiple_of3A_348] : memref<322560xi32, #tpu.memory_space<hbm>> -> memref<120xi32, #tpu.memory_space<hbm>>
        tpu.enqueue_dma source(%dma_start3A_399 : memref<120xi32, #tpu.memory_space<hbm>>) target(%arg10 : memref<120xi32, #tpu.memory_space<vmem>>) target_semaphore(%run_scoped3A : memref<!tpu.dma_semaphore, #tpu.memory_space<semaphore_mem>>)
        %dma_wait3A_400 = tpu.memref_slice %arg4[%multiple_of3A_348] : memref<322560xi32, #tpu.memory_space<hbm>> -> memref<120xi32, #tpu.memory_space<hbm>>
        %dma_wait3A_401 = tpu.memref_slice %arg4[%multiple_of3A_348] : memref<322560xi32, #tpu.memory_space<hbm>> -> memref<120xi32, #tpu.memory_space<hbm>>
        tpu.wait_dma2 semaphore(%run_scoped3A : memref<!tpu.dma_semaphore, #tpu.memory_space<semaphore_mem>>) src(%dma_wait3A_401 : memref<120xi32, #tpu.memory_space<hbm>>) dst(%arg10 : memref<120xi32, #tpu.memory_space<vmem>>)
        tpu.yield
      }) : () -> ()
      %dma_wait3A_349 = arith.constant 0 : i32
      %dma_wait3A_350 = arith.constant 0 : i32
      %dma_wait3A_351 = tpu.memref_slice %arg2[%dma_wait3A_349, %dma_wait3A_350] : memref<40000x128xf32, #tpu.memory_space<hbm>> -> memref<40000x128xf32, #tpu.memory_space<hbm>>
      tpu.wait_indirect_dma semaphore(%arg16 : memref<!tpu.dma_semaphore, #tpu.memory_space<semaphore_mem>>) src(%dma_wait3A_351 : memref<40000x128xf32, #tpu.memory_space<hbm>>) dst(%arg12 : memref<120x128xf32, #tpu.memory_space<vmem>>)
      %dma_start3A_352 = arith.constant 0 : i32
      %dma_start3A_353 = arith.constant 0 : i32
      %dma_start3A_354 = tpu.memref_slice %arg2[%dma_start3A_352, %dma_start3A_353] : memref<40000x128xf32, #tpu.memory_space<hbm>> -> memref<40000x128xf32, #tpu.memory_space<hbm>>
      tpu.enqueue_indirect_dma source(%dma_start3A_354 : memref<40000x128xf32, #tpu.memory_space<hbm>>) target(%arg13 : memref<120x128xf32, #tpu.memory_space<vmem>>) offsets(%arg7 : memref<120xi32, #tpu.memory_space<vmem>>) semaphore(%arg16 : memref<!tpu.dma_semaphore, #tpu.memory_space<semaphore_mem>>)
      "tpu.region"() ({
        %run_scoped3A = tpu.sem_alloc : memref<!tpu.dma_semaphore, #tpu.memory_space<semaphore_mem>>
        %dma_start3A_398 = arith.constant 0 : i32
        %dma_start3A_399 = arith.constant 0 : i32
        %dma_start3A_400 = tpu.memref_slice %arg15[%dma_start3A_398, %dma_start3A_399] : memref<10112x128xf32, #tpu.memory_space<vmem_shared>> -> memref<10112x128xf32, #tpu.memory_space<vmem_shared>>
        tpu.enqueue_indirect_dma source(%arg12 : memref<120x128xf32, #tpu.memory_space<vmem>>) target(%dma_start3A_400 : memref<10112x128xf32, #tpu.memory_space<vmem_shared>>) offsets(%arg9 : memref<120xi32, #tpu.memory_space<vmem>>) semaphore(%run_scoped3A : memref<!tpu.dma_semaphore, #tpu.memory_space<semaphore_mem>>) {add = true}
        %dma_wait3A_401 = arith.constant 0 : i32
        %dma_wait3A_402 = arith.constant 0 : i32
        %dma_wait3A_403 = tpu.memref_slice %arg15[%dma_wait3A_401, %dma_wait3A_402] : memref<10112x128xf32, #tpu.memory_space<vmem_shared>> -> memref<10112x128xf32, #tpu.memory_space<vmem_shared>>
        tpu.wait_indirect_dma semaphore(%run_scoped3A : memref<!tpu.dma_semaphore, #tpu.memory_space<semaphore_mem>>) src(%arg12 : memref<120x128xf32, #tpu.memory_space<vmem>>) dst(%dma_wait3A_403 : memref<10112x128xf32, #tpu.memory_space<vmem_shared>>)
        tpu.yield
      }) : () -> ()
      %add3A_355 = arith.constant 1 : i32
      %add3A_356 = arith.addi %mul3A_335, %add3A_355 : i32
      %add3A_357 = arith.constant 1 : i32
      %add3A_358 = arith.addi %add3A_356, %add3A_357 : i32
      %mul3A_359 = arith.constant 322560 : i32
      %mul3A_360 = arith.muli %add3A_166, %mul3A_359 : i32
      %add3A_361 = arith.addi %mul3A_360, %mul3A_0 : i32
      %mul3A_362 = arith.constant 120 : i32
      %mul3A_363 = arith.muli %add3A_358, %mul3A_362 : i32
      %add3A_364 = arith.addi %add3A_361, %mul3A_363 : i32
      %multiple_of3A_365 = tpu.assume_multiple %add3A_364, 8 : i32
      "tpu.region"() ({
        %run_scoped3A = tpu.sem_alloc : memref<!tpu.dma_semaphore, #tpu.memory_space<semaphore_mem>>
        %dma_start3A_398 = tpu.memref_slice %arg3[%multiple_of3A_365] : memref<1290240xi32, #tpu.memory_space<hbm>> -> memref<120xi32, #tpu.memory_space<hbm>>
        %dma_start3A_399 = tpu.memref_slice %arg3[%multiple_of3A_365] : memref<1290240xi32, #tpu.memory_space<hbm>> -> memref<120xi32, #tpu.memory_space<hbm>>
        tpu.enqueue_dma source(%dma_start3A_399 : memref<120xi32, #tpu.memory_space<hbm>>) target(%arg8 : memref<120xi32, #tpu.memory_space<vmem>>) target_semaphore(%run_scoped3A : memref<!tpu.dma_semaphore, #tpu.memory_space<semaphore_mem>>)
        %dma_wait3A_400 = tpu.memref_slice %arg3[%multiple_of3A_365] : memref<1290240xi32, #tpu.memory_space<hbm>> -> memref<120xi32, #tpu.memory_space<hbm>>
        %dma_wait3A_401 = tpu.memref_slice %arg3[%multiple_of3A_365] : memref<1290240xi32, #tpu.memory_space<hbm>> -> memref<120xi32, #tpu.memory_space<hbm>>
        tpu.wait_dma2 semaphore(%run_scoped3A : memref<!tpu.dma_semaphore, #tpu.memory_space<semaphore_mem>>) src(%dma_wait3A_401 : memref<120xi32, #tpu.memory_space<hbm>>) dst(%arg8 : memref<120xi32, #tpu.memory_space<vmem>>)
        tpu.yield
      }) : () -> ()
      %mul3A_366 = arith.constant 120 : i32
      %mul3A_367 = arith.muli %add3A_358, %mul3A_366 : i32
      %add3A_368 = arith.addi %mul3A_0, %mul3A_367 : i32
      %multiple_of3A_369 = tpu.assume_multiple %add3A_368, 8 : i32
      "tpu.region"() ({
        %run_scoped3A = tpu.sem_alloc : memref<!tpu.dma_semaphore, #tpu.memory_space<semaphore_mem>>
        %dma_start3A_398 = tpu.memref_slice %arg4[%multiple_of3A_369] : memref<322560xi32, #tpu.memory_space<hbm>> -> memref<120xi32, #tpu.memory_space<hbm>>
        %dma_start3A_399 = tpu.memref_slice %arg4[%multiple_of3A_369] : memref<322560xi32, #tpu.memory_space<hbm>> -> memref<120xi32, #tpu.memory_space<hbm>>
        tpu.enqueue_dma source(%dma_start3A_399 : memref<120xi32, #tpu.memory_space<hbm>>) target(%arg11 : memref<120xi32, #tpu.memory_space<vmem>>) target_semaphore(%run_scoped3A : memref<!tpu.dma_semaphore, #tpu.memory_space<semaphore_mem>>)
        %dma_wait3A_400 = tpu.memref_slice %arg4[%multiple_of3A_369] : memref<322560xi32, #tpu.memory_space<hbm>> -> memref<120xi32, #tpu.memory_space<hbm>>
        %dma_wait3A_401 = tpu.memref_slice %arg4[%multiple_of3A_369] : memref<322560xi32, #tpu.memory_space<hbm>> -> memref<120xi32, #tpu.memory_space<hbm>>
        tpu.wait_dma2 semaphore(%run_scoped3A : memref<!tpu.dma_semaphore, #tpu.memory_space<semaphore_mem>>) src(%dma_wait3A_401 : memref<120xi32, #tpu.memory_space<hbm>>) dst(%arg11 : memref<120xi32, #tpu.memory_space<vmem>>)
        tpu.yield
      }) : () -> ()
      %dma_wait3A_370 = arith.constant 0 : i32
      %dma_wait3A_371 = arith.constant 0 : i32
      %dma_wait3A_372 = tpu.memref_slice %arg2[%dma_wait3A_370, %dma_wait3A_371] : memref<40000x128xf32, #tpu.memory_space<hbm>> -> memref<40000x128xf32, #tpu.memory_space<hbm>>
      tpu.wait_indirect_dma semaphore(%arg16 : memref<!tpu.dma_semaphore, #tpu.memory_space<semaphore_mem>>) src(%dma_wait3A_372 : memref<40000x128xf32, #tpu.memory_space<hbm>>) dst(%arg13 : memref<120x128xf32, #tpu.memory_space<vmem>>)
      %dma_start3A_373 = arith.constant 0 : i32
      %dma_start3A_374 = arith.constant 0 : i32
      %dma_start3A_375 = tpu.memref_slice %arg2[%dma_start3A_373, %dma_start3A_374] : memref<40000x128xf32, #tpu.memory_space<hbm>> -> memref<40000x128xf32, #tpu.memory_space<hbm>>
      tpu.enqueue_indirect_dma source(%dma_start3A_375 : memref<40000x128xf32, #tpu.memory_space<hbm>>) target(%arg14 : memref<120x128xf32, #tpu.memory_space<vmem>>) offsets(%arg8 : memref<120xi32, #tpu.memory_space<vmem>>) semaphore(%arg16 : memref<!tpu.dma_semaphore, #tpu.memory_space<semaphore_mem>>)
      "tpu.region"() ({
        %run_scoped3A = tpu.sem_alloc : memref<!tpu.dma_semaphore, #tpu.memory_space<semaphore_mem>>
        %dma_start3A_398 = arith.constant 0 : i32
        %dma_start3A_399 = arith.constant 0 : i32
        %dma_start3A_400 = tpu.memref_slice %arg15[%dma_start3A_398, %dma_start3A_399] : memref<10112x128xf32, #tpu.memory_space<vmem_shared>> -> memref<10112x128xf32, #tpu.memory_space<vmem_shared>>
        tpu.enqueue_indirect_dma source(%arg13 : memref<120x128xf32, #tpu.memory_space<vmem>>) target(%dma_start3A_400 : memref<10112x128xf32, #tpu.memory_space<vmem_shared>>) offsets(%arg10 : memref<120xi32, #tpu.memory_space<vmem>>) semaphore(%run_scoped3A : memref<!tpu.dma_semaphore, #tpu.memory_space<semaphore_mem>>) {add = true}
        %dma_wait3A_401 = arith.constant 0 : i32
        %dma_wait3A_402 = arith.constant 0 : i32
        %dma_wait3A_403 = tpu.memref_slice %arg15[%dma_wait3A_401, %dma_wait3A_402] : memref<10112x128xf32, #tpu.memory_space<vmem_shared>> -> memref<10112x128xf32, #tpu.memory_space<vmem_shared>>
        tpu.wait_indirect_dma semaphore(%run_scoped3A : memref<!tpu.dma_semaphore, #tpu.memory_space<semaphore_mem>>) src(%arg13 : memref<120x128xf32, #tpu.memory_space<vmem>>) dst(%dma_wait3A_403 : memref<10112x128xf32, #tpu.memory_space<vmem_shared>>)
        tpu.yield
      }) : () -> ()
      %add3A_376 = arith.constant 2 : i32
      %add3A_377 = arith.addi %mul3A_335, %add3A_376 : i32
      %add3A_378 = arith.constant 1 : i32
      %add3A_379 = arith.addi %add3A_377, %add3A_378 : i32
      %mul3A_380 = arith.constant 322560 : i32
      %mul3A_381 = arith.muli %add3A_166, %mul3A_380 : i32
      %add3A_382 = arith.addi %mul3A_381, %mul3A_0 : i32
      %mul3A_383 = arith.constant 120 : i32
      %mul3A_384 = arith.muli %add3A_379, %mul3A_383 : i32
      %add3A_385 = arith.addi %add3A_382, %mul3A_384 : i32
      %multiple_of3A_386 = tpu.assume_multiple %add3A_385, 8 : i32
      "tpu.region"() ({
        %run_scoped3A = tpu.sem_alloc : memref<!tpu.dma_semaphore, #tpu.memory_space<semaphore_mem>>
        %dma_start3A_398 = tpu.memref_slice %arg3[%multiple_of3A_386] : memref<1290240xi32, #tpu.memory_space<hbm>> -> memref<120xi32, #tpu.memory_space<hbm>>
        %dma_start3A_399 = tpu.memref_slice %arg3[%multiple_of3A_386] : memref<1290240xi32, #tpu.memory_space<hbm>> -> memref<120xi32, #tpu.memory_space<hbm>>
        tpu.enqueue_dma source(%dma_start3A_399 : memref<120xi32, #tpu.memory_space<hbm>>) target(%arg6 : memref<120xi32, #tpu.memory_space<vmem>>) target_semaphore(%run_scoped3A : memref<!tpu.dma_semaphore, #tpu.memory_space<semaphore_mem>>)
        %dma_wait3A_400 = tpu.memref_slice %arg3[%multiple_of3A_386] : memref<1290240xi32, #tpu.memory_space<hbm>> -> memref<120xi32, #tpu.memory_space<hbm>>
        %dma_wait3A_401 = tpu.memref_slice %arg3[%multiple_of3A_386] : memref<1290240xi32, #tpu.memory_space<hbm>> -> memref<120xi32, #tpu.memory_space<hbm>>
        tpu.wait_dma2 semaphore(%run_scoped3A : memref<!tpu.dma_semaphore, #tpu.memory_space<semaphore_mem>>) src(%dma_wait3A_401 : memref<120xi32, #tpu.memory_space<hbm>>) dst(%arg6 : memref<120xi32, #tpu.memory_space<vmem>>)
        tpu.yield
      }) : () -> ()
      %mul3A_387 = arith.constant 120 : i32
      %mul3A_388 = arith.muli %add3A_379, %mul3A_387 : i32
      %add3A_389 = arith.addi %mul3A_0, %mul3A_388 : i32
      %multiple_of3A_390 = tpu.assume_multiple %add3A_389, 8 : i32
      "tpu.region"() ({
        %run_scoped3A = tpu.sem_alloc : memref<!tpu.dma_semaphore, #tpu.memory_space<semaphore_mem>>
        %dma_start3A_398 = tpu.memref_slice %arg4[%multiple_of3A_390] : memref<322560xi32, #tpu.memory_space<hbm>> -> memref<120xi32, #tpu.memory_space<hbm>>
        %dma_start3A_399 = tpu.memref_slice %arg4[%multiple_of3A_390] : memref<322560xi32, #tpu.memory_space<hbm>> -> memref<120xi32, #tpu.memory_space<hbm>>
        tpu.enqueue_dma source(%dma_start3A_399 : memref<120xi32, #tpu.memory_space<hbm>>) target(%arg9 : memref<120xi32, #tpu.memory_space<vmem>>) target_semaphore(%run_scoped3A : memref<!tpu.dma_semaphore, #tpu.memory_space<semaphore_mem>>)
        %dma_wait3A_400 = tpu.memref_slice %arg4[%multiple_of3A_390] : memref<322560xi32, #tpu.memory_space<hbm>> -> memref<120xi32, #tpu.memory_space<hbm>>
        %dma_wait3A_401 = tpu.memref_slice %arg4[%multiple_of3A_390] : memref<322560xi32, #tpu.memory_space<hbm>> -> memref<120xi32, #tpu.memory_space<hbm>>
        tpu.wait_dma2 semaphore(%run_scoped3A : memref<!tpu.dma_semaphore, #tpu.memory_space<semaphore_mem>>) src(%dma_wait3A_401 : memref<120xi32, #tpu.memory_space<hbm>>) dst(%arg9 : memref<120xi32, #tpu.memory_space<vmem>>)
        tpu.yield
      }) : () -> ()
      %dma_wait3A_391 = arith.constant 0 : i32
      %dma_wait3A_392 = arith.constant 0 : i32
      %dma_wait3A_393 = tpu.memref_slice %arg2[%dma_wait3A_391, %dma_wait3A_392] : memref<40000x128xf32, #tpu.memory_space<hbm>> -> memref<40000x128xf32, #tpu.memory_space<hbm>>
      tpu.wait_indirect_dma semaphore(%arg16 : memref<!tpu.dma_semaphore, #tpu.memory_space<semaphore_mem>>) src(%dma_wait3A_393 : memref<40000x128xf32, #tpu.memory_space<hbm>>) dst(%arg14 : memref<120x128xf32, #tpu.memory_space<vmem>>)
      %dma_start3A_394 = arith.constant 0 : i32
      %dma_start3A_395 = arith.constant 0 : i32
      %dma_start3A_396 = tpu.memref_slice %arg2[%dma_start3A_394, %dma_start3A_395] : memref<40000x128xf32, #tpu.memory_space<hbm>> -> memref<40000x128xf32, #tpu.memory_space<hbm>>
      tpu.enqueue_indirect_dma source(%dma_start3A_396 : memref<40000x128xf32, #tpu.memory_space<hbm>>) target(%arg12 : memref<120x128xf32, #tpu.memory_space<vmem>>) offsets(%arg6 : memref<120xi32, #tpu.memory_space<vmem>>) semaphore(%arg16 : memref<!tpu.dma_semaphore, #tpu.memory_space<semaphore_mem>>)
      "tpu.region"() ({
        %run_scoped3A = tpu.sem_alloc : memref<!tpu.dma_semaphore, #tpu.memory_space<semaphore_mem>>
        %dma_start3A_398 = arith.constant 0 : i32
        %dma_start3A_399 = arith.constant 0 : i32
        %dma_start3A_400 = tpu.memref_slice %arg15[%dma_start3A_398, %dma_start3A_399] : memref<10112x128xf32, #tpu.memory_space<vmem_shared>> -> memref<10112x128xf32, #tpu.memory_space<vmem_shared>>
        tpu.enqueue_indirect_dma source(%arg14 : memref<120x128xf32, #tpu.memory_space<vmem>>) target(%dma_start3A_400 : memref<10112x128xf32, #tpu.memory_space<vmem_shared>>) offsets(%arg11 : memref<120xi32, #tpu.memory_space<vmem>>) semaphore(%run_scoped3A : memref<!tpu.dma_semaphore, #tpu.memory_space<semaphore_mem>>) {add = true}
        %dma_wait3A_401 = arith.constant 0 : i32
        %dma_wait3A_402 = arith.constant 0 : i32
        %dma_wait3A_403 = tpu.memref_slice %arg15[%dma_wait3A_401, %dma_wait3A_402] : memref<10112x128xf32, #tpu.memory_space<vmem_shared>> -> memref<10112x128xf32, #tpu.memory_space<vmem_shared>>
        tpu.wait_indirect_dma semaphore(%run_scoped3A : memref<!tpu.dma_semaphore, #tpu.memory_space<semaphore_mem>>) src(%arg14 : memref<120x128xf32, #tpu.memory_space<vmem>>) dst(%dma_wait3A_403 : memref<10112x128xf32, #tpu.memory_space<vmem_shared>>)
        tpu.yield
      }) : () -> ()
      %scan3A_397 = arith.constant 0 : i32
      scf.yield %scan3A_397 : i32
    }
    %scan3A_260 = arith.constant 54 : i32
    %mul3A_261 = arith.constant 322560 : i32
    %mul3A_262 = arith.muli %add3A_166, %mul3A_261 : i32
    %add3A_263 = arith.addi %mul3A_262, %mul3A_0 : i32
    %add3A_264 = arith.constant 19920 : i32
    %add3A_265 = arith.addi %add3A_263, %add3A_264 : i32
    %multiple_of3A_266 = tpu.assume_multiple %add3A_265, 8 : i32
    "tpu.region"() ({
      %run_scoped3A = tpu.sem_alloc : memref<!tpu.dma_semaphore, #tpu.memory_space<semaphore_mem>>
      %dma_start3A_332 = tpu.memref_slice %arg3[%multiple_of3A_266] : memref<1290240xi32, #tpu.memory_space<hbm>> -> memref<120xi32, #tpu.memory_space<hbm>>
      %dma_start3A_333 = tpu.memref_slice %arg3[%multiple_of3A_266] : memref<1290240xi32, #tpu.memory_space<hbm>> -> memref<120xi32, #tpu.memory_space<hbm>>
      tpu.enqueue_dma source(%dma_start3A_333 : memref<120xi32, #tpu.memory_space<hbm>>) target(%arg7 : memref<120xi32, #tpu.memory_space<vmem>>) target_semaphore(%run_scoped3A : memref<!tpu.dma_semaphore, #tpu.memory_space<semaphore_mem>>)
      %dma_wait3A_334 = tpu.memref_slice %arg3[%multiple_of3A_266] : memref<1290240xi32, #tpu.memory_space<hbm>> -> memref<120xi32, #tpu.memory_space<hbm>>
      %dma_wait3A_335 = tpu.memref_slice %arg3[%multiple_of3A_266] : memref<1290240xi32, #tpu.memory_space<hbm>> -> memref<120xi32, #tpu.memory_space<hbm>>
      tpu.wait_dma2 semaphore(%run_scoped3A : memref<!tpu.dma_semaphore, #tpu.memory_space<semaphore_mem>>) src(%dma_wait3A_335 : memref<120xi32, #tpu.memory_space<hbm>>) dst(%arg7 : memref<120xi32, #tpu.memory_space<vmem>>)
      tpu.yield
    }) : () -> ()
    %add3A_267 = arith.constant 19920 : i32
    %add3A_268 = arith.addi %mul3A_0, %add3A_267 : i32
    %multiple_of3A_269 = tpu.assume_multiple %add3A_268, 8 : i32
    "tpu.region"() ({
      %run_scoped3A = tpu.sem_alloc : memref<!tpu.dma_semaphore, #tpu.memory_space<semaphore_mem>>
      %dma_start3A_332 = tpu.memref_slice %arg4[%multiple_of3A_269] : memref<322560xi32, #tpu.memory_space<hbm>> -> memref<120xi32, #tpu.memory_space<hbm>>
      %dma_start3A_333 = tpu.memref_slice %arg4[%multiple_of3A_269] : memref<322560xi32, #tpu.memory_space<hbm>> -> memref<120xi32, #tpu.memory_space<hbm>>
      tpu.enqueue_dma source(%dma_start3A_333 : memref<120xi32, #tpu.memory_space<hbm>>) target(%arg10 : memref<120xi32, #tpu.memory_space<vmem>>) target_semaphore(%run_scoped3A : memref<!tpu.dma_semaphore, #tpu.memory_space<semaphore_mem>>)
      %dma_wait3A_334 = tpu.memref_slice %arg4[%multiple_of3A_269] : memref<322560xi32, #tpu.memory_space<hbm>> -> memref<120xi32, #tpu.memory_space<hbm>>
      %dma_wait3A_335 = tpu.memref_slice %arg4[%multiple_of3A_269] : memref<322560xi32, #tpu.memory_space<hbm>> -> memref<120xi32, #tpu.memory_space<hbm>>
      tpu.wait_dma2 semaphore(%run_scoped3A : memref<!tpu.dma_semaphore, #tpu.memory_space<semaphore_mem>>) src(%dma_wait3A_335 : memref<120xi32, #tpu.memory_space<hbm>>) dst(%arg10 : memref<120xi32, #tpu.memory_space<vmem>>)
      tpu.yield
    }) : () -> ()
    %dma_wait3A_270 = arith.constant 0 : i32
    %dma_wait3A_271 = arith.constant 0 : i32
    %dma_wait3A_272 = tpu.memref_slice %arg2[%dma_wait3A_270, %dma_wait3A_271] : memref<40000x128xf32, #tpu.memory_space<hbm>> -> memref<40000x128xf32, #tpu.memory_space<hbm>>
    tpu.wait_indirect_dma semaphore(%arg16 : memref<!tpu.dma_semaphore, #tpu.memory_space<semaphore_mem>>) src(%dma_wait3A_272 : memref<40000x128xf32, #tpu.memory_space<hbm>>) dst(%arg12 : memref<120x128xf32, #tpu.memory_space<vmem>>)
    %dma_start3A_273 = arith.constant 0 : i32
    %dma_start3A_274 = arith.constant 0 : i32
    %dma_start3A_275 = tpu.memref_slice %arg2[%dma_start3A_273, %dma_start3A_274] : memref<40000x128xf32, #tpu.memory_space<hbm>> -> memref<40000x128xf32, #tpu.memory_space<hbm>>
    tpu.enqueue_indirect_dma source(%dma_start3A_275 : memref<40000x128xf32, #tpu.memory_space<hbm>>) target(%arg13 : memref<120x128xf32, #tpu.memory_space<vmem>>) offsets(%arg7 : memref<120xi32, #tpu.memory_space<vmem>>) semaphore(%arg16 : memref<!tpu.dma_semaphore, #tpu.memory_space<semaphore_mem>>)
    "tpu.region"() ({
      %run_scoped3A = tpu.sem_alloc : memref<!tpu.dma_semaphore, #tpu.memory_space<semaphore_mem>>
      %dma_start3A_332 = arith.constant 0 : i32
      %dma_start3A_333 = arith.constant 0 : i32
      %dma_start3A_334 = tpu.memref_slice %arg15[%dma_start3A_332, %dma_start3A_333] : memref<10112x128xf32, #tpu.memory_space<vmem_shared>> -> memref<10112x128xf32, #tpu.memory_space<vmem_shared>>
      tpu.enqueue_indirect_dma source(%arg12 : memref<120x128xf32, #tpu.memory_space<vmem>>) target(%dma_start3A_334 : memref<10112x128xf32, #tpu.memory_space<vmem_shared>>) offsets(%arg9 : memref<120xi32, #tpu.memory_space<vmem>>) semaphore(%run_scoped3A : memref<!tpu.dma_semaphore, #tpu.memory_space<semaphore_mem>>) {add = true}
      %dma_wait3A_335 = arith.constant 0 : i32
      %dma_wait3A_336 = arith.constant 0 : i32
      %dma_wait3A_337 = tpu.memref_slice %arg15[%dma_wait3A_335, %dma_wait3A_336] : memref<10112x128xf32, #tpu.memory_space<vmem_shared>> -> memref<10112x128xf32, #tpu.memory_space<vmem_shared>>
      tpu.wait_indirect_dma semaphore(%run_scoped3A : memref<!tpu.dma_semaphore, #tpu.memory_space<semaphore_mem>>) src(%arg12 : memref<120x128xf32, #tpu.memory_space<vmem>>) dst(%dma_wait3A_337 : memref<10112x128xf32, #tpu.memory_space<vmem_shared>>)
      tpu.yield
    }) : () -> ()
    %mul3A_276 = arith.constant 322560 : i32
    %mul3A_277 = arith.muli %add3A_166, %mul3A_276 : i32
    %add3A_278 = arith.addi %mul3A_277, %mul3A_0 : i32
    %add3A_279 = arith.constant 20040 : i32
    %add3A_280 = arith.addi %add3A_278, %add3A_279 : i32
    %multiple_of3A_281 = tpu.assume_multiple %add3A_280, 8 : i32
    "tpu.region"() ({
      %run_scoped3A = tpu.sem_alloc : memref<!tpu.dma_semaphore, #tpu.memory_space<semaphore_mem>>
      %dma_start3A_332 = tpu.memref_slice %arg3[%multiple_of3A_281] : memref<1290240xi32, #tpu.memory_space<hbm>> -> memref<120xi32, #tpu.memory_space<hbm>>
      %dma_start3A_333 = tpu.memref_slice %arg3[%multiple_of3A_281] : memref<1290240xi32, #tpu.memory_space<hbm>> -> memref<120xi32, #tpu.memory_space<hbm>>
      tpu.enqueue_dma source(%dma_start3A_333 : memref<120xi32, #tpu.memory_space<hbm>>) target(%arg8 : memref<120xi32, #tpu.memory_space<vmem>>) target_semaphore(%run_scoped3A : memref<!tpu.dma_semaphore, #tpu.memory_space<semaphore_mem>>)
      %dma_wait3A_334 = tpu.memref_slice %arg3[%multiple_of3A_281] : memref<1290240xi32, #tpu.memory_space<hbm>> -> memref<120xi32, #tpu.memory_space<hbm>>
      %dma_wait3A_335 = tpu.memref_slice %arg3[%multiple_of3A_281] : memref<1290240xi32, #tpu.memory_space<hbm>> -> memref<120xi32, #tpu.memory_space<hbm>>
      tpu.wait_dma2 semaphore(%run_scoped3A : memref<!tpu.dma_semaphore, #tpu.memory_space<semaphore_mem>>) src(%dma_wait3A_335 : memref<120xi32, #tpu.memory_space<hbm>>) dst(%arg8 : memref<120xi32, #tpu.memory_space<vmem>>)
      tpu.yield
    }) : () -> ()
    %add3A_282 = arith.constant 20040 : i32
    %add3A_283 = arith.addi %mul3A_0, %add3A_282 : i32
    %multiple_of3A_284 = tpu.assume_multiple %add3A_283, 8 : i32
    "tpu.region"() ({
      %run_scoped3A = tpu.sem_alloc : memref<!tpu.dma_semaphore, #tpu.memory_space<semaphore_mem>>
      %dma_start3A_332 = tpu.memref_slice %arg4[%multiple_of3A_284] : memref<322560xi32, #tpu.memory_space<hbm>> -> memref<120xi32, #tpu.memory_space<hbm>>
      %dma_start3A_333 = tpu.memref_slice %arg4[%multiple_of3A_284] : memref<322560xi32, #tpu.memory_space<hbm>> -> memref<120xi32, #tpu.memory_space<hbm>>
      tpu.enqueue_dma source(%dma_start3A_333 : memref<120xi32, #tpu.memory_space<hbm>>) target(%arg11 : memref<120xi32, #tpu.memory_space<vmem>>) target_semaphore(%run_scoped3A : memref<!tpu.dma_semaphore, #tpu.memory_space<semaphore_mem>>)
      %dma_wait3A_334 = tpu.memref_slice %arg4[%multiple_of3A_284] : memref<322560xi32, #tpu.memory_space<hbm>> -> memref<120xi32, #tpu.memory_space<hbm>>
      %dma_wait3A_335 = tpu.memref_slice %arg4[%multiple_of3A_284] : memref<322560xi32, #tpu.memory_space<hbm>> -> memref<120xi32, #tpu.memory_space<hbm>>
      tpu.wait_dma2 semaphore(%run_scoped3A : memref<!tpu.dma_semaphore, #tpu.memory_space<semaphore_mem>>) src(%dma_wait3A_335 : memref<120xi32, #tpu.memory_space<hbm>>) dst(%arg11 : memref<120xi32, #tpu.memory_space<vmem>>)
      tpu.yield
    }) : () -> ()
    %dma_wait3A_285 = arith.constant 0 : i32
    %dma_wait3A_286 = arith.constant 0 : i32
    %dma_wait3A_287 = tpu.memref_slice %arg2[%dma_wait3A_285, %dma_wait3A_286] : memref<40000x128xf32, #tpu.memory_space<hbm>> -> memref<40000x128xf32, #tpu.memory_space<hbm>>
    tpu.wait_indirect_dma semaphore(%arg16 : memref<!tpu.dma_semaphore, #tpu.memory_space<semaphore_mem>>) src(%dma_wait3A_287 : memref<40000x128xf32, #tpu.memory_space<hbm>>) dst(%arg13 : memref<120x128xf32, #tpu.memory_space<vmem>>)
    %dma_start3A_288 = arith.constant 0 : i32
    %dma_start3A_289 = arith.constant 0 : i32
    %dma_start3A_290 = tpu.memref_slice %arg2[%dma_start3A_288, %dma_start3A_289] : memref<40000x128xf32, #tpu.memory_space<hbm>> -> memref<40000x128xf32, #tpu.memory_space<hbm>>
    tpu.enqueue_indirect_dma source(%dma_start3A_290 : memref<40000x128xf32, #tpu.memory_space<hbm>>) target(%arg14 : memref<120x128xf32, #tpu.memory_space<vmem>>) offsets(%arg8 : memref<120xi32, #tpu.memory_space<vmem>>) semaphore(%arg16 : memref<!tpu.dma_semaphore, #tpu.memory_space<semaphore_mem>>)
    "tpu.region"() ({
      %run_scoped3A = tpu.sem_alloc : memref<!tpu.dma_semaphore, #tpu.memory_space<semaphore_mem>>
      %dma_start3A_332 = arith.constant 0 : i32
      %dma_start3A_333 = arith.constant 0 : i32
      %dma_start3A_334 = tpu.memref_slice %arg15[%dma_start3A_332, %dma_start3A_333] : memref<10112x128xf32, #tpu.memory_space<vmem_shared>> -> memref<10112x128xf32, #tpu.memory_space<vmem_shared>>
      tpu.enqueue_indirect_dma source(%arg13 : memref<120x128xf32, #tpu.memory_space<vmem>>) target(%dma_start3A_334 : memref<10112x128xf32, #tpu.memory_space<vmem_shared>>) offsets(%arg10 : memref<120xi32, #tpu.memory_space<vmem>>) semaphore(%run_scoped3A : memref<!tpu.dma_semaphore, #tpu.memory_space<semaphore_mem>>) {add = true}
      %dma_wait3A_335 = arith.constant 0 : i32
      %dma_wait3A_336 = arith.constant 0 : i32
      %dma_wait3A_337 = tpu.memref_slice %arg15[%dma_wait3A_335, %dma_wait3A_336] : memref<10112x128xf32, #tpu.memory_space<vmem_shared>> -> memref<10112x128xf32, #tpu.memory_space<vmem_shared>>
      tpu.wait_indirect_dma semaphore(%run_scoped3A : memref<!tpu.dma_semaphore, #tpu.memory_space<semaphore_mem>>) src(%arg13 : memref<120x128xf32, #tpu.memory_space<vmem>>) dst(%dma_wait3A_337 : memref<10112x128xf32, #tpu.memory_space<vmem_shared>>)
      tpu.yield
    }) : () -> ()
    %dma_wait3A_291 = arith.constant 0 : i32
    %dma_wait3A_292 = arith.constant 0 : i32
    %dma_wait3A_293 = tpu.memref_slice %arg2[%dma_wait3A_291, %dma_wait3A_292] : memref<40000x128xf32, #tpu.memory_space<hbm>> -> memref<40000x128xf32, #tpu.memory_space<hbm>>
    tpu.wait_indirect_dma semaphore(%arg16 : memref<!tpu.dma_semaphore, #tpu.memory_space<semaphore_mem>>) src(%dma_wait3A_293 : memref<40000x128xf32, #tpu.memory_space<hbm>>) dst(%arg14 : memref<120x128xf32, #tpu.memory_space<vmem>>)
    "tpu.region"() ({
      %run_scoped3A = tpu.sem_alloc : memref<!tpu.dma_semaphore, #tpu.memory_space<semaphore_mem>>
      %dma_start3A_332 = arith.constant 0 : i32
      %dma_start3A_333 = arith.constant 0 : i32
      %dma_start3A_334 = tpu.memref_slice %arg15[%dma_start3A_332, %dma_start3A_333] : memref<10112x128xf32, #tpu.memory_space<vmem_shared>> -> memref<10112x128xf32, #tpu.memory_space<vmem_shared>>
      tpu.enqueue_indirect_dma source(%arg14 : memref<120x128xf32, #tpu.memory_space<vmem>>) target(%dma_start3A_334 : memref<10112x128xf32, #tpu.memory_space<vmem_shared>>) offsets(%arg11 : memref<120xi32, #tpu.memory_space<vmem>>) semaphore(%run_scoped3A : memref<!tpu.dma_semaphore, #tpu.memory_space<semaphore_mem>>) {add = true}
      %dma_wait3A_335 = arith.constant 0 : i32
      %dma_wait3A_336 = arith.constant 0 : i32
      %dma_wait3A_337 = tpu.memref_slice %arg15[%dma_wait3A_335, %dma_wait3A_336] : memref<10112x128xf32, #tpu.memory_space<vmem_shared>> -> memref<10112x128xf32, #tpu.memory_space<vmem_shared>>
      tpu.wait_indirect_dma semaphore(%run_scoped3A : memref<!tpu.dma_semaphore, #tpu.memory_space<semaphore_mem>>) src(%arg14 : memref<120x128xf32, #tpu.memory_space<vmem>>) dst(%dma_wait3A_337 : memref<10112x128xf32, #tpu.memory_space<vmem_shared>>)
      tpu.yield
    }) : () -> ()
    %barrier3A_294 = arith.constant 0 : index
    tpu.barrier barrier_id(%barrier3A_294)
    %add3A_295 = arith.constant 0 : i32
    %add3A_296 = arith.addi %mul3A_177, %add3A_295 : i32
    %multiple_of3A_297 = tpu.assume_multiple %add3A_296, 8 : i32
    %add3A_298 = arith.constant 0 : i32
    %add3A_299 = arith.addi %mul3A_177, %add3A_298 : i32
    %multiple_of3A_300 = tpu.assume_multiple %add3A_299, 8 : i32
    "tpu.region"() ({
      %run_scoped3A = tpu.sem_alloc : memref<!tpu.dma_semaphore, #tpu.memory_space<semaphore_mem>>
      %dma_start3A_332 = arith.constant 0 : i32
      %dma_start3A_333 = tpu.memref_slice %arg5[%add3A_166, %multiple_of3A_300, %dma_start3A_332] : memref<4x10112x128xf32, #tpu.memory_space<hbm>> -> memref<1x120x128xf32, #tpu.memory_space<hbm>>
      %dma_start3A_334 = tpu.memref_squeeze %dma_start3A_333 : memref<1x120x128xf32, #tpu.memory_space<hbm>> -> memref<120x128xf32, #tpu.memory_space<hbm>>
      %dma_start3A_335 = arith.constant 0 : i32
      %dma_start3A_336 = tpu.memref_slice %arg15[%multiple_of3A_297, %dma_start3A_335] : memref<10112x128xf32, #tpu.memory_space<vmem_shared>> -> memref<120x128xf32, #tpu.memory_space<vmem_shared>>
      tpu.enqueue_dma source(%dma_start3A_336 : memref<120x128xf32, #tpu.memory_space<vmem_shared>>) target(%dma_start3A_334 : memref<120x128xf32, #tpu.memory_space<hbm>>) target_semaphore(%run_scoped3A : memref<!tpu.dma_semaphore, #tpu.memory_space<semaphore_mem>>)
      %dma_wait3A_337 = arith.constant 0 : i32
      %dma_wait3A_338 = tpu.memref_slice %arg5[%add3A_166, %multiple_of3A_300, %dma_wait3A_337] : memref<4x10112x128xf32, #tpu.memory_space<hbm>> -> memref<1x120x128xf32, #tpu.memory_space<hbm>>
      %dma_wait3A_339 = tpu.memref_squeeze %dma_wait3A_338 : memref<1x120x128xf32, #tpu.memory_space<hbm>> -> memref<120x128xf32, #tpu.memory_space<hbm>>
      %dma_wait3A_340 = arith.constant 0 : i32
      %dma_wait3A_341 = tpu.memref_slice %arg15[%multiple_of3A_297, %dma_wait3A_340] : memref<10112x128xf32, #tpu.memory_space<vmem_shared>> -> memref<120x128xf32, #tpu.memory_space<vmem_shared>>
      tpu.wait_dma2 semaphore(%run_scoped3A : memref<!tpu.dma_semaphore, #tpu.memory_space<semaphore_mem>>) src(%dma_wait3A_341 : memref<120x128xf32, #tpu.memory_space<vmem_shared>>) dst(%dma_wait3A_339 : memref<120x128xf32, #tpu.memory_space<hbm>>)
      tpu.yield
    }) : () -> ()
    %add3A_301 = arith.constant 120 : i32
    %add3A_302 = arith.addi %mul3A_177, %add3A_301 : i32
    %multiple_of3A_303 = tpu.assume_multiple %add3A_302, 8 : i32
    %add3A_304 = arith.constant 120 : i32
    %add3A_305 = arith.addi %mul3A_177, %add3A_304 : i32
    %multiple_of3A_306 = tpu.assume_multiple %add3A_305, 8 : i32
    "tpu.region"() ({
      %run_scoped3A = tpu.sem_alloc : memref<!tpu.dma_semaphore, #tpu.memory_space<semaphore_mem>>
      %dma_start3A_332 = arith.constant 0 : i32
      %dma_start3A_333 = tpu.memref_slice %arg5[%add3A_166, %multiple_of3A_306, %dma_start3A_332] : memref<4x10112x128xf32, #tpu.memory_space<hbm>> -> memref<1x120x128xf32, #tpu.memory_space<hbm>>
      %dma_start3A_334 = tpu.memref_squeeze %dma_start3A_333 : memref<1x120x128xf32, #tpu.memory_space<hbm>> -> memref<120x128xf32, #tpu.memory_space<hbm>>
      %dma_start3A_335 = arith.constant 0 : i32
      %dma_start3A_336 = tpu.memref_slice %arg15[%multiple_of3A_303, %dma_start3A_335] : memref<10112x128xf32, #tpu.memory_space<vmem_shared>> -> memref<120x128xf32, #tpu.memory_space<vmem_shared>>
      tpu.enqueue_dma source(%dma_start3A_336 : memref<120x128xf32, #tpu.memory_space<vmem_shared>>) target(%dma_start3A_334 : memref<120x128xf32, #tpu.memory_space<hbm>>) target_semaphore(%run_scoped3A : memref<!tpu.dma_semaphore, #tpu.memory_space<semaphore_mem>>)
      %dma_wait3A_337 = arith.constant 0 : i32
      %dma_wait3A_338 = tpu.memref_slice %arg5[%add3A_166, %multiple_of3A_306, %dma_wait3A_337] : memref<4x10112x128xf32, #tpu.memory_space<hbm>> -> memref<1x120x128xf32, #tpu.memory_space<hbm>>
      %dma_wait3A_339 = tpu.memref_squeeze %dma_wait3A_338 : memref<1x120x128xf32, #tpu.memory_space<hbm>> -> memref<120x128xf32, #tpu.memory_space<hbm>>
      %dma_wait3A_340 = arith.constant 0 : i32
      %dma_wait3A_341 = tpu.memref_slice %arg15[%multiple_of3A_303, %dma_wait3A_340] : memref<10112x128xf32, #tpu.memory_space<vmem_shared>> -> memref<120x128xf32, #tpu.memory_space<vmem_shared>>
      tpu.wait_dma2 semaphore(%run_scoped3A : memref<!tpu.dma_semaphore, #tpu.memory_space<semaphore_mem>>) src(%dma_wait3A_341 : memref<120x128xf32, #tpu.memory_space<vmem_shared>>) dst(%dma_wait3A_339 : memref<120x128xf32, #tpu.memory_space<hbm>>)
      tpu.yield
    }) : () -> ()
    %add3A_307 = arith.constant 240 : i32
    %add3A_308 = arith.addi %mul3A_177, %add3A_307 : i32
    %multiple_of3A_309 = tpu.assume_multiple %add3A_308, 8 : i32
    %add3A_310 = arith.constant 240 : i32
    %add3A_311 = arith.addi %mul3A_177, %add3A_310 : i32
    %multiple_of3A_312 = tpu.assume_multiple %add3A_311, 8 : i32
    "tpu.region"() ({
      %run_scoped3A = tpu.sem_alloc : memref<!tpu.dma_semaphore, #tpu.memory_space<semaphore_mem>>
      %dma_start3A_332 = arith.constant 0 : i32
      %dma_start3A_333 = tpu.memref_slice %arg5[%add3A_166, %multiple_of3A_312, %dma_start3A_332] : memref<4x10112x128xf32, #tpu.memory_space<hbm>> -> memref<1x120x128xf32, #tpu.memory_space<hbm>>
      %dma_start3A_334 = tpu.memref_squeeze %dma_start3A_333 : memref<1x120x128xf32, #tpu.memory_space<hbm>> -> memref<120x128xf32, #tpu.memory_space<hbm>>
      %dma_start3A_335 = arith.constant 0 : i32
      %dma_start3A_336 = tpu.memref_slice %arg15[%multiple_of3A_309, %dma_start3A_335] : memref<10112x128xf32, #tpu.memory_space<vmem_shared>> -> memref<120x128xf32, #tpu.memory_space<vmem_shared>>
      tpu.enqueue_dma source(%dma_start3A_336 : memref<120x128xf32, #tpu.memory_space<vmem_shared>>) target(%dma_start3A_334 : memref<120x128xf32, #tpu.memory_space<hbm>>) target_semaphore(%run_scoped3A : memref<!tpu.dma_semaphore, #tpu.memory_space<semaphore_mem>>)
      %dma_wait3A_337 = arith.constant 0 : i32
      %dma_wait3A_338 = tpu.memref_slice %arg5[%add3A_166, %multiple_of3A_312, %dma_wait3A_337] : memref<4x10112x128xf32, #tpu.memory_space<hbm>> -> memref<1x120x128xf32, #tpu.memory_space<hbm>>
      %dma_wait3A_339 = tpu.memref_squeeze %dma_wait3A_338 : memref<1x120x128xf32, #tpu.memory_space<hbm>> -> memref<120x128xf32, #tpu.memory_space<hbm>>
      %dma_wait3A_340 = arith.constant 0 : i32
      %dma_wait3A_341 = tpu.memref_slice %arg15[%multiple_of3A_309, %dma_wait3A_340] : memref<10112x128xf32, #tpu.memory_space<vmem_shared>> -> memref<120x128xf32, #tpu.memory_space<vmem_shared>>
      tpu.wait_dma2 semaphore(%run_scoped3A : memref<!tpu.dma_semaphore, #tpu.memory_space<semaphore_mem>>) src(%dma_wait3A_341 : memref<120x128xf32, #tpu.memory_space<vmem_shared>>) dst(%dma_wait3A_339 : memref<120x128xf32, #tpu.memory_space<hbm>>)
      tpu.yield
    }) : () -> ()
    %add3A_313 = arith.constant 360 : i32
    %add3A_314 = arith.addi %mul3A_177, %add3A_313 : i32
    %multiple_of3A_315 = tpu.assume_multiple %add3A_314, 8 : i32
    %add3A_316 = arith.constant 360 : i32
    %add3A_317 = arith.addi %mul3A_177, %add3A_316 : i32
    %multiple_of3A_318 = tpu.assume_multiple %add3A_317, 8 : i32
    "tpu.region"() ({
      %run_scoped3A = tpu.sem_alloc : memref<!tpu.dma_semaphore, #tpu.memory_space<semaphore_mem>>
      %dma_start3A_332 = arith.constant 0 : i32
      %dma_start3A_333 = tpu.memref_slice %arg5[%add3A_166, %multiple_of3A_318, %dma_start3A_332] : memref<4x10112x128xf32, #tpu.memory_space<hbm>> -> memref<1x120x128xf32, #tpu.memory_space<hbm>>
      %dma_start3A_334 = tpu.memref_squeeze %dma_start3A_333 : memref<1x120x128xf32, #tpu.memory_space<hbm>> -> memref<120x128xf32, #tpu.memory_space<hbm>>
      %dma_start3A_335 = arith.constant 0 : i32
      %dma_start3A_336 = tpu.memref_slice %arg15[%multiple_of3A_315, %dma_start3A_335] : memref<10112x128xf32, #tpu.memory_space<vmem_shared>> -> memref<120x128xf32, #tpu.memory_space<vmem_shared>>
      tpu.enqueue_dma source(%dma_start3A_336 : memref<120x128xf32, #tpu.memory_space<vmem_shared>>) target(%dma_start3A_334 : memref<120x128xf32, #tpu.memory_space<hbm>>) target_semaphore(%run_scoped3A : memref<!tpu.dma_semaphore, #tpu.memory_space<semaphore_mem>>)
      %dma_wait3A_337 = arith.constant 0 : i32
      %dma_wait3A_338 = tpu.memref_slice %arg5[%add3A_166, %multiple_of3A_318, %dma_wait3A_337] : memref<4x10112x128xf32, #tpu.memory_space<hbm>> -> memref<1x120x128xf32, #tpu.memory_space<hbm>>
      %dma_wait3A_339 = tpu.memref_squeeze %dma_wait3A_338 : memref<1x120x128xf32, #tpu.memory_space<hbm>> -> memref<120x128xf32, #tpu.memory_space<hbm>>
      %dma_wait3A_340 = arith.constant 0 : i32
      %dma_wait3A_341 = tpu.memref_slice %arg15[%multiple_of3A_315, %dma_wait3A_340] : memref<10112x128xf32, #tpu.memory_space<vmem_shared>> -> memref<120x128xf32, #tpu.memory_space<vmem_shared>>
      tpu.wait_dma2 semaphore(%run_scoped3A : memref<!tpu.dma_semaphore, #tpu.memory_space<semaphore_mem>>) src(%dma_wait3A_341 : memref<120x128xf32, #tpu.memory_space<vmem_shared>>) dst(%dma_wait3A_339 : memref<120x128xf32, #tpu.memory_space<hbm>>)
      tpu.yield
    }) : () -> ()
    %add3A_319 = arith.constant 480 : i32
    %add3A_320 = arith.addi %mul3A_177, %add3A_319 : i32
    %multiple_of3A_321 = tpu.assume_multiple %add3A_320, 8 : i32
    %add3A_322 = arith.constant 480 : i32
    %add3A_323 = arith.addi %mul3A_177, %add3A_322 : i32
    %multiple_of3A_324 = tpu.assume_multiple %add3A_323, 8 : i32
    "tpu.region"() ({
      %run_scoped3A = tpu.sem_alloc : memref<!tpu.dma_semaphore, #tpu.memory_space<semaphore_mem>>
      %dma_start3A_332 = arith.constant 0 : i32
      %dma_start3A_333 = tpu.memref_slice %arg5[%add3A_166, %multiple_of3A_324, %dma_start3A_332] : memref<4x10112x128xf32, #tpu.memory_space<hbm>> -> memref<1x120x128xf32, #tpu.memory_space<hbm>>
      %dma_start3A_334 = tpu.memref_squeeze %dma_start3A_333 : memref<1x120x128xf32, #tpu.memory_space<hbm>> -> memref<120x128xf32, #tpu.memory_space<hbm>>
      %dma_start3A_335 = arith.constant 0 : i32
      %dma_start3A_336 = tpu.memref_slice %arg15[%multiple_of3A_321, %dma_start3A_335] : memref<10112x128xf32, #tpu.memory_space<vmem_shared>> -> memref<120x128xf32, #tpu.memory_space<vmem_shared>>
      tpu.enqueue_dma source(%dma_start3A_336 : memref<120x128xf32, #tpu.memory_space<vmem_shared>>) target(%dma_start3A_334 : memref<120x128xf32, #tpu.memory_space<hbm>>) target_semaphore(%run_scoped3A : memref<!tpu.dma_semaphore, #tpu.memory_space<semaphore_mem>>)
      %dma_wait3A_337 = arith.constant 0 : i32
      %dma_wait3A_338 = tpu.memref_slice %arg5[%add3A_166, %multiple_of3A_324, %dma_wait3A_337] : memref<4x10112x128xf32, #tpu.memory_space<hbm>> -> memref<1x120x128xf32, #tpu.memory_space<hbm>>
      %dma_wait3A_339 = tpu.memref_squeeze %dma_wait3A_338 : memref<1x120x128xf32, #tpu.memory_space<hbm>> -> memref<120x128xf32, #tpu.memory_space<hbm>>
      %dma_wait3A_340 = arith.constant 0 : i32
      %dma_wait3A_341 = tpu.memref_slice %arg15[%multiple_of3A_321, %dma_wait3A_340] : memref<10112x128xf32, #tpu.memory_space<vmem_shared>> -> memref<120x128xf32, #tpu.memory_space<vmem_shared>>
      tpu.wait_dma2 semaphore(%run_scoped3A : memref<!tpu.dma_semaphore, #tpu.memory_space<semaphore_mem>>) src(%dma_wait3A_341 : memref<120x128xf32, #tpu.memory_space<vmem_shared>>) dst(%dma_wait3A_339 : memref<120x128xf32, #tpu.memory_space<hbm>>)
      tpu.yield
    }) : () -> ()
    %add3A_325 = arith.constant 600 : i32
    %add3A_326 = arith.addi %mul3A_177, %add3A_325 : i32
    %multiple_of3A_327 = tpu.assume_multiple %add3A_326, 8 : i32
    %add3A_328 = arith.constant 600 : i32
    %add3A_329 = arith.addi %mul3A_177, %add3A_328 : i32
    %multiple_of3A_330 = tpu.assume_multiple %add3A_329, 8 : i32
    "tpu.region"() ({
      %run_scoped3A = tpu.sem_alloc : memref<!tpu.dma_semaphore, #tpu.memory_space<semaphore_mem>>
      %dma_start3A_332 = arith.constant 0 : i32
      %dma_start3A_333 = tpu.memref_slice %arg5[%add3A_166, %multiple_of3A_330, %dma_start3A_332] : memref<4x10112x128xf32, #tpu.memory_space<hbm>> -> memref<1x32x128xf32, #tpu.memory_space<hbm>>
      %dma_start3A_334 = tpu.memref_squeeze %dma_start3A_333 : memref<1x32x128xf32, #tpu.memory_space<hbm>> -> memref<32x128xf32, #tpu.memory_space<hbm>>
      %dma_start3A_335 = arith.constant 0 : i32
      %dma_start3A_336 = tpu.memref_slice %arg15[%multiple_of3A_327, %dma_start3A_335] : memref<10112x128xf32, #tpu.memory_space<vmem_shared>> -> memref<32x128xf32, #tpu.memory_space<vmem_shared>>
      tpu.enqueue_dma source(%dma_start3A_336 : memref<32x128xf32, #tpu.memory_space<vmem_shared>>) target(%dma_start3A_334 : memref<32x128xf32, #tpu.memory_space<hbm>>) target_semaphore(%run_scoped3A : memref<!tpu.dma_semaphore, #tpu.memory_space<semaphore_mem>>)
      %dma_wait3A_337 = arith.constant 0 : i32
      %dma_wait3A_338 = tpu.memref_slice %arg5[%add3A_166, %multiple_of3A_330, %dma_wait3A_337] : memref<4x10112x128xf32, #tpu.memory_space<hbm>> -> memref<1x32x128xf32, #tpu.memory_space<hbm>>
      %dma_wait3A_339 = tpu.memref_squeeze %dma_wait3A_338 : memref<1x32x128xf32, #tpu.memory_space<hbm>> -> memref<32x128xf32, #tpu.memory_space<hbm>>
      %dma_wait3A_340 = arith.constant 0 : i32
      %dma_wait3A_341 = tpu.memref_slice %arg15[%multiple_of3A_327, %dma_wait3A_340] : memref<10112x128xf32, #tpu.memory_space<vmem_shared>> -> memref<32x128xf32, #tpu.memory_space<vmem_shared>>
      tpu.wait_dma2 semaphore(%run_scoped3A : memref<!tpu.dma_semaphore, #tpu.memory_space<semaphore_mem>>) src(%dma_wait3A_341 : memref<32x128xf32, #tpu.memory_space<vmem_shared>>) dst(%dma_wait3A_339 : memref<32x128xf32, #tpu.memory_space<hbm>>)
      tpu.yield
    }) : () -> ()
    %barrier3A_331 = arith.constant 0 : index
    tpu.barrier barrier_id(%barrier3A_331)
    return
  }
}

module attributes {stable_mosaic.version = 14 : i64} {
  func.func @_matmul_body(%arg0: i32, %arg1: i32, %arg2: memref<1x400x128xf32, #tpu.memory_space<vmem>>, %arg3: memref<128x128xf32, #tpu.memory_space<vmem>>, %arg4: memref<2x400x16xf32, #tpu.memory_space<vmem>>, %arg5: memref<1x400x128xf32, #tpu.memory_space<vmem>>, %arg6: memref<1x400x1xf32, #tpu.memory_space<vmem>>) attributes {dimension_semantics = [#tpu.dimension_semantics<arbitrary>, #tpu.dimension_semantics<arbitrary>], iteration_bounds = array<i64: 4, 25>, scalar_prefetch = 0 : i64, scratch_operands = 0 : i64, tpu.core_type = #tpu.core_type<tc>, window_params = [{transform_indices = @transform_0, window_bounds = array<i64: 1, 400, 128>}, {pipeline_mode = #tpu.pipeline_mode<synchronous>, transform_indices = @transform_1, window_bounds = array<i64: 128, 128>}, {transform_indices = @transform_2, window_bounds = array<i64: 2, 400, 16>}, {transform_indices = @transform_3, window_bounds = array<i64: 1, 400, 128>}, {transform_indices = @transform_4, window_bounds = array<i64: 1, 400, 1>}]} {
    %get3A = arith.constant 0 : index
    %get3A_0 = arith.constant 0 : index
    %get3A_1 = arith.constant 0 : index
    %get3A_2 = vector.load %arg4[%get3A, %get3A_0, %get3A_1] : memref<2x400x16xf32, #tpu.memory_space<vmem>>, vector<1x400x1xf32>
    %get3A_3 = vector.shape_cast %get3A_2 : vector<1x400x1xf32> to vector<400x1xf32>
    %get3A_4 = arith.constant 1 : index
    %get3A_5 = arith.constant 0 : index
    %get3A_6 = arith.constant 0 : index
    %get3A_7 = vector.load %arg4[%get3A_4, %get3A_5, %get3A_6] : memref<2x400x16xf32, #tpu.memory_space<vmem>>, vector<1x400x1xf32>
    %get3A_8 = vector.shape_cast %get3A_7 : vector<1x400x1xf32> to vector<400x1xf32>
    %add3A = arith.addf %get3A_3, %get3A_8 : vector<400x1xf32>
    %add3A_9 = arith.constant 1.000000e+00 : f32
    %add3A_10 = vector.broadcast %add3A_9 : f32 to vector<400x1xf32>
    %add3A_11 = arith.addf %add3A, %add3A_10 : vector<400x1xf32>
    %rsqrt3A = math.rsqrt %add3A_11 : vector<400x1xf32>
    %swap3A = arith.constant 0 : index
    %swap3A_12 = arith.constant 0 : index
    %swap3A_13 = arith.constant 0 : index
    %swap3A_14 = vector.load %arg6[%swap3A, %swap3A_12, %swap3A_13] : memref<1x400x1xf32, #tpu.memory_space<vmem>>, vector<1x400x1xf32>
    %swap3A_15 = vector.shape_cast %swap3A_14 : vector<1x400x1xf32> to vector<400x1xf32>
    %swap3A_16 = vector.shape_cast %rsqrt3A : vector<400x1xf32> to vector<1x400x1xf32>
    tpu.vector_store %arg6[%swap3A, %swap3A_12, %swap3A_13], %swap3A_16 {strides = array<i32>} : memref<1x400x1xf32, #tpu.memory_space<vmem>>, vector<1x400x1xf32>,
    %get3A_17 = arith.constant 0 : index
    %get3A_18 = arith.constant 0 : index
    %get3A_19 = arith.constant 0 : index
    %get3A_20 = vector.load %arg2[%get3A_17, %get3A_18, %get3A_19] : memref<1x400x128xf32, #tpu.memory_space<vmem>>, vector<1x400x128xf32>
    %get3A_21 = vector.shape_cast %get3A_20 : vector<1x400x128xf32> to vector<400x128xf32>
    %get3A_22 = arith.constant 0 : index
    %get3A_23 = arith.constant 0 : index
    %get3A_24 = vector.load %arg3[%get3A_22, %get3A_23] : memref<128x128xf32, #tpu.memory_space<vmem>>, vector<128x128xf32>
    %dot_general3A = arith.constant dense<0.000000e+00> : vector<400x128xf32>
    %dot_general3A_25 = tpu.matmul %get3A_21, %get3A_24, %dot_general3A {dimension_numbers = #tpu.dot_dimension_numbers<[1], [0], [0], [1], [0, 0, 1, 1], [], []>, transpose_lhs_hint = false} : vector<400x128xf32>, vector<128x128xf32>, vector<400x128xf32> -> vector<400x128xf32>
    %mul3A = vector.broadcast %rsqrt3A : vector<400x1xf32> to vector<400x128xf32>
    %mul3A_26 = arith.mulf %dot_general3A_25, %mul3A : vector<400x128xf32>
    %swap3A_27 = arith.constant 0 : index
    %swap3A_28 = arith.constant 0 : index
    %swap3A_29 = arith.constant 0 : index
    %swap3A_30 = vector.load %arg5[%swap3A_27, %swap3A_28, %swap3A_29] : memref<1x400x128xf32, #tpu.memory_space<vmem>>, vector<1x400x128xf32>
    %swap3A_31 = vector.shape_cast %swap3A_30 : vector<1x400x128xf32> to vector<400x128xf32>
    %swap3A_32 = vector.shape_cast %mul3A_26 : vector<400x128xf32> to vector<1x400x128xf32>
    tpu.vector_store %arg5[%swap3A_27, %swap3A_28, %swap3A_29], %swap3A_32 {strides = array<i32>} : memref<1x400x128xf32, #tpu.memory_space<vmem>>, vector<1x400x128xf32>,
    return
  }
  func.func @transform_0(%arg0: i32, %arg1: i32) -> (i32, i32, i32) {
    %c0_i32 = arith.constant 0 : i32
    %c0_i32_0 = arith.constant 0 : i32
    return %arg0, %arg1, %c0_i32 : i32, i32, i32
  }
  func.func @transform_1(%arg0: i32, %arg1: i32) -> (i32, i32) {
    %c0_i32 = arith.constant 0 : i32
    %c0_i32_0 = arith.constant 0 : i32
    %c0_i32_1 = arith.constant 0 : i32
    return %c0_i32, %c0_i32_0 : i32, i32
  }
  func.func @transform_2(%arg0: i32, %arg1: i32) -> (i32, i32, i32) {
    %c0_i32 = arith.constant 0 : i32
    %c0_i32_0 = arith.constant 0 : i32
    %c0_i32_1 = arith.constant 0 : i32
    return %c0_i32, %arg1, %c0_i32_0 : i32, i32, i32
  }
  func.func @transform_3(%arg0: i32, %arg1: i32) -> (i32, i32, i32) {
    %c0_i32 = arith.constant 0 : i32
    %c0_i32_0 = arith.constant 0 : i32
    return %arg0, %arg1, %c0_i32 : i32, i32, i32
  }
  func.func @transform_4(%arg0: i32, %arg1: i32) -> (i32, i32, i32) {
    %c0_i32 = arith.constant 0 : i32
    %c0_i32_0 = arith.constant 0 : i32
    return %arg0, %arg1, %c0_i32 : i32, i32, i32
  }
}

module attributes {stable_mosaic.version = 14 : i64} {
  func.func @_epilogue_body(%arg0: i32, %arg1: i32, %arg2: memref<1x400x128xf32, #tpu.memory_space<vmem>>, %arg3: memref<1x400x128xf32, #tpu.memory_space<vmem>>, %arg4: memref<1x400x1xf32, #tpu.memory_space<vmem>>, %arg5: memref<1x128xf32, #tpu.memory_space<vmem>>, %arg6: memref<1x400x128xf32, #tpu.memory_space<vmem>>) attributes {dimension_semantics = [#tpu.dimension_semantics<arbitrary>, #tpu.dimension_semantics<arbitrary>], iteration_bounds = array<i64: 4, 25>, scalar_prefetch = 0 : i64, scratch_operands = 0 : i64, tpu.core_type = #tpu.core_type<tc>, window_params = [{transform_indices = @transform_0, window_bounds = array<i64: 1, 400, 128>}, {transform_indices = @transform_1, window_bounds = array<i64: 1, 400, 128>}, {transform_indices = @transform_2, window_bounds = array<i64: 1, 400, 1>}, {pipeline_mode = #tpu.pipeline_mode<synchronous>, transform_indices = @transform_3, window_bounds = array<i64: 1, 128>}, {transform_indices = @transform_4, window_bounds = array<i64: 1, 400, 128>}]} {
    %get3A = arith.constant 0 : index
    %get3A_0 = arith.constant 0 : index
    %get3A_1 = arith.constant 0 : index
    %get3A_2 = vector.load %arg4[%get3A, %get3A_0, %get3A_1] : memref<1x400x1xf32, #tpu.memory_space<vmem>>, vector<1x400x1xf32>
    %get3A_3 = vector.shape_cast %get3A_2 : vector<1x400x1xf32> to vector<400x1xf32>
    %get3A_4 = arith.constant 0 : index
    %get3A_5 = arith.constant 0 : index
    %get3A_6 = arith.constant 0 : index
    %get3A_7 = vector.load %arg2[%get3A_4, %get3A_5, %get3A_6] : memref<1x400x128xf32, #tpu.memory_space<vmem>>, vector<1x400x128xf32>
    %get3A_8 = vector.shape_cast %get3A_7 : vector<1x400x128xf32> to vector<400x128xf32>
    %get3A_9 = arith.constant 0 : index
    %get3A_10 = arith.constant 0 : index
    %get3A_11 = arith.constant 0 : index
    %get3A_12 = vector.load %arg3[%get3A_9, %get3A_10, %get3A_11] : memref<1x400x128xf32, #tpu.memory_space<vmem>>, vector<1x400x128xf32>
    %get3A_13 = vector.shape_cast %get3A_12 : vector<1x400x128xf32> to vector<400x128xf32>
    %add3A = arith.addf %get3A_8, %get3A_13 : vector<400x128xf32>
    %mul3A = vector.broadcast %get3A_3 : vector<400x1xf32> to vector<400x128xf32>
    %mul3A_14 = arith.mulf %mul3A, %add3A : vector<400x128xf32>
    %get3A_15 = arith.constant 0 : index
    %get3A_16 = arith.constant 0 : index
    %get3A_17 = vector.load %arg5[%get3A_15, %get3A_16] : memref<1x128xf32, #tpu.memory_space<vmem>>, vector<1x128xf32>
    %add3A_18 = vector.broadcast %get3A_17 : vector<1x128xf32> to vector<400x128xf32>
    %add3A_19 = arith.addf %mul3A_14, %add3A_18 : vector<400x128xf32>
    %swap3A = arith.constant 0 : index
    %swap3A_20 = arith.constant 0 : index
    %swap3A_21 = arith.constant 0 : index
    %swap3A_22 = vector.load %arg6[%swap3A, %swap3A_20, %swap3A_21] : memref<1x400x128xf32, #tpu.memory_space<vmem>>, vector<1x400x128xf32>
    %swap3A_23 = vector.shape_cast %swap3A_22 : vector<1x400x128xf32> to vector<400x128xf32>
    %swap3A_24 = vector.shape_cast %add3A_19 : vector<400x128xf32> to vector<1x400x128xf32>
    tpu.vector_store %arg6[%swap3A, %swap3A_20, %swap3A_21], %swap3A_24 {strides = array<i32>} : memref<1x400x128xf32, #tpu.memory_space<vmem>>, vector<1x400x128xf32>,
    return
  }
  func.func @transform_0(%arg0: i32, %arg1: i32) -> (i32, i32, i32) {
    %c0_i32 = arith.constant 0 : i32
    %c0_i32_0 = arith.constant 0 : i32
    return %arg0, %arg1, %c0_i32 : i32, i32, i32
  }
  func.func @transform_1(%arg0: i32, %arg1: i32) -> (i32, i32, i32) {
    %c0_i32 = arith.constant 0 : i32
    %c0_i32_0 = arith.constant 0 : i32
    return %arg0, %arg1, %c0_i32 : i32, i32, i32
  }
  func.func @transform_2(%arg0: i32, %arg1: i32) -> (i32, i32, i32) {
    %c0_i32 = arith.constant 0 : i32
    %c0_i32_0 = arith.constant 0 : i32
    return %arg0, %arg1, %c0_i32 : i32, i32, i32
  }
  func.func @transform_3(%arg0: i32, %arg1: i32) -> (i32, i32) {
    %c0_i32 = arith.constant 0 : i32
    %c0_i32_0 = arith.constant 0 : i32
    %c0_i32_1 = arith.constant 0 : i32
    return %c0_i32, %c0_i32_0 : i32, i32
  }
  func.func @transform_4(%arg0: i32, %arg1: i32) -> (i32, i32, i32) {
    %c0_i32 = arith.constant 0 : i32
    %c0_i32_0 = arith.constant 0 : i32
    return %arg0, %arg1, %c0_i32 : i32, i32, i32
  }
}

</mosaic_0001>

<sc_bundles>
// kernel: kernel.6.cloned.1.call-start
scs
__scs_entry_jumppad:
0x0: {  	(pc) =	sbr.rel $0x88, $3  }
0x1: {  	(tag) =	ssettag $0x0;
	lr =	simm.s32 $0x1  }
0x2: {  	[smem:$0x3F9D] =	sst lr;
	_ =	strace $0xD0000000  }
0x3: {  	_ = 	snop  }
0x4: {  	_ = 	snop  }
0x5: {  	_ = 	snop  }
0x6: {  	_ = 	snop  }
0x7: {  	_ = 	snop  }
__scs_overlays_trampoline_lowered:
0x8: {  	[smem:$0x3FAC] =	sst s0  }
0x9: {  	[smem:$0x3FAD] =	sst s1  }
0xa: {  	[smem:$0x3FAE] =	sst s2  }
0xb: {  	[smem:$0x3FAF] =	sst s3  }
0xc: {  	[smem:$0x3FB0] =	sst s4  }
0xd: {  	[smem:$0x3FB1] =	sst s5  }
0xe: {  	[smem:$0x3FB2] =	sst s6  }
0xf: {  	[smem:$0x3FB3] =	sst s7  }
0x10: {  	[smem:$0x3FB4] =	sst s8  }
0x11: {  	[smem:$0x3FB5] =	sst s9;
	s0 =	simm.s32 @!p0 $0x0  }
0x12: {  	s1 =	sld [smem:$0x3F9B];
	s0 =	simm.s32 @p0 $0x1  }
0x13: {  	[smem:$0x3FB6] =	sst s0;
	s0 =	simm.s32 @!p1 $0x0  }
0x14: {  	s2 =	sld [smem:$0x3F9A];
	s0 =	simm.s32 @p1 $0x1  }
0x15: {  	[smem:$0x3FB7] =	sst s0;
	s0 =	simm.s32 @!p2 $0x0  }
0x16: {  	s3 =	sld [smem:$0x3FDB];
	s0 =	simm.s32 @p2 $0x1  }
0x17: {  	s4 =	simm.s32 $0x1BF5;
	[smem:$0x3FB9] =	sst s0  }
0x18: {  	s0 =	sld [smem:$0x3F9C];
	_ =	swait.ge [sflag:s4], $0x0  }
0x19: {  	s7 =	sld [smem:$0x3F9D]  }
0x1a: {  	s8 =	sadd.s32 $0xFFFFE003, lr  }
0x1b: {  	s9 =	sadd.s32 $0xFFFFFEF7, lr;
	s5 =	simm.s32 $0xFFFFFFFF;
	p2 =	slt.u32 s8, $0xFFFFF086  }
0x1c: {  	p1 =	slt.u32 s9, $0xF7A;
	s5 =	simm.s32 @!p2 $0x0  }
0x1d: {  	s5 =	simm.s32 @p1 $0x1;
	p0 =	seq.s32 s7, s2  }
0x1e: {  	s7 =	smul.u32 @!p0 $0xF7A, s2;
	p2 =	seq.s32 @!p0 s5, $0x0  }
0x1f: {  	s9 =	smul.u32 $0xF7A, s1;
	s8 =	simm.s32 @!p0 $0x1BF5;
	p2 =	por !p2, p0  }
0x20: {  	[sflag:s8] =	ssyncset.s32 @!p0 $0xFFFFF086;
	s6 =	sadd.s32 @!p0 s3, s7;
	s7 =	simm.s32 @!p0 $0x108  }
0x21: {  	s3 =	sadd.s32 s3, s9;
	s6 =	sadd.s32 @!p0 $0x88, s6;
	s7 =	simm.s32 @p2 $0x1082  }
0x22: {  	[simem:s7], [sflag:s8] =	dma.local @!p0 [hbm:s6], $0xF7A  }
0x23: {  	s9 =	sor.u32 $0xD0000000, s2;
	s6 =	simm.s32 $0x108;
	_ =	swait.ge @!p0 [sflag:s8], $0x0  }
0x24: {  	s3 =	sadd.s32 $0x88, s3;
	s6 =	simm.s32 @!p1 $0x1082;
	[sflag:s4] =	ssyncset.s32 $0xFFFFF086  }
0x25: {  	[simem:s6], [sflag:s4] =	dma.local [hbm:s3], $0xF7A  }
0x26: {  	[smem:$0x3F9D] =	sst s1;
	(tag) =	ssettag s2;
	_ =	strace s9  }
0x27: {  	s1 =	sld [smem:$0x3FAD]  }
0x28: {  	s2 =	sld [smem:$0x3FAE]  }
0x29: {  	s4 =	sld [smem:$0x3FB0]  }
0x2a: {  	p0 =	seq.s32 s5, $0x0;
	s5 =	sld [smem:$0x3FB1]  }
0x2b: {  	s6 =	sld [smem:$0x3FB2]  }
0x2c: {  	s7 =	sld [smem:$0x3FB3]  }
0x2d: {  	s3 =	simm.s32 $0x108;
	s8 =	sld [smem:$0x3FB4]  }
0x2e: {  	s3 =	simm.s32 @!p0 $0x1082;
	s9 =	sld [smem:$0x3FB5]  }
0x2f: {  	lr =	sadd.s32 s0, s3;
	s0 =	sld [smem:$0x3FAC]  }
0x30: {  	s3 =	sld [smem:$0x3FAF]  }
0x31: {  	[smem:$0x3FB8] =	sst s10  }
0x32: {  	s10 =	sld [smem:$0x3FB6];
	_ =	sdelay $0x3  }
0x33: {  	p0 =	seq.s32 s10, $0x1;
	s10 =	sld [smem:$0x3FB8];
	_ =	sdelay $0x3  }
0x34: {  	[smem:$0x3FB8] =	sst s10  }
0x35: {  	s10 =	sld [smem:$0x3FB7];
	_ =	sdelay $0x3  }
0x36: {  	p1 =	seq.s32 s10, $0x1;
	s10 =	sld [smem:$0x3FB8];
	_ =	sdelay $0x3  }
0x37: {  	[smem:$0x3FB8] =	sst s10  }
0x38: {  	s10 =	sld [smem:$0x3FB9]  }
0x39: {  	_ = 	snop;
	(pc) =	sbr.ind lr, $3  }
0x3a: {  	_ = 	snop  }
0x3b: {  	_ = 	snop  }
0x3c: {  	p2 =	seq.s32 s10, $0x1;
	s10 =	sld [smem:$0x3FB8]  }
0x3d: {  	_ =	shalt  }
0x3e: {  	_ =	shalt  }
0x3f: {  	_ =	shalt  }
0x40: {  	_ =	shalt  }
0x41: {  	_ =	shalt  }
0x42: {  	_ =	shalt  }
0x43: {  	_ =	shalt  }
0x44: {  	_ =	shalt  }
0x45: {  	_ =	shalt  }
0x46: {  	_ =	shalt  }
0x47: {  	_ =	shalt  }
0x48: {  	_ =	shalt  }
0x49: {  	_ =	shalt  }
0x4a: {  	_ =	shalt  }
0x4b: {  	_ =	shalt  }
0x4c: {  	_ =	shalt  }
0x4d: {  	_ =	shalt  }
0x4e: {  	_ =	shalt  }
0x4f: {  	_ =	shalt  }
0x50: {  	_ =	shalt  }
0x51: {  	_ =	shalt  }
0x52: {  	_ =	shalt  }
0x53: {  	_ =	shalt  }
0x54: {  	_ =	shalt  }
0x55: {  	_ =	shalt  }
0x56: {  	_ =	shalt  }
0x57: {  	_ =	shalt  }
0x58: {  	_ =	shalt  }
0x59: {  	_ =	shalt  }
0x5a: {  	_ =	shalt  }
0x5b: {  	_ =	shalt  }
0x5c: {  	_ =	shalt  }
0x5d: {  	_ =	shalt  }
0x5e: {  	_ =	shalt  }
0x5f: {  	_ =	shalt  }
0x60: {  	_ =	shalt  }
0x61: {  	_ =	shalt  }
0x62: {  	_ =	shalt  }
0x63: {  	_ =	shalt  }
0x64: {  	_ =	shalt  }
0x65: {  	_ =	shalt  }
0x66: {  	_ =	shalt  }
0x67: {  	_ =	shalt  }
0x68: {  	_ =	shalt  }
0x69: {  	_ =	shalt  }
0x6a: {  	_ =	shalt  }
0x6b: {  	_ =	shalt  }
0x6c: {  	_ =	shalt  }
0x6d: {  	_ =	shalt  }
0x6e: {  	_ =	shalt  }
0x6f: {  	_ =	shalt  }
0x70: {  	_ =	shalt  }
0x71: {  	_ =	shalt  }
0x72: {  	_ =	shalt  }
0x73: {  	_ =	shalt  }
0x74: {  	_ =	shalt  }
0x75: {  	_ =	shalt  }
0x76: {  	_ =	shalt  }
0x77: {  	_ =	shalt  }
0x78: {  	_ =	shalt  }
0x79: {  	_ =	shalt  }
0x7a: {  	_ =	shalt  }
0x7b: {  	_ =	shalt  }
0x7c: {  	_ =	shalt  }
0x7d: {  	_ =	shalt  }
0x7e: {  	_ =	shalt  }
0x7f: {  	_ =	shalt  }
0x80: {  	_ =	shalt  }
0x81: {  	_ =	shalt  }
0x82: {  	_ =	shalt  }
0x83: {  	_ =	shalt  }
0x84: {  	_ =	shalt  }
0x85: {  	_ =	shalt  }
0x86: {  	_ =	shalt  }
0x87: {  	_ =	shalt  }
.Lfunc_end0:
.L_simem_size_0:
called_computation_lowered:
.L_overlay_start_0:
0x88: {  	s2 =	sld [smem:$0x3FD9]  }
0x89: {  	s3 =	sld [smem:$0x3FFE];
	_ =	sdelay $0x1  }
0x8a: {  	s1 =	srdreg.scid  }
0x8b: {  	s0 =	sand.u32 $0x1, s1  }
0x8c: {  	s16 =	sshll.u32 s0, $0xA;
	s2 =	sadd.s32 s3, s2  }
0x8d: {  	s2 =	sadd.s32 s2, s16  }
0x8e: {  	[smem:$0x3FC4] =	sst s2  }
0x8f: {  	_ = 	snop  }
0x90: {  	(tm) =	ssettm $0x1  }
0x91: {  	s17 =	sld [smem:$0x3FFB];
	_ =	sdelay $0x3  }
0x92: {  	_ =	strace s17  }
0x93: {  	s2 =	sld [smem:$0x3FFC];
	_ =	sdelay $0x3  }
0x94: {  	_ =	strace s2  }
0x95: {  	s2 =	sld [smem:$0x3FFD];
	_ =	sdelay $0x3  }
0x96: {  	_ =	strace s2  }
0x97: {  	_ =	strace $0x8FFFFFFF  }
0x98: {  	s18 =	sld [smem:$0x3FDB];
	_ =	sdelay $0x1  }
0x99: {  	s19 =	simm.s32 $_scs_section_size  }
0x9a: {  	s4 =	simm.s32 $_size__tile_overlayer_lowered;
	s5 =	simm.s32 $_tile_overlayer_lowered  }
0x9b: {  	s22 =	simm.s32 $0x1BFF;
	s21 =	sshll.u32 s5, $0x1;
	s2 =	sadd.s32 s19, s18  }
0x9c: {  	s6 =	simm.s32 $0x0;
	s20 =	sshll.u32 s4, $0x1;
	s4 =	sadd.s32 s21, s2  }
0x9d: {  	[timem:s6], [sflag:s22] =	dma.local [hbm:s4], s20  }
0x9e: {  	_ =	swait.ge [sflag:s22], s20  }
0x9f: {  	s3 =	ssub.s32 $0x0, s20;
	[sflag:s22] =	ssyncset.done $0x0  }
0xa0: {  	[sflag:s22] =	ssyncadd.s32 s3;
	_ =	sdelay $0x1  }
0xa1: {  	s23 =	simm.s32 $0x1B8B  }
0xa2: {  	_ =	swait.ge [sflag:s23], $0x1  }
0xa3: {  	[sflag:s23] =	ssyncset.done $0x0  }
0xa4: {  	s25 =	simm.s32 $0x1B8E;
	s24 =	sld [smem:$0x3FFE];
	[sflag:s23] =	ssyncadd.s32 $0xFFFFFFFF  }
0xa5: {  	s26 =	simm.s32 $execute0_lowered;
	[smem:$0x3FD2] =	sst s25  }
0xa6: {  	s4 =	sshll.u32 s26, $0x1;
	_ =	strace $0x80000046;
	[dreg:$0x1] =	wrdreg $0xFFFFFFFF  }
0xa7: {  	s28 =	simm.s32 $_size_execute0_lowered;
	s2 =	sadd.s32 s2, s4;
	[dreg:$0x0] =	wrdreg $0x0  }
0xa8: {  	s4 =	sshll.u32 s28, $0x1;
	[dreg:$0x2] =	wrdreg s2  }
0xa9: {  	[dreg:$0x3] =	wrdreg s4  }
0xaa: {  	[dreg:$0x4] =	wrdreg $0xC0  }
0xab: {  	_ =	task [dreg:s6], $0x5FFFF  }
0xac: {  	[dreg:$0x1] =	wrdreg $0xFFFFFFFF  }
0xad: {  	[dreg:$0x0] =	wrdreg $0x60  }
0xae: {  	[dreg:$0x2] =	wrdreg s24  }
0xaf: {  	[dreg:$0x3] =	wrdreg $0x3C800  }
0xb0: {  	[dreg:$0x4] =	wrdreg $0x9  }
0xb1: {  	_ =	task.clear_ibuf [dreg:s6], $0x5FFFF;
	_ =	strace $0x90000046  }
0xb2: {  	s29 =	simm.s32 $0x9;
	_ =	strace $0x80000048  }
0xb3: {  	_ =	swait.ge [sflag:s29], $0x1  }
0xb4: {  	[sflag:s29] =	ssyncadd.s32 $0xFFFFFFFF  }
0xb5: {  	_ =	strace $0x90000048  }
0xb6: {  	_ =	sfence  }
0xb7: {  	s30 =	sld [smem:$0x0];
	_ =	sdelay $0x2  }
0xb8: {  	s31 =	sshll.u32 s1, $0xD;
	s1 =	sshrl.u32 s1, $0x2  }
0xb9: {  	s3 =	sand.u32 $0x4000, s31;
	s1 =	sadd.s32 s1, s30  }
0xba: {  	s0 =	sor.u32 s3, s0;
	s1 =	sshll.u32 s1, $0x11  }
0xbb: {  	s0 =	sor.u32 s1, s0  }
0xbc: {  	s0 =	sadd.s32 $0x8F2B, s0  }
0xbd: {  	[sflag:s0] =	ssyncadd.remote.s32 $0x1  }
0xbe: {  	_ =	sfence.sel $0xFFFF  }
0xbf: {  	[dreg:$0x0] =	wrdreg $0xFFFFFFFF;
	(pc) =	sbr.abs _section_cstart, $3  }
0xc0: {  	[dreg:$0x1] =	wrdreg $0xFFFFFFFF  }
0xc1: {  	_ =	task.clear_ibuf [dreg:s6], $0x2FFFF;
	_ =	strace $0x9FFFFFFF  }
0xc2: {  	(tm) =	ssettm $0x7FFFFFFF  }
0xc3: {  	_ =	shalt  }
tec
execute0_lowered:
.L_overlay_start_1:
0x0: {  	(tag) =	ssettag $0x1  }
0x1: {  	s4 =	rddreg [dreg:$0x0]  }
0x2: {  	s0 =	srdreg.scid;
	s1 =	stileid.u32  }
0x3: {  	s2 =	rddreg [dreg:$0x1];
	s3 =	simm.s32 $0x0;
	s6 =	smul.u32 $0x2760, s1  }
0x4: {  	s20 =	simm.s32 $0x78;
	s21 =	simm.s32 $0x0;
	s8 =	smul.u32 $0x4F000, s1  }
0x5: {  	s7 =	sand.u32 $0x1, s0;
	s0 =	rddreg [dreg:$0x2];
	s10 =	smul.u32 $0x13C00, s1  }
0x6: {  	[smem:$0x7FF] =	sst s3;
	s15 =	sadd.s32 $0xBA00, s4;
	s5 =	smul.u32 $0x27600, s7  }
0x7: {  	_ =	strace $0x80000047;
	s29 =	ssub.s32 $0x2, s7;
	s19 =	smul.u32 $0x13C000, s7  }
0x8: {  	s30 =	sshrl.u32 s29, $0x1;
	s31 =	sshrl.u32 s8, $0x2;
	s11 =	sadd.s32 $0x3C00, s10  }
0x9: {  	s12 =	sadd.s32 $0x7800, s10;
	s13 =	sadd.s32 $0xB400, s10;
	s14 =	sadd.s32 $0xF000, s10  }
0xa: {  	s18 =	sadd.s32 $0x12C00, s10;
	s5 =	sadd.s32 s6, s5;
	s16 =	ssub.s32 s29, s30  }
0xb: {  	s6 =	sadd.s32 s12, s2;
	s7 =	sadd.s32 s13, s2;
	s8 =	sadd.s32 s14, s2  }
0xc: {  	s9 =	sadd.s32 s18, s2;
	s10 =	sadd.s32 s10, s19;
	s12 =	sadd.s32 s19, s12  }
0xd: {  	s13 =	sadd.s32 s19, s13;
	s14 =	sadd.s32 s19, s14;
	s18 =	sadd.s32 s19, s18  }
0xe: {  	s5 =	sshrl.u32 s5, $0x3;
	s10 =	sshrl.u32 s10, $0x3;
	s12 =	sshrl.u32 s12, $0x3  }
0xf: {  	s13 =	sshrl.u32 s13, $0x3;
	s14 =	sshrl.u32 s14, $0x3;
	s18 =	sshrl.u32 s18, $0x3  }
0x10: {  	s16 =	smax.u32 s16, $0x1;
	s17 =	sadd.s32 s5, s4;
	s4 =	sadd.s32 s31, s2  }
0x11: {  	s5 =	sadd.s32 s11, s2;
	s11 =	sadd.s32 s19, s11;
	s10 =	sadd.s32 s15, s10  }
0x12: {  	s12 =	sadd.s32 s15, s12;
	s13 =	sadd.s32 s15, s13;
	s14 =	sadd.s32 s15, s14  }
0x13: {  	s19 =	simm.s32 $0x1;
	s11 =	sshrl.u32 s11, $0x3;
	s17 =	sadd.s32 $0x1C00, s17  }
0x14: {  	v0 =	vimm.f32 $0.0e+00;
	v1 =	vimm.f32 $1.000000000e+00;
	s11 =	sadd.s32 s15, s11;
	s15 =	sadd.s32 s15, s18;
	s18 =	simm.s32 $0x80  }
.LBB2_1:
0x15: {  	s22 =	simm.s32 $0x200;
	s23 =	simm.s32 $0x0  }
.LBB2_2:
0x16: {  	p0 =	sne.s32 s22, $0xEE00;
	[tilespmem:s23+$0x80] =	vst v0;
	s23 =	smov.u32 s22;
	s22 =	sadd.s32 $0x200, s22  }
.Ltmp0:
0x17: {  	(pc) =	sbr.rel @p0 .LBB2_2-.Ltmp0, $2  }
0x18: {  	_ =	sdelay $0x2  }
0x19: {  	s23 =	sshra.s32 s23, $0x2  }
0x1a: {  	[tilespmem:s23+$0x80] =	vst v0  }
0x1b: {  	[spmem:s4] =	stream.linear.scatter [tilespmem:s18], [sflag:$0x1], $0x3C00, $0x38;
	[tilespmem:$0x6400] =	vst v63  }
0x1c: {  	_ =	swait.ge [sflag:s19], $0x3C00  }
0x1d: {  	[sflag:s19] =	ssyncset.done $0x0  }
0x1e: {  	[sflag:s19] =	ssyncadd.s32 $0xFFFFC400  }
0x1f: {  	[spmem:s5] =	stream.linear.scatter [tilespmem:s18], [sflag:$0x1], $0x3C00, $0x38;
	[tilespmem:$0x6400] =	vst v63  }
0x20: {  	_ =	swait.ge [sflag:s19], $0x3C00  }
0x21: {  	[sflag:s19] =	ssyncset.done $0x0  }
0x22: {  	[sflag:s19] =	ssyncadd.s32 $0xFFFFC400  }
0x23: {  	[spmem:s6] =	stream.linear.scatter [tilespmem:s18], [sflag:$0x1], $0x3C00, $0x38;
	[tilespmem:$0x6400] =	vst v63  }
0x24: {  	_ =	swait.ge [sflag:s19], $0x3C00  }
0x25: {  	[sflag:s19] =	ssyncset.done $0x0  }
0x26: {  	[sflag:s19] =	ssyncadd.s32 $0xFFFFC400  }
0x27: {  	[spmem:s7] =	stream.linear.scatter [tilespmem:s18], [sflag:$0x1], $0x3C00, $0x38;
	[tilespmem:$0x6400] =	vst v63  }
0x28: {  	_ =	swait.ge [sflag:s19], $0x3C00  }
0x29: {  	[sflag:s19] =	ssyncset.done $0x0  }
0x2a: {  	[sflag:s19] =	ssyncadd.s32 $0xFFFFC400  }
0x2b: {  	[spmem:s8] =	stream.linear.scatter [tilespmem:s18], [sflag:$0x1], $0x3C00, $0x38;
	[tilespmem:$0x6400] =	vst v63  }
0x2c: {  	_ =	swait.ge [sflag:s19], $0x3C00  }
0x2d: {  	[sflag:s19] =	ssyncset.done $0x0  }
0x2e: {  	[sflag:s19] =	ssyncadd.s32 $0xFFFFC400  }
0x2f: {  	[spmem:s9] =	stream.linear.scatter [tilespmem:s18], [sflag:$0x1], $0x1000, $0x38;
	[tilespmem:$0x6400] =	vst v63  }
0x30: {  	_ =	swait.ge [sflag:s19], $0x1000  }
0x31: {  	[sflag:s19] =	ssyncset.done $0x0  }
0x32: {  	s22 =	simm.s32 $0x200;
	s23 =	simm.s32 $0x0;
	[sflag:s19] =	ssyncadd.s32 $0xFFFFF000  }
.LBB2_4:
0x33: {  	p0 =	sne.s32 s22, $0xEE00;
	[tilespmem:s23+$0x80] =	vst v1;
	s23 =	smov.u32 s22;
	s22 =	sadd.s32 $0x200, s22  }
.Ltmp1:
0x34: {  	(pc) =	sbr.rel @p0 .LBB2_4-.Ltmp1, $2  }
0x35: {  	_ =	sdelay $0x2  }
0x36: {  	s23 =	sshra.s32 s23, $0x2  }
0x37: {  	[tilespmem:s23+$0x80] =	vst v1  }
0x38: {  	s22 =	sadd.s32 $0x0, s17;
	[bflag:$0x0] =	sbarrier.arrive $0xFFFF  }
0x39: {  	[tilespmem:s3], [sflag:$0x1] =	stream.linear.gather [hbm4b:s22+s3], $0x78, $0x38;
	[tilespmem:$0x6400] =	vst v63  }
0x3a: {  	_ =	swait.ge [sflag:s19], $0x78  }
0x3b: {  	[sflag:s19] =	ssyncset.done $0x0  }
0x3c: {  	[sflag:s19] =	ssyncadd.s32 $0xFFFFFF88  }
0x3d: {  	[spmem:s2] =	stream.indirect.scatter.add.f32 [tilespmem:s18], [sflag:$0x1], $0x10, s3, s20, $0xb8;
	[tilespmem:$0x6400] =	vst v63  }
0x3e: {  	_ =	swait.ge [sflag:s19], $0x780  }
0x3f: {  	s23 =	simm.s32 $0x1E;
	s22 =	simm.s32 $0xF;
	[sflag:s19] =	ssyncset.done $0x0  }
.LBB2_6:
0x40: {  	s24 =	sadd.s32 s22, s17  }
0x41: {  	[sflag:s19] =	ssyncadd.s32 $0xFFFFF880;
	s22 =	smov.u32 s23;
	s25 =	sadd.s32 $0xF, s23  }
0x42: {  	[tilespmem:s3], [sflag:$0x1] =	stream.linear.gather [hbm4b:s24+s3], $0x78, $0x38;
	[tilespmem:$0x6400] =	vst v63  }
0x43: {  	p0 =	sne.s32 s23, $0x4DD;
	_ =	swait.ge [sflag:s19], $0x78  }
.Ltmp2:
0x44: {  	[sflag:s19] =	ssyncset.done $0x0;
	(pc) =	sbr.rel @p0 .LBB2_6-.Ltmp2, $4  }
0x45: {  	[sflag:s19] =	ssyncadd.s32 $0xFFFFFF88  }
0x46: {  	[spmem:s2] =	stream.indirect.scatter.add.f32 [tilespmem:s18], [sflag:$0x1], $0x10, s3, s20, $0xb8;
	[tilespmem:$0x6400] =	vst v63  }
0x47: {  	_ =	swait.ge [sflag:s19], $0x780  }
0x48: {  	s23 =	smov.u32 s25;
	[sflag:s19] =	ssyncset.done $0x0  }
0x49: {  	s22 =	sadd.s32 s22, s17;
	[sflag:s19] =	ssyncadd.s32 $0xFFFFF880  }
0x4a: {  	[tilespmem:s3], [sflag:$0x1] =	stream.linear.gather [hbm4b:s22+s3], $0x78, $0x38;
	[tilespmem:$0x6400] =	vst v63  }
0x4b: {  	_ =	swait.ge [sflag:s19], $0x78  }
0x4c: {  	[sflag:s19] =	ssyncset.done $0x0  }
0x4d: {  	[sflag:s19] =	ssyncadd.s32 $0xFFFFFF88  }
0x4e: {  	[spmem:s2] =	stream.indirect.scatter.add.f32 [tilespmem:s18], [sflag:$0x1], $0x10, s3, s20, $0xb8;
	[tilespmem:$0x6400] =	vst v63  }
0x4f: {  	_ =	swait.ge [sflag:s19], $0x780  }
0x50: {  	[sflag:s19] =	ssyncset.done $0x0  }
0x51: {  	s25 =	sshll.u32 s1, $0x6;
	[sflag:s19] =	ssyncadd.s32 $0xFFFFF880  }
0x52: {  	s23 =	sshrl.u32 s4, $0x3;
	s22 =	sor.u32 $0x1C01, s25;
	[bflag:$0x0] =	sbarrier.arrive $0xFFFF  }
0x53: {  	[hbm:s10], [sflag:s22] =	dma.local [spmem:s23], $0x780  }
0x54: {  	_ =	swait.ge [sflag:s19], $0x780  }
0x55: {  	[sflag:s19] =	ssyncset.done $0x0  }
0x56: {  	s26 =	sshrl.u32 s5, $0x3;
	[sflag:s19] =	ssyncadd.s32 $0xFFFFF880  }
0x57: {  	[hbm:s11], [sflag:s22] =	dma.local [spmem:s26], $0x780  }
0x58: {  	_ =	swait.ge [sflag:s19], $0x780  }
0x59: {  	[sflag:s19] =	ssyncset.done $0x0  }
0x5a: {  	s28 =	sshrl.u32 s6, $0x3;
	[sflag:s19] =	ssyncadd.s32 $0xFFFFF880  }
0x5b: {  	[hbm:s12], [sflag:s22] =	dma.local [spmem:s28], $0x780  }
0x5c: {  	_ =	swait.ge [sflag:s19], $0x780  }
0x5d: {  	[sflag:s19] =	ssyncset.done $0x0  }
0x5e: {  	s29 =	sshrl.u32 s7, $0x3;
	[sflag:s19] =	ssyncadd.s32 $0xFFFFF880  }
0x5f: {  	[hbm:s13], [sflag:s22] =	dma.local [spmem:s29], $0x780  }
0x60: {  	_ =	swait.ge [sflag:s19], $0x780  }
0x61: {  	[sflag:s19] =	ssyncset.done $0x0  }
0x62: {  	s30 =	sshrl.u32 s8, $0x3;
	[sflag:s19] =	ssyncadd.s32 $0xFFFFF880  }
0x63: {  	[hbm:s14], [sflag:s22] =	dma.local [spmem:s30], $0x780  }
0x64: {  	s21 =	sadd.s32 $0x1, s21;
	_ =	swait.ge [sflag:s19], $0x780  }
0x65: {  	p0 =	sne.s32 s21, s16;
	[sflag:s19] =	ssyncset.done $0x0  }
.Ltmp3:
0x66: {  	s31 =	sshrl.u32 s9, $0x3;
	[sflag:s19] =	ssyncadd.s32 $0xFFFFF880;
	(pc) =	sbr.rel @p0 .LBB2_1-.Ltmp3, $4  }
0x67: {  	[hbm:s15], [sflag:s22] =	dma.local [spmem:s31], $0x200  }
0x68: {  	_ =	swait.ge [sflag:s19], $0x200  }
0x69: {  	[sflag:s19] =	ssyncset.done $0x0  }
0x6a: {  	[sflag:s19] =	ssyncadd.s32 $0xFFFFFE00  }
0x6b: {  	_ =	sfence.sel $0x180000  }
0x6c: {  	[bflag:$0x0] =	sbarrier.arrive $0xFFFF  }
0x6d: {  	p0 =	sne.s32 s1, $0x0;
	_ =	strace $0x90000047  }
0x6e: {  	s0 =	sadd.s32 @!p0 $0x100000, s0;
	[bflag:$0x2] =	sbarrier.arrive $0xFFFF  }
0x6f: {  	[sflag:s0] =	ssyncadd.tile.s32 @!p0 $0x1;
	_ =	shalt  }
.Lfunc_end2:
_tile_overlayer_lowered:
.L_overlay_start_2:
0x70: {  	(tag) =	ssettag $0x2  }
0x71: {  	s0 =	rddreg [dreg:$0x0];
	s2 =	stileid.u32  }
0x72: {  	s1 =	rddreg [dreg:$0x1];
	p0 =	sne.s32 s2, $0x0  }
0x73: {  	s3 =	rddreg [dreg:$0x2];
	[bflag:$0x3] =	sbarrier.arrive $0xFFFF;
	s2 =	simm.s32 @!p0 $0x1C01  }
0x74: {  	[timem:s3], [sflag:s2] =	dma.local @!p0 [hbm:s0], s1  }
0x75: {  	s0 =	simm.s32 @!p0 $0x1  }
0x76: {  	_ =	swait.ge @!p0 [sflag:s0], s1  }
0x77: {  	s1 =	ssub.s32 @!p0 $0x0, s1;
	[sflag:s0] =	ssyncset.done @!p0 $0x0  }
0x78: {  	[sflag:s0] =	ssyncadd.s32 @!p0 s1  }
0x79: {  	[bflag:$0x3] =	sbarrier.arrive $0xFFFF  }
0x7a: {  	_ =	shalt  }

// kernel: kernel.9.cloned.1.call-start
scs
__scs_entry_jumppad:
0x0: {  	(pc) =	sbr.rel $0x88, $3  }
0x1: {  	(tag) =	ssettag $0x0;
	lr =	simm.s32 $0x1  }
0x2: {  	[smem:$0x3F9D] =	sst lr;
	_ =	strace $0xD0000000  }
0x3: {  	_ = 	snop  }
0x4: {  	_ = 	snop  }
0x5: {  	_ = 	snop  }
0x6: {  	_ = 	snop  }
0x7: {  	_ = 	snop  }
__scs_overlays_trampoline_lowered:
0x8: {  	[smem:$0x3FAC] =	sst s0  }
0x9: {  	[smem:$0x3FAD] =	sst s1  }
0xa: {  	[smem:$0x3FAE] =	sst s2  }
0xb: {  	[smem:$0x3FAF] =	sst s3  }
0xc: {  	[smem:$0x3FB0] =	sst s4  }
0xd: {  	[smem:$0x3FB1] =	sst s5  }
0xe: {  	[smem:$0x3FB2] =	sst s6  }
0xf: {  	[smem:$0x3FB3] =	sst s7  }
0x10: {  	[smem:$0x3FB4] =	sst s8  }
0x11: {  	[smem:$0x3FB5] =	sst s9;
	s0 =	simm.s32 @!p0 $0x0  }
0x12: {  	s1 =	sld [smem:$0x3F9B];
	s0 =	simm.s32 @p0 $0x1  }
0x13: {  	[smem:$0x3FB6] =	sst s0;
	s0 =	simm.s32 @!p1 $0x0  }
0x14: {  	s2 =	sld [smem:$0x3F9A];
	s0 =	simm.s32 @p1 $0x1  }
0x15: {  	[smem:$0x3FB7] =	sst s0;
	s0 =	simm.s32 @!p2 $0x0  }
0x16: {  	s3 =	sld [smem:$0x3FDB];
	s0 =	simm.s32 @p2 $0x1  }
0x17: {  	s4 =	simm.s32 $0x1BF5;
	[smem:$0x3FB9] =	sst s0  }
0x18: {  	s0 =	sld [smem:$0x3F9C];
	_ =	swait.ge [sflag:s4], $0x0  }
0x19: {  	s7 =	sld [smem:$0x3F9D]  }
0x1a: {  	s8 =	sadd.s32 $0xFFFFE003, lr  }
0x1b: {  	s9 =	sadd.s32 $0xFFFFFEF7, lr;
	s5 =	simm.s32 $0xFFFFFFFF;
	p2 =	slt.u32 s8, $0xFFFFF086  }
0x1c: {  	p1 =	slt.u32 s9, $0xF7A;
	s5 =	simm.s32 @!p2 $0x0  }
0x1d: {  	s5 =	simm.s32 @p1 $0x1;
	p0 =	seq.s32 s7, s2  }
0x1e: {  	s7 =	smul.u32 @!p0 $0xF7A, s2;
	p2 =	seq.s32 @!p0 s5, $0x0  }
0x1f: {  	s9 =	smul.u32 $0xF7A, s1;
	s8 =	simm.s32 @!p0 $0x1BF5;
	p2 =	por !p2, p0  }
0x20: {  	[sflag:s8] =	ssyncset.s32 @!p0 $0xFFFFF086;
	s6 =	sadd.s32 @!p0 s3, s7;
	s7 =	simm.s32 @!p0 $0x108  }
0x21: {  	s3 =	sadd.s32 s3, s9;
	s6 =	sadd.s32 @!p0 $0x88, s6;
	s7 =	simm.s32 @p2 $0x1082  }
0x22: {  	[simem:s7], [sflag:s8] =	dma.local @!p0 [hbm:s6], $0xF7A  }
0x23: {  	s9 =	sor.u32 $0xD0000000, s2;
	s6 =	simm.s32 $0x108;
	_ =	swait.ge @!p0 [sflag:s8], $0x0  }
0x24: {  	s3 =	sadd.s32 $0x88, s3;
	s6 =	simm.s32 @!p1 $0x1082;
	[sflag:s4] =	ssyncset.s32 $0xFFFFF086  }
0x25: {  	[simem:s6], [sflag:s4] =	dma.local [hbm:s3], $0xF7A  }
0x26: {  	[smem:$0x3F9D] =	sst s1;
	(tag) =	ssettag s2;
	_ =	strace s9  }
0x27: {  	s1 =	sld [smem:$0x3FAD]  }
0x28: {  	s2 =	sld [smem:$0x3FAE]  }
0x29: {  	s4 =	sld [smem:$0x3FB0]  }
0x2a: {  	p0 =	seq.s32 s5, $0x0;
	s5 =	sld [smem:$0x3FB1]  }
0x2b: {  	s6 =	sld [smem:$0x3FB2]  }
0x2c: {  	s7 =	sld [smem:$0x3FB3]  }
0x2d: {  	s3 =	simm.s32 $0x108;
	s8 =	sld [smem:$0x3FB4]  }
0x2e: {  	s3 =	simm.s32 @!p0 $0x1082;
	s9 =	sld [smem:$0x3FB5]  }
0x2f: {  	lr =	sadd.s32 s0, s3;
	s0 =	sld [smem:$0x3FAC]  }
0x30: {  	s3 =	sld [smem:$0x3FAF]  }
0x31: {  	[smem:$0x3FB8] =	sst s10  }
0x32: {  	s10 =	sld [smem:$0x3FB6];
	_ =	sdelay $0x3  }
0x33: {  	p0 =	seq.s32 s10, $0x1;
	s10 =	sld [smem:$0x3FB8];
	_ =	sdelay $0x3  }
0x34: {  	[smem:$0x3FB8] =	sst s10  }
0x35: {  	s10 =	sld [smem:$0x3FB7];
	_ =	sdelay $0x3  }
0x36: {  	p1 =	seq.s32 s10, $0x1;
	s10 =	sld [smem:$0x3FB8];
	_ =	sdelay $0x3  }
0x37: {  	[smem:$0x3FB8] =	sst s10  }
0x38: {  	s10 =	sld [smem:$0x3FB9]  }
0x39: {  	_ = 	snop;
	(pc) =	sbr.ind lr, $3  }
0x3a: {  	_ = 	snop  }
0x3b: {  	_ = 	snop  }
0x3c: {  	p2 =	seq.s32 s10, $0x1;
	s10 =	sld [smem:$0x3FB8]  }
0x3d: {  	_ =	shalt  }
0x3e: {  	_ =	shalt  }
0x3f: {  	_ =	shalt  }
0x40: {  	_ =	shalt  }
0x41: {  	_ =	shalt  }
0x42: {  	_ =	shalt  }
0x43: {  	_ =	shalt  }
0x44: {  	_ =	shalt  }
0x45: {  	_ =	shalt  }
0x46: {  	_ =	shalt  }
0x47: {  	_ =	shalt  }
0x48: {  	_ =	shalt  }
0x49: {  	_ =	shalt  }
0x4a: {  	_ =	shalt  }
0x4b: {  	_ =	shalt  }
0x4c: {  	_ =	shalt  }
0x4d: {  	_ =	shalt  }
0x4e: {  	_ =	shalt  }
0x4f: {  	_ =	shalt  }
0x50: {  	_ =	shalt  }
0x51: {  	_ =	shalt  }
0x52: {  	_ =	shalt  }
0x53: {  	_ =	shalt  }
0x54: {  	_ =	shalt  }
0x55: {  	_ =	shalt  }
0x56: {  	_ =	shalt  }
0x57: {  	_ =	shalt  }
0x58: {  	_ =	shalt  }
0x59: {  	_ =	shalt  }
0x5a: {  	_ =	shalt  }
0x5b: {  	_ =	shalt  }
0x5c: {  	_ =	shalt  }
0x5d: {  	_ =	shalt  }
0x5e: {  	_ =	shalt  }
0x5f: {  	_ =	shalt  }
0x60: {  	_ =	shalt  }
0x61: {  	_ =	shalt  }
0x62: {  	_ =	shalt  }
0x63: {  	_ =	shalt  }
0x64: {  	_ =	shalt  }
0x65: {  	_ =	shalt  }
0x66: {  	_ =	shalt  }
0x67: {  	_ =	shalt  }
0x68: {  	_ =	shalt  }
0x69: {  	_ =	shalt  }
0x6a: {  	_ =	shalt  }
0x6b: {  	_ =	shalt  }
0x6c: {  	_ =	shalt  }
0x6d: {  	_ =	shalt  }
0x6e: {  	_ =	shalt  }
0x6f: {  	_ =	shalt  }
0x70: {  	_ =	shalt  }
0x71: {  	_ =	shalt  }
0x72: {  	_ =	shalt  }
0x73: {  	_ =	shalt  }
0x74: {  	_ =	shalt  }
0x75: {  	_ =	shalt  }
0x76: {  	_ =	shalt  }
0x77: {  	_ =	shalt  }
0x78: {  	_ =	shalt  }
0x79: {  	_ =	shalt  }
0x7a: {  	_ =	shalt  }
0x7b: {  	_ =	shalt  }
0x7c: {  	_ =	shalt  }
0x7d: {  	_ =	shalt  }
0x7e: {  	_ =	shalt  }
0x7f: {  	_ =	shalt  }
0x80: {  	_ =	shalt  }
0x81: {  	_ =	shalt  }
0x82: {  	_ =	shalt  }
0x83: {  	_ =	shalt  }
0x84: {  	_ =	shalt  }
0x85: {  	_ =	shalt  }
0x86: {  	_ =	shalt  }
0x87: {  	_ =	shalt  }
.Lfunc_end0:
.L_simem_size_0:
called_computation.1_lowered:
.L_overlay_start_0:
0x88: {  	s2 =	sld [smem:$0x3FD9]  }
0x89: {  	s3 =	sld [smem:$0x3FFE];
	_ =	sdelay $0x1  }
0x8a: {  	s1 =	srdreg.scid  }
0x8b: {  	s0 =	sand.u32 $0x1, s1  }
0x8c: {  	s16 =	sshll.u32 s0, $0xA;
	s2 =	sadd.s32 s3, s2  }
0x8d: {  	s2 =	sadd.s32 s2, s16  }
0x8e: {  	[smem:$0x3FC4] =	sst s2  }
0x8f: {  	_ = 	snop  }
0x90: {  	(tm) =	ssettm $0x1  }
0x91: {  	s17 =	sld [smem:$0x3FFB];
	_ =	sdelay $0x3  }
0x92: {  	_ =	strace s17  }
0x93: {  	s2 =	sld [smem:$0x3FFC];
	_ =	sdelay $0x3  }
0x94: {  	_ =	strace s2  }
0x95: {  	s2 =	sld [smem:$0x3FFD];
	_ =	sdelay $0x3  }
0x96: {  	_ =	strace s2  }
0x97: {  	_ =	strace $0x8FFFFFFF  }
0x98: {  	s18 =	sld [smem:$0x3FDB];
	_ =	sdelay $0x1  }
0x99: {  	s19 =	simm.s32 $_scs_section_size  }
0x9a: {  	s4 =	simm.s32 $_size__tile_overlayer_lowered;
	s5 =	simm.s32 $_tile_overlayer_lowered  }
0x9b: {  	s22 =	simm.s32 $0x1BFF;
	s21 =	sshll.u32 s5, $0x1;
	s2 =	sadd.s32 s19, s18  }
0x9c: {  	s6 =	simm.s32 $0x0;
	s20 =	sshll.u32 s4, $0x1;
	s4 =	sadd.s32 s21, s2  }
0x9d: {  	[timem:s6], [sflag:s22] =	dma.local [hbm:s4], s20  }
0x9e: {  	_ =	swait.ge [sflag:s22], s20  }
0x9f: {  	s3 =	ssub.s32 $0x0, s20;
	[sflag:s22] =	ssyncset.done $0x0  }
0xa0: {  	[sflag:s22] =	ssyncadd.s32 s3;
	_ =	sdelay $0x1  }
0xa1: {  	s23 =	simm.s32 $0x1B8B  }
0xa2: {  	_ =	swait.ge [sflag:s23], $0x1  }
0xa3: {  	[sflag:s23] =	ssyncset.done $0x0  }
0xa4: {  	s25 =	simm.s32 $0x1B8E;
	s24 =	sld [smem:$0x3FFE];
	[sflag:s23] =	ssyncadd.s32 $0xFFFFFFFF  }
0xa5: {  	s26 =	simm.s32 $execute0_lowered;
	[smem:$0x3FD2] =	sst s25  }
0xa6: {  	s4 =	sshll.u32 s26, $0x1;
	_ =	strace $0x80000049;
	[dreg:$0x1] =	wrdreg $0xFFFFFFFF  }
0xa7: {  	s28 =	simm.s32 $_size_execute0_lowered;
	s2 =	sadd.s32 s2, s4;
	[dreg:$0x0] =	wrdreg $0x0  }
0xa8: {  	s4 =	sshll.u32 s28, $0x1;
	[dreg:$0x2] =	wrdreg s2  }
0xa9: {  	[dreg:$0x3] =	wrdreg s4  }
0xaa: {  	[dreg:$0x4] =	wrdreg $0xC0  }
0xab: {  	_ =	task [dreg:s6], $0x5FFFF  }
0xac: {  	[dreg:$0x1] =	wrdreg $0xFFFFFFFF  }
0xad: {  	[dreg:$0x0] =	wrdreg $0x60  }
0xae: {  	[dreg:$0x2] =	wrdreg s24  }
0xaf: {  	[dreg:$0x3] =	wrdreg $0xB7000  }
0xb0: {  	[dreg:$0x4] =	wrdreg $0x9  }
0xb1: {  	_ =	task.clear_ibuf [dreg:s6], $0x5FFFF;
	_ =	strace $0x90000049  }
0xb2: {  	s29 =	simm.s32 $0x9;
	_ =	strace $0x8000004B  }
0xb3: {  	_ =	swait.ge [sflag:s29], $0x1  }
0xb4: {  	[sflag:s29] =	ssyncadd.s32 $0xFFFFFFFF  }
0xb5: {  	_ =	strace $0x9000004B  }
0xb6: {  	_ =	sfence  }
0xb7: {  	s30 =	sld [smem:$0x0];
	_ =	sdelay $0x2  }
0xb8: {  	s31 =	sshll.u32 s1, $0xD;
	s1 =	sshrl.u32 s1, $0x2  }
0xb9: {  	s3 =	sand.u32 $0x4000, s31;
	s1 =	sadd.s32 s1, s30  }
0xba: {  	s0 =	sor.u32 s3, s0;
	s1 =	sshll.u32 s1, $0x11  }
0xbb: {  	s0 =	sor.u32 s1, s0  }
0xbc: {  	s0 =	sadd.s32 $0x8F2B, s0  }
0xbd: {  	[sflag:s0] =	ssyncadd.remote.s32 $0x1  }
0xbe: {  	_ =	sfence.sel $0xFFFF  }
0xbf: {  	[dreg:$0x0] =	wrdreg $0xFFFFFFFF;
	(pc) =	sbr.abs _section_cstart, $3  }
0xc0: {  	[dreg:$0x1] =	wrdreg $0xFFFFFFFF  }
0xc1: {  	_ =	task.clear_ibuf [dreg:s6], $0x2FFFF;
	_ =	strace $0x9FFFFFFF  }
0xc2: {  	(tm) =	ssettm $0x7FFFFFFF  }
0xc3: {  	_ =	shalt  }
tec
execute0_lowered:
.L_overlay_start_1:
0x0: {  	(tag) =	ssettag $0x1  }
0x1: {  	s0 =	srdreg.scid;
	s19 =	stileid.u32  }
0x2: {  	s3 =	rddreg [dreg:$0x0];
	s10 =	smul.u32 $0x4EC0, s19  }
0x3: {  	s2 =	sand.u32 $0x1, s0;
	s1 =	sadd.s32 $0x1C00, s3;
	s11 =	smul.u32 $0x13C00, s19  }
0x4: {  	s12 =	sadd.s32 $0x1BA800, s3;
	s0 =	ssub.s32 $0x2, s2;
	s13 =	smul.u32 $0x9D800, s2  }
0x5: {  	s14 =	smul.u32 $0x278000, s2;
	s2 =	sshllo.u32 s2, $0x1;
	s4 =	sshrl.u32 s0, $0x1  }
0x6: {  	s5 =	sadd.s32 $0x3C00, s11;
	s6 =	sadd.s32 $0x7800, s11;
	s7 =	sadd.s32 $0xB400, s11  }
0x7: {  	s8 =	sadd.s32 $0xF000, s11;
	s9 =	sadd.s32 $0x12C00, s11;
	s17 =	smul.u32 $0x13C000, s2  }
0x8: {  	s15 =	sshrl.u32 s10, $0x3;
	s2 =	smul.u32 $0x4EC00, s2;
	s4 =	ssub.s32 s0, s4  }
0x9: {  	s0 =	sadd.s32 s10, s13;
	s22 =	sadd.s32 s11, s14;
	s16 =	sadd.s32 s14, s5  }
0xa: {  	s24 =	sadd.s32 s14, s6;
	s26 =	sadd.s32 s14, s7;
	s18 =	sadd.s32 s14, s8  }
0xb: {  	s14 =	sadd.s32 s14, s9;
	s13 =	sshrl.u32 s22, $0x3;
	s23 =	sshrl.u32 s16, $0x3  }
0xc: {  	s25 =	sshrl.u32 s24, $0x3;
	s16 =	sshrl.u32 s26, $0x3;
	s20 =	sshrl.u32 s18, $0x3  }
0xd: {  	s14 =	sshrl.u32 s14, $0x3;
	s11 =	sadd.s32 s11, s17;
	s22 =	sadd.s32 s5, s17  }
0xe: {  	s2 =	sadd.s32 s10, s2;
	s4 =	smax.u32 s4, $0x1;
	s13 =	sadd.s32 s12, s13  }
0xf: {  	s21 =	sadd.s32 s12, s14;
	s11 =	sshrl.u32 s11, $0x3;
	s24 =	sshrl.u32 s22, $0x3  }
0x10: {  	s14 =	sadd.s32 s8, s17;
	s22 =	sadd.s32 $0x168, s10;
	[dreg:$0x3] =	wrdreg s13  }
0x11: {  	s13 =	sadd.s32 s12, s23;
	[dreg:$0x8] =	wrdreg s21;
	s23 =	sadd.s32 s6, s17  }
0x12: {  	s11 =	sadd.s32 s12, s11;
	s21 =	sadd.s32 $0x78, s10;
	[dreg:$0x4] =	wrdreg s13  }
0x13: {  	s10 =	sadd.s32 $0x4E48, s10;
	s13 =	sadd.s32 s12, s25;
	[dreg:$0x9] =	wrdreg s11  }
0x14: {  	s25 =	sshrl.u32 s23, $0x3;
	s11 =	sadd.s32 s12, s24;
	s23 =	sshrl.u32 s22, $0x3  }
0x15: {  	s24 =	smul.u32 $0x9D8, s19;
	s10 =	sshrl.u32 s10, $0x3;
	[dreg:$0x5] =	wrdreg s13  }
0x16: {  	s22 =	sadd.s32 $0x78, s2;
	s13 =	sadd.s32 s12, s16;
	[dreg:$0xa] =	wrdreg s11  }
0x17: {  	s26 =	sadd.s32 s12, s25;
	s16 =	sadd.s32 s9, s17;
	s10 =	sadd.s32 s1, s10  }
0x18: {  	s25 =	sshrl.u32 s0, $0x3;
	[dreg:$0x6] =	wrdreg s13;
	s13 =	sadd.s32 s12, s20  }
0x19: {  	[dreg:$0xb] =	wrdreg s26;
	s18 =	sshrl.u32 s16, $0x3;
	s16 =	simm.s32 $0x0  }
0x1a: {  	[dreg:$0x12] =	wrdreg s10;
	s10 =	sadd.s32 $0x5AA00, s3;
	s26 =	sadd.s32 $0x78, s0  }
0x1b: {  	[dreg:$0x7] =	wrdreg s13;
	s13 =	sadd.s32 s7, s17;
	s17 =	sshrl.u32 s14, $0x3  }
0x1c: {  	s20 =	sadd.s32 s12, s18;
	s18 =	sadd.s32 s24, s1;
	[smem:$0x7FF] =	sst s16  }
0x1d: {  	s14 =	sadd.s32 $0x168, s0;
	s24 =	sshrl.u32 s2, $0x3;
	s11 =	sshrl.u32 s13, $0x3  }
0x1e: {  	[dreg:$0xe] =	wrdreg s20;
	s13 =	sshrl.u32 s26, $0x3;
	s11 =	sadd.s32 s12, s11  }
0x1f: {  	s26 =	sadd.s32 $0x2D0, s0;
	[dreg:$0xc] =	wrdreg s11;
	s11 =	sadd.s32 s12, s17  }
0x20: {  	s12 =	sadd.s32 s10, s25;
	s17 =	sadd.s32 $0x4E48, s0;
	s25 =	sadd.s32 $0x168, s2  }
0x21: {  	s2 =	sadd.s32 $0x4E48, s2;
	[dreg:$0xd] =	wrdreg s11;
	s11 =	sshrl.u32 s21, $0x3  }
0x22: {  	s21 =	sadd.s32 s1, s15;
	s15 =	sshrl.u32 s14, $0x3;
	s20 =	sshrl.u32 s17, $0x3  }
0x23: {  	s2 =	sshrl.u32 s2, $0x3;
	s17 =	sadd.s32 $0x1E0, s0;
	s11 =	sadd.s32 s1, s11  }
0x24: {  	[dreg:$0x10] =	wrdreg s11;
	s11 =	sadd.s32 s1, s23;
	s1 =	sadd.s32 s10, s13  }
0x25: {  	s23 =	sshrl.u32 s22, $0x3;
	[dreg:$0x14] =	wrdreg s1;
	s1 =	sadd.s32 s10, s15  }
0x26: {  	s13 =	sadd.s32 s10, s24;
	[dreg:$0x15] =	wrdreg s1;
	s1 =	sadd.s32 s10, s20  }
0x27: {  	s22 =	sshrl.u32 s17, $0x3;
	[dreg:$0x16] =	wrdreg s1;
	s1 =	sadd.s32 s10, s23  }
0x28: {  	s24 =	sadd.s32 $0x4EE58, s0;
	[dreg:$0x18] =	wrdreg s1;
	s1 =	sshrl.u32 s25, $0x3  }
0x29: {  	[dreg:$0x11] =	wrdreg s11;
	s15 =	sadd.s32 $0x258, s0;
	s1 =	sadd.s32 s10, s1  }
0x2a: {  	s30 =	sadd.s32 s22, s10;
	[dreg:$0x19] =	wrdreg s1;
	s1 =	sadd.s32 s10, s2  }
0x2b: {  	s22 =	sadd.s32 $0x1E, s12;
	[dreg:$0x1a] =	wrdreg s1;
	s1 =	sshrl.u32 s15, $0x3  }
0x2c: {  	s20 =	sadd.s32 $0x4EED0, s0;
	s29 =	sadd.s32 s1, s10;
	s1 =	sshrl.u32 s24, $0x3  }
0x2d: {  	s25 =	sadd.s32 $0x4EDE0, s0;
	s0 =	sadd.s32 s1, s10;
	s1 =	rddreg [dreg:$0x1]  }
0x2e: {  	s23 =	sshrl.u32 s20, $0x3;
	_ =	strace $0x8000004A;
	[smem:$0x7F7] =	sst s4  }
0x2f: {  	s31 =	sadd.s32 s23, s10;
	s23 =	sadd.s32 $0x1E, s21;
	[smem:$0x7F8] =	sst s22  }
0x30: {  	s14 =	sshrl.u32 s26, $0x3;
	[smem:$0x7F9] =	sst s23  }
0x31: {  	s26 =	smul.u32 $0x4F000, s19;
	s24 =	sadd.s32 $0x9BA, s12;
	[dreg:$0x13] =	wrdreg s12  }
0x32: {  	s2 =	sshrl.u32 s25, $0x3;
	s25 =	sadd.s32 $0x1E, s13;
	[smem:$0x7FA] =	sst s24  }
0x33: {  	s28 =	sadd.s32 s14, s10;
	[smem:$0x7FB] =	sst s25  }
0x34: {  	s14 =	sshrl.u32 s26, $0x2;
	s26 =	sadd.s32 $0x9BA, s13;
	[dreg:$0x17] =	wrdreg s13  }
0x35: {  	s3 =	sadd.s32 $0x82000, s3;
	s11 =	simm.s32 $0x80;
	[smem:$0x7FC] =	sst s26  }
0x36: {  	s2 =	sadd.s32 s2, s10;
	[dreg:$0xf] =	wrdreg s21;
	s10 =	sadd.s32 s14, s1  }
0x37: {  	s25 =	simm.s32 $0x300;
	s5 =	sadd.s32 s5, s1;
	[dreg:$0x1b] =	wrdreg s10  }
0x38: {  	s26 =	simm.s32 $0x2;
	s15 =	sadd.s32 s6, s1;
	[dreg:$0x1c] =	wrdreg s5  }
0x39: {  	s22 =	simm.s32 $0x1;
	s17 =	sadd.s32 s7, s1;
	[dreg:$0x1d] =	wrdreg s15  }
0x3a: {  	s24 =	simm.s32 $0x3F00;
	s19 =	sadd.s32 s8, s1;
	[dreg:$0x1e] =	wrdreg s17  }
0x3b: {  	s23 =	simm.s32 $0x100;
	s20 =	sadd.s32 s9, s1;
	[dreg:$0x1f] =	wrdreg s19  }
0x3c: {  	s9 =	sadd.s32 $0x9BA, s21;
	s14 =	simm.s32 $0x280;
	[smem:$0x7F6] =	sst s20  }
0x3d: {  	s19 =	simm.s32 $0x180;
	s10 =	simm.s32 $0x78;
	s20 =	simm.s32 $0x200  }
0x3e: {  	v0 =	vimm.f32 $0.0e+00;
	s15 =	simm.s32 $0x7B00;
	s17 =	simm.s32 $0x0;
	[smem:$0x7FD] =	sst s9  }
.LBB2_1:
0x3f: {  	s4 =	simm.s32 $0x0;
	s5 =	simm.s32 $0x200  }
.LBB2_2:
0x40: {  	p0 =	sne.s32 s5, $0xEE00;
	[tilespmem:s4+$0x370] =	vst v0  }
0x41: {  	[tilespmem:s4+$0x300] =	vst v0  }
0x42: {  	[tilespmem:s4+$0x310] =	vst v0  }
.Ltmp0:
0x43: {  	[tilespmem:s4+$0x320] =	vst v0;
	(pc) =	sbr.rel @p0 .LBB2_2-.Ltmp0, $4  }
0x44: {  	[tilespmem:s4+$0x330] =	vst v0  }
0x45: {  	[tilespmem:s4+$0x340] =	vst v0  }
0x46: {  	[tilespmem:s4+$0x350] =	vst v0  }
0x47: {  	[tilespmem:s4+$0x360] =	vst v0;
	s4 =	sshra.s32 s5, $0x2;
	s5 =	sadd.s32 $0x200, s5  }
0x48: {  	[tilespmem:s4+$0x370] =	vst v0  }
0x49: {  	[tilespmem:s4+$0x300] =	vst v0  }
0x4a: {  	[tilespmem:s4+$0x310] =	vst v0  }
0x4b: {  	[tilespmem:s4+$0x320] =	vst v0  }
0x4c: {  	[tilespmem:s4+$0x330] =	vst v0  }
0x4d: {  	[tilespmem:s4+$0x340] =	vst v0  }
0x4e: {  	[tilespmem:s4+$0x350] =	vst v0  }
0x4f: {  	[tilespmem:s4+$0x360] =	vst v0;
	s12 =	rddreg [dreg:$0x1b]  }
0x50: {  	[spmem:s12] =	stream.linear.scatter [tilespmem:s25], [sflag:$0x2], $0x3C00, $0x38;
	[tilespmem:$0x1F300] =	vst v63  }
0x51: {  	_ =	swait.ge [sflag:s26], $0x3C00  }
0x52: {  	[sflag:s26] =	ssyncset.done $0x0  }
0x53: {  	s8 =	rddreg [dreg:$0x1c];
	[sflag:s26] =	ssyncadd.s32 $0xFFFFC400  }
0x54: {  	[spmem:s8] =	stream.linear.scatter [tilespmem:s25], [sflag:$0x2], $0x3C00, $0x38;
	[tilespmem:$0x1F300] =	vst v63  }
0x55: {  	_ =	swait.ge [sflag:s26], $0x3C00  }
0x56: {  	[sflag:s26] =	ssyncset.done $0x0  }
0x57: {  	s13 =	rddreg [dreg:$0x1d];
	[sflag:s26] =	ssyncadd.s32 $0xFFFFC400  }
0x58: {  	[spmem:s13] =	stream.linear.scatter [tilespmem:s25], [sflag:$0x2], $0x3C00, $0x38;
	[tilespmem:$0x1F300] =	vst v63  }
0x59: {  	_ =	swait.ge [sflag:s26], $0x3C00  }
0x5a: {  	[sflag:s26] =	ssyncset.done $0x0  }
0x5b: {  	s5 =	rddreg [dreg:$0x1e];
	[sflag:s26] =	ssyncadd.s32 $0xFFFFC400  }
0x5c: {  	[spmem:s5] =	stream.linear.scatter [tilespmem:s25], [sflag:$0x2], $0x3C00, $0x38;
	[tilespmem:$0x1F300] =	vst v63  }
0x5d: {  	_ =	swait.ge [sflag:s26], $0x3C00  }
0x5e: {  	[sflag:s26] =	ssyncset.done $0x0  }
0x5f: {  	s6 =	rddreg [dreg:$0x1f];
	[sflag:s26] =	ssyncadd.s32 $0xFFFFC400  }
0x60: {  	[spmem:s6] =	stream.linear.scatter [tilespmem:s25], [sflag:$0x2], $0x3C00, $0x38;
	[tilespmem:$0x1F300] =	vst v63  }
0x61: {  	_ =	swait.ge [sflag:s26], $0x3C00  }
0x62: {  	s7 =	sld [smem:$0x7F6]  }
0x63: {  	[sflag:s26] =	ssyncset.done $0x0  }
0x64: {  	[sflag:s26] =	ssyncadd.s32 $0xFFFFC400  }
0x65: {  	[spmem:s7] =	stream.linear.scatter [tilespmem:s25], [sflag:$0x2], $0x1000, $0x38;
	[tilespmem:$0x1F300] =	vst v63  }
0x66: {  	_ =	swait.ge [sflag:s26], $0x1000  }
0x67: {  	[sflag:s26] =	ssyncset.done $0x0  }
0x68: {  	[sflag:s26] =	ssyncadd.s32 $0xFFFFF000  }
0x69: {  	[bflag:$0x0] =	sbarrier.arrive $0xFFFF  }
0x6a: {  	s4 =	simm.s32 $0x0;
	s5 =	rddreg [dreg:$0x13]  }
0x6b: {  	[tilespmem:s4], [sflag:$0x2] =	stream.linear.gather [hbm4b:s5+s4], $0x78, $0x38;
	[tilespmem:$0x1F300] =	vst v63  }
0x6c: {  	_ =	swait.ge [sflag:s26], $0x78  }
0x6d: {  	[sflag:s26] =	ssyncset.done $0x0  }
0x6e: {  	[sflag:s26] =	ssyncadd.s32 $0xFFFFFF88  }
0x6f: {  	[tilespmem:s19], [sflag:$0x2] =	stream.linear.gather [hbm4b:s21+s4], $0x78, $0x38;
	[tilespmem:$0x1F300] =	vst v63  }
0x70: {  	_ =	swait.ge [sflag:s26], $0x78  }
0x71: {  	[sflag:s26] =	ssyncset.done $0x0  }
0x72: {  	[sflag:s26] =	ssyncadd.s32 $0xFFFFFF88  }
0x73: {  	[tilespmem:s25], [sflag:$0x1] =	stream.indirect.gather [hbm4b:s3+s10], $0x80, s4, s10, $0xb8;
	[tilespmem:$0x1F300] =	vst v63  }
0x74: {  	s8 =	rddreg [dreg:$0x14]  }
0x75: {  	[tilespmem:s11], [sflag:$0x2] =	stream.linear.gather [hbm4b:s8+s4], $0x78, $0x38;
	[tilespmem:$0x1F300] =	vst v63  }
0x76: {  	_ =	swait.ge [sflag:s26], $0x78  }
0x77: {  	[sflag:s26] =	ssyncset.done $0x0  }
0x78: {  	s13 =	rddreg [dreg:$0x10];
	[sflag:s26] =	ssyncadd.s32 $0xFFFFFF88  }
0x79: {  	[tilespmem:s20], [sflag:$0x2] =	stream.linear.gather [hbm4b:s13+s4], $0x78, $0x38;
	[tilespmem:$0x1F300] =	vst v63  }
0x7a: {  	_ =	swait.ge [sflag:s26], $0x78  }
0x7b: {  	[sflag:s26] =	ssyncset.done $0x0  }
0x7c: {  	[sflag:s26] =	ssyncadd.s32 $0xFFFFFF88  }
0x7d: {  	_ =	swait.ge [sflag:s22], $0x3C00  }
0x7e: {  	[sflag:s22] =	ssyncset.done $0x0  }
0x7f: {  	[sflag:s22] =	ssyncadd.s32 $0xFFFFC400  }
0x80: {  	[tilespmem:s24], [sflag:$0x1] =	stream.indirect.gather [hbm4b:s3+s10], $0x80, s11, s10, $0xb8;
	[tilespmem:$0x1F300] =	vst v63  }
0x81: {  	_ = 	snop  }
0x82: {  	[spmem:s1] =	stream.indirect.scatter.add.f32 [tilespmem:s25], [sflag:$0x2], $0x80, s19, s10, $0xb8;
	[tilespmem:$0x1F300] =	vst v63  }
0x83: {  	_ =	swait.ge [sflag:s26], $0x3C00  }
0x84: {  	s6 =	sld [smem:$0x7F8]  }
0x85: {  	[sflag:s26] =	ssyncset.done $0x0  }
0x86: {  	[sflag:s26] =	ssyncadd.s32 $0xFFFFC400  }
0x87: {  	[tilespmem:s23], [sflag:$0x2] =	stream.linear.gather [hbm4b:s6+s4], $0x78, $0x38;
	[tilespmem:$0x1F300] =	vst v63  }
0x88: {  	_ =	swait.ge [sflag:s26], $0x78  }
0x89: {  	s7 =	sld [smem:$0x7F9]  }
0x8a: {  	[sflag:s26] =	ssyncset.done $0x0  }
0x8b: {  	[sflag:s26] =	ssyncadd.s32 $0xFFFFFF88  }
0x8c: {  	[tilespmem:s14], [sflag:$0x2] =	stream.linear.gather [hbm4b:s7+s4], $0x78, $0x38;
	[tilespmem:$0x1F300] =	vst v63  }
0x8d: {  	_ =	swait.ge [sflag:s26], $0x78  }
0x8e: {  	[sflag:s26] =	ssyncset.done $0x0  }
0x8f: {  	[sflag:s26] =	ssyncadd.s32 $0xFFFFFF88  }
0x90: {  	_ =	swait.ge [sflag:s22], $0x3C00  }
0x91: {  	[sflag:s22] =	ssyncset.done $0x0  }
0x92: {  	[sflag:s22] =	ssyncadd.s32 $0xFFFFC400  }
0x93: {  	[tilespmem:s15], [sflag:$0x1] =	stream.indirect.gather [hbm4b:s3+s10], $0x80, s23, s10, $0xb8;
	[tilespmem:$0x1F300] =	vst v63  }
0x94: {  	_ = 	snop  }
0x95: {  	[spmem:s1] =	stream.indirect.scatter.add.f32 [tilespmem:s24], [sflag:$0x2], $0x80, s20, s10, $0xb8;
	[tilespmem:$0x1F300] =	vst v63  }
0x96: {  	_ =	swait.ge [sflag:s26], $0x3C00  }
0x97: {  	[sflag:s26] =	ssyncset.done $0x0  }
0x98: {  	s8 =	rddreg [dreg:$0x15];
	[sflag:s26] =	ssyncadd.s32 $0xFFFFC400  }
0x99: {  	[tilespmem:s4], [sflag:$0x2] =	stream.linear.gather [hbm4b:s8+s4], $0x78, $0x38;
	[tilespmem:$0x1F300] =	vst v63  }
0x9a: {  	_ =	swait.ge [sflag:s26], $0x78  }
0x9b: {  	[sflag:s26] =	ssyncset.done $0x0  }
0x9c: {  	s13 =	rddreg [dreg:$0x11];
	[sflag:s26] =	ssyncadd.s32 $0xFFFFFF88  }
0x9d: {  	[tilespmem:s19], [sflag:$0x2] =	stream.linear.gather [hbm4b:s13+s4], $0x78, $0x38;
	[tilespmem:$0x1F300] =	vst v63  }
0x9e: {  	_ =	swait.ge [sflag:s26], $0x78  }
0x9f: {  	[sflag:s26] =	ssyncset.done $0x0  }
0xa0: {  	[sflag:s26] =	ssyncadd.s32 $0xFFFFFF88  }
0xa1: {  	_ =	swait.ge [sflag:s22], $0x3C00  }
0xa2: {  	[sflag:s22] =	ssyncset.done $0x0  }
0xa3: {  	[sflag:s22] =	ssyncadd.s32 $0xFFFFC400  }
0xa4: {  	[tilespmem:s25], [sflag:$0x1] =	stream.indirect.gather [hbm4b:s3+s10], $0x80, s4, s10, $0xb8;
	[tilespmem:$0x1F300] =	vst v63  }
0xa5: {  	_ = 	snop  }
0xa6: {  	[spmem:s1] =	stream.indirect.scatter.add.f32 [tilespmem:s15], [sflag:$0x2], $0x80, s14, s10, $0xb8;
	[tilespmem:$0x1F300] =	vst v63  }
0xa7: {  	_ =	swait.ge [sflag:s26], $0x3C00  }
0xa8: {  	[sflag:s26] =	ssyncset.done $0x0  }
0xa9: {  	s5 =	sadd.s32 $0x0, s30;
	[sflag:s26] =	ssyncadd.s32 $0xFFFFC400  }
0xaa: {  	[tilespmem:s11], [sflag:$0x2] =	stream.linear.gather [hbm4b:s5+s16], $0x78, $0x38;
	[tilespmem:$0x1F300] =	vst v63  }
0xab: {  	_ =	swait.ge [sflag:s26], $0x78  }
0xac: {  	s4 =	sadd.s32 $0x0, s18;
	[sflag:s26] =	ssyncset.done $0x0  }
0xad: {  	s6 =	sadd.s32 $0x3C, s4;
	[sflag:s26] =	ssyncadd.s32 $0xFFFFFF88  }
0xae: {  	[tilespmem:s20], [sflag:$0x2] =	stream.linear.gather [hbm4b:s6+s16], $0x78, $0x38;
	[tilespmem:$0x1F300] =	vst v63  }
0xaf: {  	_ =	swait.ge [sflag:s26], $0x78  }
0xb0: {  	[sflag:s26] =	ssyncset.done $0x0  }
0xb1: {  	[sflag:s26] =	ssyncadd.s32 $0xFFFFFF88  }
0xb2: {  	_ =	swait.ge [sflag:s22], $0x3C00  }
0xb3: {  	[sflag:s22] =	ssyncset.done $0x0  }
0xb4: {  	[sflag:s22] =	ssyncadd.s32 $0xFFFFC400  }
0xb5: {  	[tilespmem:s24], [sflag:$0x1] =	stream.indirect.gather [hbm4b:s3+s10], $0x80, s11, s10, $0xb8;
	[tilespmem:$0x1F300] =	vst v63  }
0xb6: {  	_ = 	snop  }
0xb7: {  	[spmem:s1] =	stream.indirect.scatter.add.f32 [tilespmem:s25], [sflag:$0x2], $0x80, s19, s10, $0xb8;
	[tilespmem:$0x1F300] =	vst v63  }
0xb8: {  	_ =	swait.ge [sflag:s26], $0x3C00  }
0xb9: {  	[sflag:s26] =	ssyncset.done $0x0  }
0xba: {  	s7 =	sadd.s32 $0x0, s29;
	[sflag:s26] =	ssyncadd.s32 $0xFFFFC400  }
0xbb: {  	[tilespmem:s23], [sflag:$0x2] =	stream.linear.gather [hbm4b:s7+s16], $0x78, $0x38;
	[tilespmem:$0x1F300] =	vst v63  }
0xbc: {  	_ =	swait.ge [sflag:s26], $0x78  }
0xbd: {  	[sflag:s26] =	ssyncset.done $0x0  }
0xbe: {  	s8 =	sadd.s32 $0x4B, s4;
	[sflag:s26] =	ssyncadd.s32 $0xFFFFFF88  }
0xbf: {  	[tilespmem:s14], [sflag:$0x2] =	stream.linear.gather [hbm4b:s8+s16], $0x78, $0x38;
	[tilespmem:$0x1F300] =	vst v63  }
0xc0: {  	_ =	swait.ge [sflag:s26], $0x78  }
0xc1: {  	[sflag:s26] =	ssyncset.done $0x0  }
0xc2: {  	[sflag:s26] =	ssyncadd.s32 $0xFFFFFF88  }
0xc3: {  	_ =	swait.ge [sflag:s22], $0x3C00  }
0xc4: {  	[sflag:s22] =	ssyncset.done $0x0  }
0xc5: {  	[sflag:s22] =	ssyncadd.s32 $0xFFFFC400  }
0xc6: {  	[tilespmem:s15], [sflag:$0x1] =	stream.indirect.gather [hbm4b:s3+s10], $0x80, s23, s10, $0xb8;
	[tilespmem:$0x1F300] =	vst v63  }
0xc7: {  	_ = 	snop  }
0xc8: {  	[spmem:s1] =	stream.indirect.scatter.add.f32 [tilespmem:s24], [sflag:$0x2], $0x80, s20, s10, $0xb8;
	[tilespmem:$0x1F300] =	vst v63  }
0xc9: {  	_ =	swait.ge [sflag:s26], $0x3C00  }
0xca: {  	[sflag:s26] =	ssyncset.done $0x0  }
0xcb: {  	s13 =	sadd.s32 $0x0, s28;
	[sflag:s26] =	ssyncadd.s32 $0xFFFFC400  }
0xcc: {  	[tilespmem:s16], [sflag:$0x2] =	stream.linear.gather [hbm4b:s13+s16], $0x78, $0x38;
	[tilespmem:$0x1F300] =	vst v63  }
0xcd: {  	_ =	swait.ge [sflag:s26], $0x78  }
0xce: {  	[sflag:s26] =	ssyncset.done $0x0  }
0xcf: {  	s4 =	sadd.s32 $0x5A, s4;
	[sflag:s26] =	ssyncadd.s32 $0xFFFFFF88  }
0xd0: {  	[tilespmem:s19], [sflag:$0x2] =	stream.linear.gather [hbm4b:s4+s16], $0x78, $0x38;
	[tilespmem:$0x1F300] =	vst v63  }
0xd1: {  	_ =	swait.ge [sflag:s26], $0x78  }
0xd2: {  	[sflag:s26] =	ssyncset.done $0x0  }
0xd3: {  	[sflag:s26] =	ssyncadd.s32 $0xFFFFFF88  }
0xd4: {  	_ =	swait.ge [sflag:s22], $0x3C00  }
0xd5: {  	[sflag:s22] =	ssyncset.done $0x0  }
0xd6: {  	[sflag:s22] =	ssyncadd.s32 $0xFFFFC400  }
0xd7: {  	[tilespmem:s25], [sflag:$0x1] =	stream.indirect.gather [hbm4b:s3+s10], $0x80, s16, s10, $0xb8;
	[tilespmem:$0x1F300] =	vst v63  }
0xd8: {  	_ = 	snop  }
0xd9: {  	[spmem:s1] =	stream.indirect.scatter.add.f32 [tilespmem:s15], [sflag:$0x2], $0x80, s14, s10, $0xb8;
	[tilespmem:$0x1F300] =	vst v63  }
0xda: {  	_ =	swait.ge [sflag:s26], $0x3C00  }
0xdb: {  	s4 =	simm.s32 $0x2D;
	[sflag:s26] =	ssyncset.done $0x0  }
.LBB2_4:
0xdc: {  	p0 =	sne.s32 s4, $0x951  }
0xdd: {  	[sflag:s26] =	ssyncadd.s32 $0xFFFFC400;
	s5 =	smov.u32 s4;
	s4 =	sadd.s32 $0x2D, s4  }
0xde: {  	s6 =	sadd.s32 s5, s30  }
0xdf: {  	[tilespmem:s11], [sflag:$0x2] =	stream.linear.gather [hbm4b:s6+s16], $0x78, $0x38;
	[tilespmem:$0x1F300] =	vst v63  }
0xe0: {  	_ =	swait.ge [sflag:s26], $0x78  }
0xe1: {  	s6 =	sadd.s32 s5, s18;
	[sflag:s26] =	ssyncset.done $0x0  }
0xe2: {  	s7 =	sadd.s32 $0x3C, s6;
	[sflag:s26] =	ssyncadd.s32 $0xFFFFFF88  }
0xe3: {  	[tilespmem:s20], [sflag:$0x2] =	stream.linear.gather [hbm4b:s7+s16], $0x78, $0x38;
	[tilespmem:$0x1F300] =	vst v63  }
0xe4: {  	_ =	swait.ge [sflag:s26], $0x78  }
0xe5: {  	[sflag:s26] =	ssyncset.done $0x0  }
0xe6: {  	[sflag:s26] =	ssyncadd.s32 $0xFFFFFF88  }
0xe7: {  	_ =	swait.ge [sflag:s22], $0x3C00  }
0xe8: {  	[sflag:s22] =	ssyncset.done $0x0  }
0xe9: {  	[sflag:s22] =	ssyncadd.s32 $0xFFFFC400  }
0xea: {  	[tilespmem:s24], [sflag:$0x1] =	stream.indirect.gather [hbm4b:s3+s10], $0x80, s11, s10, $0xb8;
	[tilespmem:$0x1F300] =	vst v63  }
0xeb: {  	_ = 	snop  }
0xec: {  	[spmem:s1] =	stream.indirect.scatter.add.f32 [tilespmem:s25], [sflag:$0x2], $0x80, s19, s10, $0xb8;
	[tilespmem:$0x1F300] =	vst v63  }
0xed: {  	_ =	swait.ge [sflag:s26], $0x3C00  }
0xee: {  	[sflag:s26] =	ssyncset.done $0x0  }
0xef: {  	s7 =	sadd.s32 s5, s29;
	[sflag:s26] =	ssyncadd.s32 $0xFFFFC400  }
0xf0: {  	[tilespmem:s23], [sflag:$0x2] =	stream.linear.gather [hbm4b:s7+s16], $0x78, $0x38;
	[tilespmem:$0x1F300] =	vst v63  }
0xf1: {  	_ =	swait.ge [sflag:s26], $0x78  }
0xf2: {  	[sflag:s26] =	ssyncset.done $0x0  }
0xf3: {  	s7 =	sadd.s32 $0x4B, s6;
	[sflag:s26] =	ssyncadd.s32 $0xFFFFFF88  }
0xf4: {  	[tilespmem:s14], [sflag:$0x2] =	stream.linear.gather [hbm4b:s7+s16], $0x78, $0x38;
	[tilespmem:$0x1F300] =	vst v63  }
0xf5: {  	_ =	swait.ge [sflag:s26], $0x78  }
0xf6: {  	[sflag:s26] =	ssyncset.done $0x0  }
0xf7: {  	[sflag:s26] =	ssyncadd.s32 $0xFFFFFF88  }
0xf8: {  	_ =	swait.ge [sflag:s22], $0x3C00  }
0xf9: {  	[sflag:s22] =	ssyncset.done $0x0  }
0xfa: {  	[sflag:s22] =	ssyncadd.s32 $0xFFFFC400  }
0xfb: {  	[tilespmem:s15], [sflag:$0x1] =	stream.indirect.gather [hbm4b:s3+s10], $0x80, s23, s10, $0xb8;
	[tilespmem:$0x1F300] =	vst v63  }
0xfc: {  	_ = 	snop  }
0xfd: {  	[spmem:s1] =	stream.indirect.scatter.add.f32 [tilespmem:s24], [sflag:$0x2], $0x80, s20, s10, $0xb8;
	[tilespmem:$0x1F300] =	vst v63  }
0xfe: {  	_ =	swait.ge [sflag:s26], $0x3C00  }
0xff: {  	[sflag:s26] =	ssyncset.done $0x0  }
0x100: {  	s5 =	sadd.s32 s5, s28;
	[sflag:s26] =	ssyncadd.s32 $0xFFFFC400  }
0x101: {  	[tilespmem:s16], [sflag:$0x2] =	stream.linear.gather [hbm4b:s5+s16], $0x78, $0x38;
	[tilespmem:$0x1F300] =	vst v63  }
0x102: {  	_ =	swait.ge [sflag:s26], $0x78  }
0x103: {  	[sflag:s26] =	ssyncset.done $0x0  }
0x104: {  	s5 =	sadd.s32 $0x5A, s6;
	[sflag:s26] =	ssyncadd.s32 $0xFFFFFF88  }
0x105: {  	[tilespmem:s19], [sflag:$0x2] =	stream.linear.gather [hbm4b:s5+s16], $0x78, $0x38;
	[tilespmem:$0x1F300] =	vst v63  }
0x106: {  	_ =	swait.ge [sflag:s26], $0x78  }
0x107: {  	[sflag:s26] =	ssyncset.done $0x0  }
0x108: {  	[sflag:s26] =	ssyncadd.s32 $0xFFFFFF88  }
0x109: {  	_ =	swait.ge [sflag:s22], $0x3C00  }
0x10a: {  	[sflag:s22] =	ssyncset.done $0x0  }
0x10b: {  	[sflag:s22] =	ssyncadd.s32 $0xFFFFC400  }
0x10c: {  	[tilespmem:s25], [sflag:$0x1] =	stream.indirect.gather [hbm4b:s3+s10], $0x80, s16, s10, $0xb8;
	[tilespmem:$0x1F300] =	vst v63  }
.Ltmp1:
0x10d: {  	_ = 	snop;
	(pc) =	sbr.rel @p0 .LBB2_4-.Ltmp1, $4  }
0x10e: {  	_ = 	snop  }
0x10f: {  	[spmem:s1] =	stream.indirect.scatter.add.f32 [tilespmem:s15], [sflag:$0x2], $0x80, s14, s10, $0xb8;
	[tilespmem:$0x1F300] =	vst v63  }
0x110: {  	_ =	swait.ge [sflag:s26], $0x3C00  }
0x111: {  	[sflag:s26] =	ssyncset.done $0x0  }
0x112: {  	s5 =	sld [smem:$0x7FA];
	_ =	sdelay $0x1  }
0x113: {  	[sflag:s26] =	ssyncadd.s32 $0xFFFFC400;
	s4 =	simm.s32 $0x0  }
0x114: {  	[tilespmem:s11], [sflag:$0x2] =	stream.linear.gather [hbm4b:s5+s4], $0x78, $0x38;
	[tilespmem:$0x1F300] =	vst v63  }
0x115: {  	_ =	swait.ge [sflag:s26], $0x78  }
0x116: {  	[sflag:s26] =	ssyncset.done $0x0  }
0x117: {  	[sflag:s26] =	ssyncadd.s32 $0xFFFFFF88  }
0x118: {  	[tilespmem:s20], [sflag:$0x2] =	stream.linear.gather [hbm4b:s9+s4], $0x78, $0x38;
	[tilespmem:$0x1F300] =	vst v63  }
0x119: {  	_ =	swait.ge [sflag:s26], $0x78  }
0x11a: {  	[sflag:s26] =	ssyncset.done $0x0  }
0x11b: {  	[sflag:s26] =	ssyncadd.s32 $0xFFFFFF88  }
0x11c: {  	_ =	swait.ge [sflag:s22], $0x3C00  }
0x11d: {  	[sflag:s22] =	ssyncset.done $0x0  }
0x11e: {  	[sflag:s22] =	ssyncadd.s32 $0xFFFFC400  }
0x11f: {  	[tilespmem:s24], [sflag:$0x1] =	stream.indirect.gather [hbm4b:s3+s10], $0x80, s11, s10, $0xb8;
	[tilespmem:$0x1F300] =	vst v63  }
0x120: {  	_ = 	snop  }
0x121: {  	[spmem:s1] =	stream.indirect.scatter.add.f32 [tilespmem:s25], [sflag:$0x2], $0x80, s19, s10, $0xb8;
	[tilespmem:$0x1F300] =	vst v63  }
0x122: {  	_ =	swait.ge [sflag:s26], $0x3C00  }
0x123: {  	[sflag:s26] =	ssyncset.done $0x0  }
0x124: {  	s8 =	rddreg [dreg:$0x16];
	[sflag:s26] =	ssyncadd.s32 $0xFFFFC400  }
0x125: {  	[tilespmem:s23], [sflag:$0x2] =	stream.linear.gather [hbm4b:s8+s4], $0x78, $0x38;
	[tilespmem:$0x1F300] =	vst v63  }
0x126: {  	_ =	swait.ge [sflag:s26], $0x78  }
0x127: {  	[sflag:s26] =	ssyncset.done $0x0  }
0x128: {  	s9 =	rddreg [dreg:$0x12];
	[sflag:s26] =	ssyncadd.s32 $0xFFFFFF88  }
0x129: {  	[tilespmem:s14], [sflag:$0x2] =	stream.linear.gather [hbm4b:s9+s4], $0x78, $0x38;
	[tilespmem:$0x1F300] =	vst v63  }
0x12a: {  	_ =	swait.ge [sflag:s26], $0x78  }
0x12b: {  	[sflag:s26] =	ssyncset.done $0x0  }
0x12c: {  	[sflag:s26] =	ssyncadd.s32 $0xFFFFFF88  }
0x12d: {  	_ =	swait.ge [sflag:s22], $0x3C00  }
0x12e: {  	[sflag:s22] =	ssyncset.done $0x0  }
0x12f: {  	[sflag:s22] =	ssyncadd.s32 $0xFFFFC400  }
0x130: {  	[tilespmem:s15], [sflag:$0x1] =	stream.indirect.gather [hbm4b:s3+s10], $0x80, s23, s10, $0xb8;
	[tilespmem:$0x1F300] =	vst v63  }
0x131: {  	_ = 	snop  }
0x132: {  	[spmem:s1] =	stream.indirect.scatter.add.f32 [tilespmem:s24], [sflag:$0x2], $0x80, s20, s10, $0xb8;
	[tilespmem:$0x1F300] =	vst v63  }
0x133: {  	_ =	swait.ge [sflag:s26], $0x3C00  }
0x134: {  	[sflag:s26] =	ssyncset.done $0x0  }
0x135: {  	[sflag:s26] =	ssyncadd.s32 $0xFFFFC400  }
0x136: {  	_ =	swait.ge [sflag:s22], $0x3C00  }
0x137: {  	[sflag:s22] =	ssyncset.done $0x0  }
0x138: {  	[sflag:s22] =	ssyncadd.s32 $0xFFFFC400  }
0x139: {  	[spmem:s1] =	stream.indirect.scatter.add.f32 [tilespmem:s15], [sflag:$0x2], $0x80, s14, s10, $0xb8;
	[tilespmem:$0x1F300] =	vst v63  }
0x13a: {  	_ =	swait.ge [sflag:s26], $0x3C00  }
0x13b: {  	[sflag:s26] =	ssyncset.done $0x0  }
0x13c: {  	s13 =	stileid.u32;
	[sflag:s26] =	ssyncadd.s32 $0xFFFFC400  }
0x13d: {  	s4 =	sshll.u32 s13, $0x6;
	[bflag:$0x0] =	sbarrier.arrive $0xFFFF  }
0x13e: {  	s13 =	sor.u32 $0x1C02, s4;
	s4 =	sshrl.u32 s12, $0x3;
	s6 =	rddreg [dreg:$0x3]  }
0x13f: {  	[smem:$0x7F4] =	sst s4  }
0x140: {  	[hbm:s6], [sflag:s13] =	dma.local [spmem:s4], $0x780  }
0x141: {  	_ =	swait.ge [sflag:s26], $0x780  }
0x142: {  	s7 =	rddreg [dreg:$0x1c]  }
0x143: {  	[sflag:s26] =	ssyncset.done $0x0;
	s9 =	rddreg [dreg:$0x4];
	s8 =	sshrl.u32 s7, $0x3  }
0x144: {  	[sflag:s26] =	ssyncadd.s32 $0xFFFFF880;
	[smem:$0x7F5] =	sst s8  }
0x145: {  	[hbm:s9], [sflag:s13] =	dma.local [spmem:s8], $0x780  }
0x146: {  	_ =	swait.ge [sflag:s26], $0x780  }
0x147: {  	[sflag:s26] =	ssyncset.done $0x0;
	s5 =	rddreg [dreg:$0x1d]  }
0x148: {  	s6 =	rddreg [dreg:$0x5];
	[sflag:s26] =	ssyncadd.s32 $0xFFFFF880;
	s4 =	sshrl.u32 s5, $0x3  }
0x149: {  	[hbm:s6], [sflag:s13] =	dma.local [spmem:s4], $0x780  }
0x14a: {  	_ =	swait.ge [sflag:s26], $0x780  }
0x14b: {  	[sflag:s26] =	ssyncset.done $0x0;
	s7 =	rddreg [dreg:$0x1e]  }
0x14c: {  	s6 =	rddreg [dreg:$0x6];
	[sflag:s26] =	ssyncadd.s32 $0xFFFFF880;
	s5 =	sshrl.u32 s7, $0x3  }
0x14d: {  	[hbm:s6], [sflag:s13] =	dma.local [spmem:s5], $0x780  }
0x14e: {  	_ =	swait.ge [sflag:s26], $0x780  }
0x14f: {  	[sflag:s26] =	ssyncset.done $0x0;
	s8 =	rddreg [dreg:$0x1f]  }
0x150: {  	s7 =	rddreg [dreg:$0x7];
	[sflag:s26] =	ssyncadd.s32 $0xFFFFF880;
	s6 =	sshrl.u32 s8, $0x3  }
0x151: {  	[hbm:s7], [sflag:s13] =	dma.local [spmem:s6], $0x780  }
0x152: {  	_ =	swait.ge [sflag:s26], $0x780  }
0x153: {  	s9 =	sld [smem:$0x7F6];
	_ =	sdelay $0x1  }
0x154: {  	[sflag:s26] =	ssyncset.done $0x0  }
0x155: {  	s8 =	rddreg [dreg:$0x8];
	[sflag:s26] =	ssyncadd.s32 $0xFFFFF880;
	s7 =	sshrl.u32 s9, $0x3  }
0x156: {  	[hbm:s8], [sflag:s13] =	dma.local [spmem:s7], $0x200  }
0x157: {  	_ =	swait.ge [sflag:s26], $0x200  }
0x158: {  	[sflag:s26] =	ssyncset.done $0x0  }
0x159: {  	[sflag:s26] =	ssyncadd.s32 $0xFFFFFE00  }
0x15a: {  	s9 =	simm.s32 $0x200;
	s8 =	simm.s32 $0x0;
	[bflag:$0x0] =	sbarrier.arrive $0xFFFF  }
.LBB2_6:
0x15b: {  	p0 =	sne.s32 s9, $0xEE00;
	[tilespmem:s8+$0x370] =	vst v0  }
0x15c: {  	[tilespmem:s8+$0x300] =	vst v0  }
0x15d: {  	[tilespmem:s8+$0x310] =	vst v0  }
.Ltmp2:
0x15e: {  	[tilespmem:s8+$0x320] =	vst v0;
	(pc) =	sbr.rel @p0 .LBB2_6-.Ltmp2, $4  }
0x15f: {  	[tilespmem:s8+$0x330] =	vst v0  }
0x160: {  	[tilespmem:s8+$0x340] =	vst v0  }
0x161: {  	[tilespmem:s8+$0x350] =	vst v0  }
0x162: {  	[tilespmem:s8+$0x360] =	vst v0;
	s8 =	sshra.s32 s9, $0x2;
	s9 =	sadd.s32 $0x200, s9  }
0x163: {  	[tilespmem:s8+$0x370] =	vst v0  }
0x164: {  	[tilespmem:s8+$0x300] =	vst v0  }
0x165: {  	[tilespmem:s8+$0x310] =	vst v0  }
0x166: {  	[tilespmem:s8+$0x320] =	vst v0  }
0x167: {  	[tilespmem:s8+$0x330] =	vst v0  }
0x168: {  	[tilespmem:s8+$0x340] =	vst v0  }
0x169: {  	[tilespmem:s8+$0x350] =	vst v0  }
0x16a: {  	[tilespmem:s8+$0x360] =	vst v0  }
0x16b: {  	[spmem:s12] =	stream.linear.scatter [tilespmem:s25], [sflag:$0x2], $0x3C00, $0x38;
	[tilespmem:$0x1F300] =	vst v63  }
0x16c: {  	_ =	swait.ge [sflag:s26], $0x3C00  }
0x16d: {  	[sflag:s26] =	ssyncset.done $0x0  }
0x16e: {  	s9 =	rddreg [dreg:$0x1c];
	[sflag:s26] =	ssyncadd.s32 $0xFFFFC400  }
0x16f: {  	[spmem:s9] =	stream.linear.scatter [tilespmem:s25], [sflag:$0x2], $0x3C00, $0x38;
	[tilespmem:$0x1F300] =	vst v63  }
0x170: {  	_ =	swait.ge [sflag:s26], $0x3C00  }
0x171: {  	[sflag:s26] =	ssyncset.done $0x0  }
0x172: {  	s12 =	rddreg [dreg:$0x1d];
	[sflag:s26] =	ssyncadd.s32 $0xFFFFC400  }
0x173: {  	[spmem:s12] =	stream.linear.scatter [tilespmem:s25], [sflag:$0x2], $0x3C00, $0x38;
	[tilespmem:$0x1F300] =	vst v63  }
0x174: {  	_ =	swait.ge [sflag:s26], $0x3C00  }
0x175: {  	[sflag:s26] =	ssyncset.done $0x0  }
0x176: {  	s9 =	rddreg [dreg:$0x1e];
	[sflag:s26] =	ssyncadd.s32 $0xFFFFC400  }
0x177: {  	[spmem:s9] =	stream.linear.scatter [tilespmem:s25], [sflag:$0x2], $0x3C00, $0x38;
	[tilespmem:$0x1F300] =	vst v63  }
0x178: {  	_ =	swait.ge [sflag:s26], $0x3C00  }
0x179: {  	[sflag:s26] =	ssyncset.done $0x0  }
0x17a: {  	s12 =	rddreg [dreg:$0x1f];
	[sflag:s26] =	ssyncadd.s32 $0xFFFFC400  }
0x17b: {  	[spmem:s12] =	stream.linear.scatter [tilespmem:s25], [sflag:$0x2], $0x3C00, $0x38;
	[tilespmem:$0x1F300] =	vst v63  }
0x17c: {  	_ =	swait.ge [sflag:s26], $0x3C00  }
0x17d: {  	s9 =	sld [smem:$0x7F6]  }
0x17e: {  	[sflag:s26] =	ssyncset.done $0x0  }
0x17f: {  	[sflag:s26] =	ssyncadd.s32 $0xFFFFC400  }
0x180: {  	[spmem:s9] =	stream.linear.scatter [tilespmem:s25], [sflag:$0x2], $0x1000, $0x38;
	[tilespmem:$0x1F300] =	vst v63  }
0x181: {  	_ =	swait.ge [sflag:s26], $0x1000  }
0x182: {  	[sflag:s26] =	ssyncset.done $0x0  }
0x183: {  	[sflag:s26] =	ssyncadd.s32 $0xFFFFF000  }
0x184: {  	[bflag:$0x0] =	sbarrier.arrive $0xFFFF  }
0x185: {  	s8 =	simm.s32 $0x0;
	s9 =	rddreg [dreg:$0x17]  }
0x186: {  	[tilespmem:s8], [sflag:$0x2] =	stream.linear.gather [hbm4b:s9+s8], $0x78, $0x38;
	[tilespmem:$0x1F300] =	vst v63  }
0x187: {  	_ =	swait.ge [sflag:s26], $0x78  }
0x188: {  	[sflag:s26] =	ssyncset.done $0x0  }
0x189: {  	[sflag:s26] =	ssyncadd.s32 $0xFFFFFF88  }
0x18a: {  	[tilespmem:s19], [sflag:$0x2] =	stream.linear.gather [hbm4b:s21+s8], $0x78, $0x38;
	[tilespmem:$0x1F300] =	vst v63  }
0x18b: {  	_ =	swait.ge [sflag:s26], $0x78  }
0x18c: {  	[sflag:s26] =	ssyncset.done $0x0  }
0x18d: {  	[sflag:s26] =	ssyncadd.s32 $0xFFFFFF88  }
0x18e: {  	[tilespmem:s25], [sflag:$0x1] =	stream.indirect.gather [hbm4b:s3+s10], $0x80, s8, s10, $0xb8;
	[tilespmem:$0x1F300] =	vst v63  }
0x18f: {  	s12 =	rddreg [dreg:$0x18]  }
0x190: {  	[tilespmem:s11], [sflag:$0x2] =	stream.linear.gather [hbm4b:s12+s8], $0x78, $0x38;
	[tilespmem:$0x1F300] =	vst v63  }
0x191: {  	_ =	swait.ge [sflag:s26], $0x78  }
0x192: {  	[sflag:s26] =	ssyncset.done $0x0  }
0x193: {  	s21 =	rddreg [dreg:$0x10];
	[sflag:s26] =	ssyncadd.s32 $0xFFFFFF88  }
0x194: {  	[tilespmem:s20], [sflag:$0x2] =	stream.linear.gather [hbm4b:s21+s8], $0x78, $0x38;
	[tilespmem:$0x1F300] =	vst v63  }
0x195: {  	_ =	swait.ge [sflag:s26], $0x78  }
0x196: {  	[sflag:s26] =	ssyncset.done $0x0  }
0x197: {  	[sflag:s26] =	ssyncadd.s32 $0xFFFFFF88  }
0x198: {  	_ =	swait.ge [sflag:s22], $0x3C00  }
0x199: {  	[sflag:s22] =	ssyncset.done $0x0  }
0x19a: {  	[sflag:s22] =	ssyncadd.s32 $0xFFFFC400  }
0x19b: {  	[tilespmem:s24], [sflag:$0x1] =	stream.indirect.gather [hbm4b:s3+s10], $0x80, s11, s10, $0xb8;
	[tilespmem:$0x1F300] =	vst v63  }
0x19c: {  	_ = 	snop  }
0x19d: {  	[spmem:s1] =	stream.indirect.scatter.add.f32 [tilespmem:s25], [sflag:$0x2], $0x80, s19, s10, $0xb8;
	[tilespmem:$0x1F300] =	vst v63  }
0x19e: {  	_ =	swait.ge [sflag:s26], $0x3C00  }
0x19f: {  	s12 =	sld [smem:$0x7FB]  }
0x1a0: {  	[sflag:s26] =	ssyncset.done $0x0  }
0x1a1: {  	[sflag:s26] =	ssyncadd.s32 $0xFFFFC400  }
0x1a2: {  	[tilespmem:s23], [sflag:$0x2] =	stream.linear.gather [hbm4b:s12+s8], $0x78, $0x38;
	[tilespmem:$0x1F300] =	vst v63  }
0x1a3: {  	_ =	swait.ge [sflag:s26], $0x78  }
0x1a4: {  	s21 =	sld [smem:$0x7F9]  }
0x1a5: {  	[sflag:s26] =	ssyncset.done $0x0  }
0x1a6: {  	[sflag:s26] =	ssyncadd.s32 $0xFFFFFF88  }
0x1a7: {  	[tilespmem:s14], [sflag:$0x2] =	stream.linear.gather [hbm4b:s21+s8], $0x78, $0x38;
	[tilespmem:$0x1F300] =	vst v63  }
0x1a8: {  	_ =	swait.ge [sflag:s26], $0x78  }
0x1a9: {  	[sflag:s26] =	ssyncset.done $0x0  }
0x1aa: {  	[sflag:s26] =	ssyncadd.s32 $0xFFFFFF88  }
0x1ab: {  	_ =	swait.ge [sflag:s22], $0x3C00  }
0x1ac: {  	[sflag:s22] =	ssyncset.done $0x0  }
0x1ad: {  	[sflag:s22] =	ssyncadd.s32 $0xFFFFC400  }
0x1ae: {  	[tilespmem:s15], [sflag:$0x1] =	stream.indirect.gather [hbm4b:s3+s10], $0x80, s23, s10, $0xb8;
	[tilespmem:$0x1F300] =	vst v63  }
0x1af: {  	_ = 	snop  }
0x1b0: {  	[spmem:s1] =	stream.indirect.scatter.add.f32 [tilespmem:s24], [sflag:$0x2], $0x80, s20, s10, $0xb8;
	[tilespmem:$0x1F300] =	vst v63  }
0x1b1: {  	_ =	swait.ge [sflag:s26], $0x3C00  }
0x1b2: {  	[sflag:s26] =	ssyncset.done $0x0  }
0x1b3: {  	s12 =	rddreg [dreg:$0x19];
	[sflag:s26] =	ssyncadd.s32 $0xFFFFC400  }
0x1b4: {  	[tilespmem:s8], [sflag:$0x2] =	stream.linear.gather [hbm4b:s12+s8], $0x78, $0x38;
	[tilespmem:$0x1F300] =	vst v63  }
0x1b5: {  	_ =	swait.ge [sflag:s26], $0x78  }
0x1b6: {  	[sflag:s26] =	ssyncset.done $0x0  }
0x1b7: {  	s21 =	rddreg [dreg:$0x11];
	[sflag:s26] =	ssyncadd.s32 $0xFFFFFF88  }
0x1b8: {  	[tilespmem:s19], [sflag:$0x2] =	stream.linear.gather [hbm4b:s21+s8], $0x78, $0x38;
	[tilespmem:$0x1F300] =	vst v63  }
0x1b9: {  	_ =	swait.ge [sflag:s26], $0x78  }
0x1ba: {  	[sflag:s26] =	ssyncset.done $0x0  }
0x1bb: {  	[sflag:s26] =	ssyncadd.s32 $0xFFFFFF88  }
0x1bc: {  	_ =	swait.ge [sflag:s22], $0x3C00  }
0x1bd: {  	[sflag:s22] =	ssyncset.done $0x0  }
0x1be: {  	[sflag:s22] =	ssyncadd.s32 $0xFFFFC400  }
0x1bf: {  	[tilespmem:s25], [sflag:$0x1] =	stream.indirect.gather [hbm4b:s3+s10], $0x80, s8, s10, $0xb8;
	[tilespmem:$0x1F300] =	vst v63  }
0x1c0: {  	_ = 	snop  }
0x1c1: {  	[spmem:s1] =	stream.indirect.scatter.add.f32 [tilespmem:s15], [sflag:$0x2], $0x80, s14, s10, $0xb8;
	[tilespmem:$0x1F300] =	vst v63  }
0x1c2: {  	_ =	swait.ge [sflag:s26], $0x3C00  }
0x1c3: {  	[sflag:s26] =	ssyncset.done $0x0  }
0x1c4: {  	s9 =	sadd.s32 $0x0, s2;
	[sflag:s26] =	ssyncadd.s32 $0xFFFFC400  }
0x1c5: {  	[tilespmem:s11], [sflag:$0x2] =	stream.linear.gather [hbm4b:s9+s16], $0x78, $0x38;
	[tilespmem:$0x1F300] =	vst v63  }
0x1c6: {  	_ =	swait.ge [sflag:s26], $0x78  }
0x1c7: {  	s8 =	sadd.s32 $0x0, s18;
	[sflag:s26] =	ssyncset.done $0x0  }
0x1c8: {  	s12 =	sadd.s32 $0x3C, s8;
	[sflag:s26] =	ssyncadd.s32 $0xFFFFFF88  }
0x1c9: {  	[tilespmem:s20], [sflag:$0x2] =	stream.linear.gather [hbm4b:s12+s16], $0x78, $0x38;
	[tilespmem:$0x1F300] =	vst v63  }
0x1ca: {  	_ =	swait.ge [sflag:s26], $0x78  }
0x1cb: {  	[sflag:s26] =	ssyncset.done $0x0  }
0x1cc: {  	[sflag:s26] =	ssyncadd.s32 $0xFFFFFF88  }
0x1cd: {  	_ =	swait.ge [sflag:s22], $0x3C00  }
0x1ce: {  	[sflag:s22] =	ssyncset.done $0x0  }
0x1cf: {  	[sflag:s22] =	ssyncadd.s32 $0xFFFFC400  }
0x1d0: {  	[tilespmem:s24], [sflag:$0x1] =	stream.indirect.gather [hbm4b:s3+s10], $0x80, s11, s10, $0xb8;
	[tilespmem:$0x1F300] =	vst v63  }
0x1d1: {  	_ = 	snop  }
0x1d2: {  	[spmem:s1] =	stream.indirect.scatter.add.f32 [tilespmem:s25], [sflag:$0x2], $0x80, s19, s10, $0xb8;
	[tilespmem:$0x1F300] =	vst v63  }
0x1d3: {  	_ =	swait.ge [sflag:s26], $0x3C00  }
0x1d4: {  	[sflag:s26] =	ssyncset.done $0x0  }
0x1d5: {  	s21 =	sadd.s32 $0x0, s0;
	[sflag:s26] =	ssyncadd.s32 $0xFFFFC400  }
0x1d6: {  	[tilespmem:s23], [sflag:$0x2] =	stream.linear.gather [hbm4b:s21+s16], $0x78, $0x38;
	[tilespmem:$0x1F300] =	vst v63  }
0x1d7: {  	_ =	swait.ge [sflag:s26], $0x78  }
0x1d8: {  	[sflag:s26] =	ssyncset.done $0x0  }
0x1d9: {  	s12 =	sadd.s32 $0x4B, s8;
	[sflag:s26] =	ssyncadd.s32 $0xFFFFFF88  }
0x1da: {  	[tilespmem:s14], [sflag:$0x2] =	stream.linear.gather [hbm4b:s12+s16], $0x78, $0x38;
	[tilespmem:$0x1F300] =	vst v63  }
0x1db: {  	_ =	swait.ge [sflag:s26], $0x78  }
0x1dc: {  	[sflag:s26] =	ssyncset.done $0x0  }
0x1dd: {  	[sflag:s26] =	ssyncadd.s32 $0xFFFFFF88  }
0x1de: {  	_ =	swait.ge [sflag:s22], $0x3C00  }
0x1df: {  	[sflag:s22] =	ssyncset.done $0x0  }
0x1e0: {  	[sflag:s22] =	ssyncadd.s32 $0xFFFFC400  }
0x1e1: {  	[tilespmem:s15], [sflag:$0x1] =	stream.indirect.gather [hbm4b:s3+s10], $0x80, s23, s10, $0xb8;
	[tilespmem:$0x1F300] =	vst v63  }
0x1e2: {  	_ = 	snop  }
0x1e3: {  	[spmem:s1] =	stream.indirect.scatter.add.f32 [tilespmem:s24], [sflag:$0x2], $0x80, s20, s10, $0xb8;
	[tilespmem:$0x1F300] =	vst v63  }
0x1e4: {  	_ =	swait.ge [sflag:s26], $0x3C00  }
0x1e5: {  	[sflag:s26] =	ssyncset.done $0x0  }
0x1e6: {  	s21 =	sadd.s32 $0x0, s31;
	[sflag:s26] =	ssyncadd.s32 $0xFFFFC400  }
0x1e7: {  	[tilespmem:s16], [sflag:$0x2] =	stream.linear.gather [hbm4b:s21+s16], $0x78, $0x38;
	[tilespmem:$0x1F300] =	vst v63  }
0x1e8: {  	_ =	swait.ge [sflag:s26], $0x78  }
0x1e9: {  	[sflag:s26] =	ssyncset.done $0x0  }
0x1ea: {  	s8 =	sadd.s32 $0x5A, s8;
	[sflag:s26] =	ssyncadd.s32 $0xFFFFFF88  }
0x1eb: {  	[tilespmem:s19], [sflag:$0x2] =	stream.linear.gather [hbm4b:s8+s16], $0x78, $0x38;
	[tilespmem:$0x1F300] =	vst v63  }
0x1ec: {  	_ =	swait.ge [sflag:s26], $0x78  }
0x1ed: {  	[sflag:s26] =	ssyncset.done $0x0  }
0x1ee: {  	[sflag:s26] =	ssyncadd.s32 $0xFFFFFF88  }
0x1ef: {  	_ =	swait.ge [sflag:s22], $0x3C00  }
0x1f0: {  	[sflag:s22] =	ssyncset.done $0x0  }
0x1f1: {  	[sflag:s22] =	ssyncadd.s32 $0xFFFFC400  }
0x1f2: {  	[tilespmem:s25], [sflag:$0x1] =	stream.indirect.gather [hbm4b:s3+s10], $0x80, s16, s10, $0xb8;
	[tilespmem:$0x1F300] =	vst v63  }
0x1f3: {  	_ = 	snop  }
0x1f4: {  	[spmem:s1] =	stream.indirect.scatter.add.f32 [tilespmem:s15], [sflag:$0x2], $0x80, s14, s10, $0xb8;
	[tilespmem:$0x1F300] =	vst v63  }
0x1f5: {  	_ =	swait.ge [sflag:s26], $0x3C00  }
0x1f6: {  	s8 =	simm.s32 $0x2D;
	[sflag:s26] =	ssyncset.done $0x0  }
.LBB2_8:
0x1f7: {  	p0 =	sne.s32 s8, $0x951  }
0x1f8: {  	[sflag:s26] =	ssyncadd.s32 $0xFFFFC400;
	s9 =	smov.u32 s8;
	s8 =	sadd.s32 $0x2D, s8  }
0x1f9: {  	s12 =	sadd.s32 s9, s2  }
0x1fa: {  	[tilespmem:s11], [sflag:$0x2] =	stream.linear.gather [hbm4b:s12+s16], $0x78, $0x38;
	[tilespmem:$0x1F300] =	vst v63  }
0x1fb: {  	_ =	swait.ge [sflag:s26], $0x78  }
0x1fc: {  	s12 =	sadd.s32 s9, s18;
	[sflag:s26] =	ssyncset.done $0x0  }
0x1fd: {  	s21 =	sadd.s32 $0x3C, s12;
	[sflag:s26] =	ssyncadd.s32 $0xFFFFFF88  }
0x1fe: {  	[tilespmem:s20], [sflag:$0x2] =	stream.linear.gather [hbm4b:s21+s16], $0x78, $0x38;
	[tilespmem:$0x1F300] =	vst v63  }
0x1ff: {  	_ =	swait.ge [sflag:s26], $0x78  }
0x200: {  	[sflag:s26] =	ssyncset.done $0x0  }
0x201: {  	[sflag:s26] =	ssyncadd.s32 $0xFFFFFF88  }
0x202: {  	_ =	swait.ge [sflag:s22], $0x3C00  }
0x203: {  	[sflag:s22] =	ssyncset.done $0x0  }
0x204: {  	[sflag:s22] =	ssyncadd.s32 $0xFFFFC400  }
0x205: {  	[tilespmem:s24], [sflag:$0x1] =	stream.indirect.gather [hbm4b:s3+s10], $0x80, s11, s10, $0xb8;
	[tilespmem:$0x1F300] =	vst v63  }
0x206: {  	_ = 	snop  }
0x207: {  	[spmem:s1] =	stream.indirect.scatter.add.f32 [tilespmem:s25], [sflag:$0x2], $0x80, s19, s10, $0xb8;
	[tilespmem:$0x1F300] =	vst v63  }
0x208: {  	_ =	swait.ge [sflag:s26], $0x3C00  }
0x209: {  	[sflag:s26] =	ssyncset.done $0x0  }
0x20a: {  	s21 =	sadd.s32 s9, s0;
	[sflag:s26] =	ssyncadd.s32 $0xFFFFC400  }
0x20b: {  	[tilespmem:s23], [sflag:$0x2] =	stream.linear.gather [hbm4b:s21+s16], $0x78, $0x38;
	[tilespmem:$0x1F300] =	vst v63  }
0x20c: {  	_ =	swait.ge [sflag:s26], $0x78  }
0x20d: {  	[sflag:s26] =	ssyncset.done $0x0  }
0x20e: {  	s21 =	sadd.s32 $0x4B, s12;
	[sflag:s26] =	ssyncadd.s32 $0xFFFFFF88  }
0x20f: {  	[tilespmem:s14], [sflag:$0x2] =	stream.linear.gather [hbm4b:s21+s16], $0x78, $0x38;
	[tilespmem:$0x1F300] =	vst v63  }
0x210: {  	_ =	swait.ge [sflag:s26], $0x78  }
0x211: {  	[sflag:s26] =	ssyncset.done $0x0  }
0x212: {  	[sflag:s26] =	ssyncadd.s32 $0xFFFFFF88  }
0x213: {  	_ =	swait.ge [sflag:s22], $0x3C00  }
0x214: {  	[sflag:s22] =	ssyncset.done $0x0  }
0x215: {  	[sflag:s22] =	ssyncadd.s32 $0xFFFFC400  }
0x216: {  	[tilespmem:s15], [sflag:$0x1] =	stream.indirect.gather [hbm4b:s3+s10], $0x80, s23, s10, $0xb8;
	[tilespmem:$0x1F300] =	vst v63  }
0x217: {  	_ = 	snop  }
0x218: {  	[spmem:s1] =	stream.indirect.scatter.add.f32 [tilespmem:s24], [sflag:$0x2], $0x80, s20, s10, $0xb8;
	[tilespmem:$0x1F300] =	vst v63  }
0x219: {  	_ =	swait.ge [sflag:s26], $0x3C00  }
0x21a: {  	[sflag:s26] =	ssyncset.done $0x0  }
0x21b: {  	s9 =	sadd.s32 s9, s31;
	[sflag:s26] =	ssyncadd.s32 $0xFFFFC400  }
0x21c: {  	[tilespmem:s16], [sflag:$0x2] =	stream.linear.gather [hbm4b:s9+s16], $0x78, $0x38;
	[tilespmem:$0x1F300] =	vst v63  }
0x21d: {  	_ =	swait.ge [sflag:s26], $0x78  }
0x21e: {  	[sflag:s26] =	ssyncset.done $0x0  }
0x21f: {  	s9 =	sadd.s32 $0x5A, s12;
	[sflag:s26] =	ssyncadd.s32 $0xFFFFFF88  }
0x220: {  	[tilespmem:s19], [sflag:$0x2] =	stream.linear.gather [hbm4b:s9+s16], $0x78, $0x38;
	[tilespmem:$0x1F300] =	vst v63  }
0x221: {  	_ =	swait.ge [sflag:s26], $0x78  }
0x222: {  	[sflag:s26] =	ssyncset.done $0x0  }
0x223: {  	[sflag:s26] =	ssyncadd.s32 $0xFFFFFF88  }
0x224: {  	_ =	swait.ge [sflag:s22], $0x3C00  }
0x225: {  	[sflag:s22] =	ssyncset.done $0x0  }
0x226: {  	[sflag:s22] =	ssyncadd.s32 $0xFFFFC400  }
0x227: {  	[tilespmem:s25], [sflag:$0x1] =	stream.indirect.gather [hbm4b:s3+s10], $0x80, s16, s10, $0xb8;
	[tilespmem:$0x1F300] =	vst v63  }
.Ltmp3:
0x228: {  	_ = 	snop;
	(pc) =	sbr.rel @p0 .LBB2_8-.Ltmp3, $4  }
0x229: {  	_ = 	snop  }
0x22a: {  	[spmem:s1] =	stream.indirect.scatter.add.f32 [tilespmem:s15], [sflag:$0x2], $0x80, s14, s10, $0xb8;
	[tilespmem:$0x1F300] =	vst v63  }
0x22b: {  	_ =	swait.ge [sflag:s26], $0x3C00  }
0x22c: {  	[sflag:s26] =	ssyncset.done $0x0  }
0x22d: {  	s8 =	sld [smem:$0x7FC];
	_ =	sdelay $0x1  }
0x22e: {  	[sflag:s26] =	ssyncadd.s32 $0xFFFFC400  }
0x22f: {  	[tilespmem:s11], [sflag:$0x2] =	stream.linear.gather [hbm4b:s8+s16], $0x78, $0x38;
	[tilespmem:$0x1F300] =	vst v63  }
0x230: {  	_ =	swait.ge [sflag:s26], $0x78  }
0x231: {  	s9 =	sld [smem:$0x7FD]  }
0x232: {  	[sflag:s26] =	ssyncset.done $0x0  }
0x233: {  	[sflag:s26] =	ssyncadd.s32 $0xFFFFFF88  }
0x234: {  	[tilespmem:s20], [sflag:$0x2] =	stream.linear.gather [hbm4b:s9+s16], $0x78, $0x38;
	[tilespmem:$0x1F300] =	vst v63  }
0x235: {  	_ =	swait.ge [sflag:s26], $0x78  }
0x236: {  	[sflag:s26] =	ssyncset.done $0x0  }
0x237: {  	[sflag:s26] =	ssyncadd.s32 $0xFFFFFF88  }
0x238: {  	_ =	swait.ge [sflag:s22], $0x3C00  }
0x239: {  	[sflag:s22] =	ssyncset.done $0x0  }
0x23a: {  	[sflag:s22] =	ssyncadd.s32 $0xFFFFC400  }
0x23b: {  	[tilespmem:s24], [sflag:$0x1] =	stream.indirect.gather [hbm4b:s3+s10], $0x80, s11, s10, $0xb8;
	[tilespmem:$0x1F300] =	vst v63  }
0x23c: {  	_ = 	snop  }
0x23d: {  	[spmem:s1] =	stream.indirect.scatter.add.f32 [tilespmem:s25], [sflag:$0x2], $0x80, s19, s10, $0xb8;
	[tilespmem:$0x1F300] =	vst v63  }
0x23e: {  	_ =	swait.ge [sflag:s26], $0x3C00  }
0x23f: {  	[sflag:s26] =	ssyncset.done $0x0  }
0x240: {  	s21 =	rddreg [dreg:$0x1a];
	[sflag:s26] =	ssyncadd.s32 $0xFFFFC400  }
0x241: {  	[tilespmem:s23], [sflag:$0x2] =	stream.linear.gather [hbm4b:s21+s16], $0x78, $0x38;
	[tilespmem:$0x1F300] =	vst v63  }
0x242: {  	_ =	swait.ge [sflag:s26], $0x78  }
0x243: {  	[sflag:s26] =	ssyncset.done $0x0  }
0x244: {  	s12 =	rddreg [dreg:$0x12];
	[sflag:s26] =	ssyncadd.s32 $0xFFFFFF88  }
0x245: {  	[tilespmem:s14], [sflag:$0x2] =	stream.linear.gather [hbm4b:s12+s16], $0x78, $0x38;
	[tilespmem:$0x1F300] =	vst v63  }
0x246: {  	_ =	swait.ge [sflag:s26], $0x78  }
0x247: {  	[sflag:s26] =	ssyncset.done $0x0  }
0x248: {  	[sflag:s26] =	ssyncadd.s32 $0xFFFFFF88  }
0x249: {  	_ =	swait.ge [sflag:s22], $0x3C00  }
0x24a: {  	[sflag:s22] =	ssyncset.done $0x0  }
0x24b: {  	[sflag:s22] =	ssyncadd.s32 $0xFFFFC400  }
0x24c: {  	[tilespmem:s15], [sflag:$0x1] =	stream.indirect.gather [hbm4b:s3+s10], $0x80, s23, s10, $0xb8;
	[tilespmem:$0x1F300] =	vst v63  }
0x24d: {  	_ = 	snop  }
0x24e: {  	[spmem:s1] =	stream.indirect.scatter.add.f32 [tilespmem:s24], [sflag:$0x2], $0x80, s20, s10, $0xb8;
	[tilespmem:$0x1F300] =	vst v63  }
0x24f: {  	_ =	swait.ge [sflag:s26], $0x3C00  }
0x250: {  	[sflag:s26] =	ssyncset.done $0x0  }
0x251: {  	[sflag:s26] =	ssyncadd.s32 $0xFFFFC400  }
0x252: {  	_ =	swait.ge [sflag:s22], $0x3C00  }
0x253: {  	[sflag:s22] =	ssyncset.done $0x0  }
0x254: {  	[sflag:s22] =	ssyncadd.s32 $0xFFFFC400  }
0x255: {  	[spmem:s1] =	stream.indirect.scatter.add.f32 [tilespmem:s15], [sflag:$0x2], $0x80, s14, s10, $0xb8;
	[tilespmem:$0x1F300] =	vst v63  }
0x256: {  	_ =	swait.ge [sflag:s26], $0x3C00  }
0x257: {  	[sflag:s26] =	ssyncset.done $0x0  }
0x258: {  	[sflag:s26] =	ssyncadd.s32 $0xFFFFC400  }
0x259: {  	[bflag:$0x0] =	sbarrier.arrive $0xFFFF  }
0x25a: {  	s12 =	sld [smem:$0x7F4];
	_ =	sdelay $0x1  }
0x25b: {  	s21 =	rddreg [dreg:$0x9]  }
0x25c: {  	[hbm:s21], [sflag:s13] =	dma.local [spmem:s12], $0x780  }
0x25d: {  	_ =	swait.ge [sflag:s26], $0x780  }
0x25e: {  	s21 =	sld [smem:$0x7F5]  }
0x25f: {  	[sflag:s26] =	ssyncset.done $0x0  }
0x260: {  	s12 =	rddreg [dreg:$0xa];
	[sflag:s26] =	ssyncadd.s32 $0xFFFFF880  }
0x261: {  	[hbm:s12], [sflag:s13] =	dma.local [spmem:s21], $0x780  }
0x262: {  	_ =	swait.ge [sflag:s26], $0x780  }
0x263: {  	[sflag:s26] =	ssyncset.done $0x0  }
0x264: {  	s12 =	rddreg [dreg:$0xb];
	[sflag:s26] =	ssyncadd.s32 $0xFFFFF880  }
0x265: {  	[hbm:s12], [sflag:s13] =	dma.local [spmem:s4], $0x780  }
0x266: {  	_ =	swait.ge [sflag:s26], $0x780  }
0x267: {  	[sflag:s26] =	ssyncset.done $0x0  }
0x268: {  	s21 =	rddreg [dreg:$0xc];
	[sflag:s26] =	ssyncadd.s32 $0xFFFFF880  }
0x269: {  	[hbm:s21], [sflag:s13] =	dma.local [spmem:s5], $0x780  }
0x26a: {  	_ =	swait.ge [sflag:s26], $0x780  }
0x26b: {  	[sflag:s26] =	ssyncset.done $0x0  }
0x26c: {  	s8 =	rddreg [dreg:$0xd];
	[sflag:s26] =	ssyncadd.s32 $0xFFFFF880  }
0x26d: {  	[hbm:s8], [sflag:s13] =	dma.local [spmem:s6], $0x780  }
0x26e: {  	_ =	swait.ge [sflag:s26], $0x780  }
0x26f: {  	[sflag:s26] =	ssyncset.done $0x0  }
0x270: {  	s12 =	rddreg [dreg:$0xe];
	[sflag:s26] =	ssyncadd.s32 $0xFFFFF880  }
0x271: {  	[hbm:s12], [sflag:s13] =	dma.local [spmem:s7], $0x200  }
0x272: {  	_ =	swait.ge [sflag:s26], $0x200  }
0x273: {  	s21 =	sld [smem:$0x7F7];
	_ =	sdelay $0x1  }
0x274: {  	s17 =	sadd.s32 $0x1, s17  }
0x275: {  	p0 =	sne.s32 s17, s21  }
.Ltmp4:
0x276: {  	_ = 	snop;
	(pc) =	sbr.rel @p0 .LBB2_1-.Ltmp4, $4  }
0x277: {  	[sflag:s26] =	ssyncset.done $0x0  }
0x278: {  	[sflag:s26] =	ssyncadd.s32 $0xFFFFFE00  }
0x279: {  	[bflag:$0x0] =	sbarrier.arrive $0xFFFF  }
0x27a: {  	s21 =	rddreg [dreg:$0xf]  }
0x27b: {  	_ =	sfence.sel $0x180000  }
0x27c: {  	[bflag:$0x0] =	sbarrier.arrive $0xFFFF  }
0x27d: {  	_ =	strace $0x9000004A  }
0x27e: {  	s0 =	stileid.u32;
	[bflag:$0x2] =	sbarrier.arrive $0xFFFF  }
0x27f: {  	p0 =	sne.s32 s0, $0x0;
	s0 =	rddreg [dreg:$0x2]  }
0x280: {  	s0 =	sadd.s32 @!p0 $0x100000, s0  }
0x281: {  	[sflag:s0] =	ssyncadd.tile.s32 @!p0 $0x1;
	_ =	shalt  }
.Lfunc_end2:
_tile_overlayer_lowered:
.L_overlay_start_2:
0x282: {  	(tag) =	ssettag $0x2  }
0x283: {  	s0 =	rddreg [dreg:$0x0];
	s2 =	stileid.u32  }
0x284: {  	s1 =	rddreg [dreg:$0x1];
	p0 =	sne.s32 s2, $0x0  }
0x285: {  	s3 =	rddreg [dreg:$0x2];
	[bflag:$0x3] =	sbarrier.arrive $0xFFFF;
	s2 =	simm.s32 @!p0 $0x1C02  }
0x286: {  	[timem:s3], [sflag:s2] =	dma.local @!p0 [hbm:s0], s1  }
0x287: {  	s0 =	simm.s32 @!p0 $0x2  }
0x288: {  	_ =	swait.ge @!p0 [sflag:s0], s1  }
0x289: {  	s1 =	ssub.s32 @!p0 $0x0, s1;
	[sflag:s0] =	ssyncset.done @!p0 $0x0  }
0x28a: {  	[sflag:s0] =	ssyncadd.s32 @!p0 s1  }
0x28b: {  	[bflag:$0x3] =	sbarrier.arrive $0xFFFF  }
0x28c: {  	_ =	shalt  }

</sc_bundles>
